<compile_context>
chip_gen: v7x
topology: tpu7x:2x2x1
jax: 0.10.2.dev20260603
libtpu: 0.0.44.dev20260713+nightly
codegen_flags: <defaults>
</compile_context>

<pallas_src>
import functools

import jax
import jax.numpy as jnp
from jax import lax
from jax.experimental import pallas as pl
from jax.experimental.pallas import tpu as pltpu
from jax.experimental.pallas import tpu_sc as plsc

N_NODES = 10000
D_FEAT = 128
HIDDEN = 256
N_CLASSES = 40
N_EDGES = 320000

NC = 2
NS = 16
NW = NC * NS
CH = 128
NCH = 80
BLK = 8
NBLK = NCH // BLK
EPT = NCH * CH
E_PAD = NW * EPT
NPAD = 10112
ROWS_PT = NPAD // NS
L2W = 128

ROW_BLOCK = 1264
FIN_BLOCK = 400


def _sc_mesh():
    return plsc.VectorSubcoreMesh(core_axis_name="c", subcore_axis_name="s")


@functools.partial(
    pl.kernel,
    mesh=_sc_mesh(),
    compiler_params=pltpu.CompilerParams(needs_layout_passes=False),
    out_type=jax.ShapeDtypeStruct((NC, NS, NPAD), jnp.float32),
    scratch_types=[
        pltpu.VMEM((NCH, CH), jnp.int32),
        pltpu.VMEM((NPAD,), jnp.float32),
    ],
)
def _deg_kernel(dst_hbm, zero_hbm, out_hbm, idx_v, hist_v):
    c = lax.axis_index("c")
    s = lax.axis_index("s")
    wid = s * NC + c
    pltpu.sync_copy(zero_hbm, hist_v)
    pltpu.sync_copy(dst_hbm.at[wid], idx_v)
    ones = jnp.full((16,), 1.0, jnp.float32)

    def body(j, carry):
        for t in range(CH // 16):
            idx = idx_v[j, pl.ds(t * 16, 16)]
            plsc.addupdate_scatter(hist_v, [idx], ones)
        return carry

    lax.fori_loop(0, NCH, body, 0)
    pltpu.sync_copy(hist_v, out_hbm.at[c, s])


def _make_agg_kernel(D):
    @functools.partial(
        pl.kernel,
        mesh=_sc_mesh(),
        out_type=jax.ShapeDtypeStruct((NC, NS, ROWS_PT, D), jnp.float32),
        scratch_types=[
            pltpu.VMEM((BLK, CH), jnp.int32),
            pltpu.VMEM((BLK, CH), jnp.int32),
            pltpu.VMEM((NCH, CH), jnp.int32),
            pltpu.VMEM((CH, D), jnp.float32),
            pltpu.VMEM((CH, D), jnp.float32),
            pltpu.VMEM_SHARED((NPAD, D), jnp.float32),
            pltpu.SemaphoreType.DMA,
            pltpu.SemaphoreType.DMA,
            pltpu.SemaphoreType.DMA,
            pltpu.SemaphoreType.DMA,
            pltpu.SemaphoreType.DMA,
            pltpu.SemaphoreType.DMA,
        ],
    )
    def _agg(g_hbm, src_hbm, dst_hbm, zero_hbm, out_hbm,
             si0_v, si1_v, di_v, rows0_v, rows1_v, acc_sh,
             sem_s0, sem_s1, sem_g0, sem_g1, sem_c0, sem_c1):
        c = lax.axis_index("c")
        s = lax.axis_index("s")
        wid = s * NC + c
        si = (si0_v, si1_v)
        sem_s = (sem_s0, sem_s1)
        rows = (rows0_v, rows1_v)
        sem_g = (sem_g0, sem_g1)
        sem_c = (sem_c0, sem_c1)

        pltpu.async_copy(src_hbm.at[wid, pl.ds(0, BLK)], si0_v, sem_s0)
        pltpu.async_copy(src_hbm.at[wid, pl.ds(BLK, BLK)], si1_v, sem_s1)
        pltpu.sync_copy(dst_hbm.at[wid], di_v)
        pltpu.sync_copy(zero_hbm, acc_sh.at[pl.ds(s * ROWS_PT, ROWS_PT)])
        plsc.subcore_barrier()

        pltpu.make_async_copy(
            src_hbm.at[wid, pl.ds(0, BLK)], si0_v, sem_s0).wait()
        pltpu.async_copy(g_hbm.at[si0_v.at[0]], rows0_v, sem_g0)

        def half_body(p, half):
            b = 2 * p + half
            sbuf = si[half]
            for k in range(BLK):
                j = b * BLK + k
                rp = k % 2
                gp = (k + 1) % 2

                if k == 0 and half == 0:
                    @pl.when(b > 0)
                    def _drain_prev():
                        pltpu.make_async_copy(
                            rows[gp], acc_sh.at[di_v.at[0]], sem_c[gp]).wait()
                else:
                    pltpu.make_async_copy(
                        rows[gp], acc_sh.at[di_v.at[0]], sem_c[gp]).wait()

                if k < BLK - 1:
                    pltpu.async_copy(g_hbm.at[sbuf.at[k + 1]],
                                     rows[gp], sem_g[gp])
                else:
                    nhalf = 1 - half

                    @pl.when(b + 1 < NBLK)
                    def _next_block():
                        pltpu.make_async_copy(
                            src_hbm.at[wid, pl.ds(0, BLK)],
                            si[nhalf], sem_s[nhalf]).wait()
                        pltpu.async_copy(g_hbm.at[si[nhalf].at[0]],
                                         rows[gp], sem_g[gp])

                pltpu.make_async_copy(g_hbm.at[sbuf.at[k]],
                                      rows[rp], sem_g[rp]).wait()
                pltpu.async_copy(rows[rp], acc_sh.at[di_v.at[j]],
                                 sem_c[rp], add=True)

            @pl.when(b + 2 < NBLK)
            def _prefetch():
                pltpu.async_copy(
                    src_hbm.at[wid, pl.ds((b + 2) * BLK, BLK)],
                    sbuf, sem_s[half])

        def pair_body(p, carry):
            half_body(p, 0)
            half_body(p, 1)
            return carry

        lax.fori_loop(0, NBLK // 2, pair_body, 0)
        pltpu.make_async_copy(rows[1], acc_sh.at[di_v.at[0]], sem_c[1]).wait()
        plsc.subcore_barrier()
        pltpu.sync_copy(acc_sh.at[pl.ds(s * ROWS_PT, ROWS_PT)], out_hbm.at[c, s])

    return _agg


_agg_kernel_l1 = _make_agg_kernel(D_FEAT)
_agg_kernel_l2 = _agg_kernel_l1


def _prep_body(deg_ref, x_ref, g_ref, dinv_ref):
    h = deg_ref[...]
    deg = jnp.sum(h, axis=1, keepdims=True) + 1.0
    dinv = lax.rsqrt(deg)
    dinv_ref[...] = dinv
    g_ref[...] = x_ref[...] * dinv


def _prep_call(deg_parts, xp):
    grid = NPAD // ROW_BLOCK
    return pl.pallas_call(
        _prep_body,
        grid=(grid,),
        in_specs=[
            pl.BlockSpec((ROW_BLOCK, NW), lambda i: (i, 0)),
            pl.BlockSpec((ROW_BLOCK, D_FEAT), lambda i: (i, 0)),
        ],
        out_specs=[
            pl.BlockSpec((ROW_BLOCK, D_FEAT), lambda i: (i, 0)),
            pl.BlockSpec((ROW_BLOCK, 1), lambda i: (i, 0)),
        ],
        out_shape=[
            jax.ShapeDtypeStruct((NPAD, D_FEAT), jnp.float32),
            jax.ShapeDtypeStruct((NPAD, 1), jnp.float32),
        ],
    )(deg_parts, xp)


def _mid_body(acc_ref, g_ref, dinv_ref, w1_ref, b1_ref, w2_ref, g2_ref):
    a = acc_ref[...]
    dinv = dinv_ref[...]
    agg = (a[0] + a[1] + g_ref[...]) * dinv
    h1 = jnp.dot(agg, w1_ref[...], preferred_element_type=jnp.float32,
                 precision=lax.Precision.HIGHEST)
    h1 = jnp.maximum(h1 + b1_ref[...], 0.0)
    p = jnp.dot(h1, w2_ref[...], preferred_element_type=jnp.float32,
                precision=lax.Precision.HIGHEST)
    g2_ref[...] = p * dinv


def _mid_call(acc_parts, g, dinv, W1, b1, W2p):
    grid = NPAD // ROW_BLOCK
    return pl.pallas_call(
        _mid_body,
        grid=(grid,),
        in_specs=[
            pl.BlockSpec((NC, ROW_BLOCK, D_FEAT), lambda i: (0, i, 0)),
            pl.BlockSpec((ROW_BLOCK, D_FEAT), lambda i: (i, 0)),
            pl.BlockSpec((ROW_BLOCK, 1), lambda i: (i, 0)),
            pl.BlockSpec((D_FEAT, HIDDEN), lambda i: (0, 0)),
            pl.BlockSpec((1, HIDDEN), lambda i: (0, 0)),
            pl.BlockSpec((HIDDEN, L2W), lambda i: (0, 0)),
        ],
        out_specs=pl.BlockSpec((ROW_BLOCK, L2W), lambda i: (i, 0)),
        out_shape=jax.ShapeDtypeStruct((NPAD, L2W), jnp.float32),
    )(acc_parts, g, dinv, W1, b1, W2p)


def _fin_body(acc_ref, g2_ref, dinv_ref, b2_ref, out_ref):
    a = acc_ref[...]
    z = (a[0] + a[1] + g2_ref[...]) * dinv_ref[...]
    z = z[:, :N_CLASSES] + b2_ref[...]
    m = jnp.max(z, axis=1, keepdims=True)
    zm = z - m
    lse = jnp.log(jnp.sum(jnp.exp(zm), axis=1, keepdims=True))
    out_ref[...] = zm - lse


def _fin_call(acc2_parts, g2, dinv, b2):
    grid = N_NODES // FIN_BLOCK
    return pl.pallas_call(
        _fin_body,
        grid=(grid,),
        in_specs=[
            pl.BlockSpec((NC, FIN_BLOCK, L2W), lambda i: (0, i, 0)),
            pl.BlockSpec((FIN_BLOCK, L2W), lambda i: (i, 0)),
            pl.BlockSpec((FIN_BLOCK, 1), lambda i: (i, 0)),
            pl.BlockSpec((1, N_CLASSES), lambda i: (0, 0)),
        ],
        out_specs=pl.BlockSpec((FIN_BLOCK, N_CLASSES), lambda i: (i, 0)),
        out_shape=jax.ShapeDtypeStruct((N_NODES, N_CLASSES), jnp.float32),
    )(acc2_parts, g2, dinv, b2)


def kernel(x, edge_index, W1, b1, W2, b2):
    n_extra = E_PAD - N_EDGES
    pad_ids = jnp.arange(n_extra, dtype=jnp.int32)
    src = jnp.concatenate(
        [edge_index[0].astype(jnp.int32), pad_ids % N_NODES]).reshape(NW, NCH, CH)
    dst = jnp.concatenate(
        [edge_index[1].astype(jnp.int32),
         N_NODES + pad_ids % (NPAD - N_NODES)]).reshape(NW, NCH, CH)

    xp = jnp.pad(x, ((0, NPAD - N_NODES), (0, 0)))
    zero_hist = jnp.zeros((NPAD,), jnp.float32)
    zero_128 = jnp.zeros((ROWS_PT, D_FEAT), jnp.float32)
    W2p = jnp.pad(W2, ((0, 0), (0, L2W - N_CLASSES)))
    b1r = b1.reshape(1, HIDDEN)
    b2r = b2.reshape(1, N_CLASSES)

    deg_parts = _deg_kernel(dst, zero_hist)
    deg_t = deg_parts.reshape(NW, NPAD).T

    g, dinv = _prep_call(deg_t, xp)

    acc = _agg_kernel_l1(g, src, dst, zero_128)
    acc = acc.reshape(NC, NPAD, D_FEAT)

    g2 = _mid_call(acc, g, dinv, W1, b1r, W2p)

    acc2 = _agg_kernel_l2(g2, src, dst, zero_128)
    acc2 = acc2.reshape(NC, NPAD, L2W)

    return _fin_call(acc2, g2, dinv, b2r)

# --- scband reference (transcript-rebuilt; emitter-appended) ---
"""Pipeline reference for scband-gcn-9998683865528 (READ-ONLY COPY).

The authoritative reference and input builder live on the scoring server;
editing this copy changes nothing except your own understanding.
"""

import jax, jax.numpy as jnp
import numpy as np

N_NODES = 10000
D_FEAT = 128
HIDDEN = 256
N_CLASSES = 40
N_EDGES = 320000


def gcn_conv(x, edge_index, W, b, num_nodes):
    # Linear transform
    h = x @ W
    src = edge_index[0]
    dst = edge_index[1]
    # Add self-loops (as torch_geometric GCNConv does by default)
    loop = jnp.arange(num_nodes, dtype=edge_index.dtype)
    src = jnp.concatenate([src, loop])
    dst = jnp.concatenate([dst, loop])
    # Symmetric normalization D^{-1/2} A_hat D^{-1/2}
    ones = jnp.ones(src.shape[0], dtype=h.dtype)
    deg = jnp.zeros((num_nodes,), dtype=h.dtype).at[dst].add(ones)
    deg_inv_sqrt = jnp.where(deg > 0, jax.lax.rsqrt(deg), 0.0)
    norm = deg_inv_sqrt[src] * deg_inv_sqrt[dst]
    # Gather messages, scale, scatter-add to destination nodes
    msgs = h[src] * norm[:, None]
    out = jax.ops.segment_sum(msgs, dst, num_segments=num_nodes)
    return out + b


def setup_inputs(seed: int = 0) -> dict:
    key = jax.random.key(seed)
    k_x, k_e, k_w1, k_b1, k_w2, k_b2 = jax.random.split(key, 6)
    x = jax.random.normal(k_x, (N_NODES, D_FEAT), dtype=jnp.float32)
    edge_index = jax.random.randint(k_e, (2, N_EDGES), 0, N_NODES, dtype=jnp.int64)
    s1 = 1.0 / np.sqrt(D_FEAT)
    s2 = 1.0 / np.sqrt(HIDDEN)
    W1 = jax.random.uniform(k_w1, (D_FEAT, HIDDEN), minval=-s1, maxval=s1, dtype=jnp.float32)
    b1 = jax.random.uniform(k_b1, (HIDDEN,), minval=-s1, maxval=s1, dtype=jnp.float32)
    W2 = jax.random.uniform(k_w2, (HIDDEN, N_CLASSES), minval=-s2, maxval=s2, dtype=jnp.float32)
    b2 = jax.random.uniform(k_b2, (N_CLASSES,), minval=-s2, maxval=s2, dtype=jnp.float32)
    return {"x": x, "edge_index": edge_index, "W1": W1, "b1": b1, "W2": W2, "b2": b2}


def reference(x, edge_index, W1, b1, W2, b2):
    h = gcn_conv(x, edge_index, W1, b1, N_NODES)
    h = jax.nn.relu(h)
    # dropout(p=0.5) omitted (identity) for deterministic reference
    h = gcn_conv(h, edge_index, W2, b2, N_NODES)
    return jax.nn.log_softmax(h, axis=1)

if __name__ == "__main__":
    import jax
    _d = setup_inputs()
    print(jax.jit(kernel)(*tuple(_d.values())))

</pallas_src>

<mosaic_0001>
#map = affine_map<(d0, d1) -> (0, 0, 0)>
#map1 = affine_map<(d0, d1) -> (0)>
module attributes {stable_mosaic.version = 14 : i64} {
  func.func @_deg_kernel(%arg0: i32, %arg1: i32, %arg2: memref<32x80x128xi32, #tpu.memory_space<hbm>>, %arg3: memref<10112xf32, #tpu.memory_space<hbm>>, %arg4: memref<2x16x10112xf32, #tpu.memory_space<hbm>>, %arg5: memref<80x128xi32, #tpu.memory_space<vmem>>, %arg6: memref<10112xf32, #tpu.memory_space<vmem>>) attributes {dimension_semantics = [#tpu.dimension_semantics<core_parallel>, #tpu.dimension_semantics<subcore_parallel>], iteration_bounds = array<i64: 2, 16>, scalar_prefetch = 0 : i64, scratch_operands = 2 : i64, tpu.core_type = #tpu.core_type<sc_vector_subcore>, window_params = [{transform_indices = #map}, {transform_indices = #map1}, {transform_indices = #map}]} {
    %mul3A = arith.constant 2 : i32
    %mul3A_0 = arith.muli %arg1, %mul3A : i32
    %add3A = arith.addi %mul3A_0, %arg0 : i32
    "tpu.region"() ({
      %run_scoped3A = tpu.sem_alloc : memref<!tpu.dma_semaphore, #tpu.memory_space<semaphore_mem>>
      tpu.enqueue_dma source(%arg3 : memref<10112xf32, #tpu.memory_space<hbm>>) target(%arg6 : memref<10112xf32, #tpu.memory_space<vmem>>) target_semaphore(%run_scoped3A : memref<!tpu.dma_semaphore, #tpu.memory_space<semaphore_mem>>)
      tpu.wait_dma2 semaphore(%run_scoped3A : memref<!tpu.dma_semaphore, #tpu.memory_space<semaphore_mem>>) src(%arg3 : memref<10112xf32, #tpu.memory_space<hbm>>) dst(%arg6 : memref<10112xf32, #tpu.memory_space<vmem>>)
      tpu.yield
    }) : () -> ()
    "tpu.region"() ({
      %run_scoped3A = tpu.sem_alloc : memref<!tpu.dma_semaphore, #tpu.memory_space<semaphore_mem>>
      %dma_start3A = arith.constant 0 : i32
      %dma_start3A_7 = arith.constant 0 : i32
      %dma_start3A_8 = tpu.memref_slice %arg2[%add3A, %dma_start3A, %dma_start3A_7] : memref<32x80x128xi32, #tpu.memory_space<hbm>> -> memref<1x80x128xi32, #tpu.memory_space<hbm>>
      %dma_start3A_9 = tpu.memref_squeeze %dma_start3A_8 : memref<1x80x128xi32, #tpu.memory_space<hbm>> -> memref<80x128xi32, #tpu.memory_space<hbm>>
      %dma_start3A_10 = arith.constant 0 : i32
      %dma_start3A_11 = arith.constant 0 : i32
      %dma_start3A_12 = tpu.memref_slice %arg2[%add3A, %dma_start3A_10, %dma_start3A_11] : memref<32x80x128xi32, #tpu.memory_space<hbm>> -> memref<1x80x128xi32, #tpu.memory_space<hbm>>
      %dma_start3A_13 = tpu.memref_squeeze %dma_start3A_12 : memref<1x80x128xi32, #tpu.memory_space<hbm>> -> memref<80x128xi32, #tpu.memory_space<hbm>>
      tpu.enqueue_dma source(%dma_start3A_13 : memref<80x128xi32, #tpu.memory_space<hbm>>) target(%arg5 : memref<80x128xi32, #tpu.memory_space<vmem>>) target_semaphore(%run_scoped3A : memref<!tpu.dma_semaphore, #tpu.memory_space<semaphore_mem>>)
      %dma_wait3A = arith.constant 0 : i32
      %dma_wait3A_14 = arith.constant 0 : i32
      %dma_wait3A_15 = tpu.memref_slice %arg2[%add3A, %dma_wait3A, %dma_wait3A_14] : memref<32x80x128xi32, #tpu.memory_space<hbm>> -> memref<1x80x128xi32, #tpu.memory_space<hbm>>
      %dma_wait3A_16 = tpu.memref_squeeze %dma_wait3A_15 : memref<1x80x128xi32, #tpu.memory_space<hbm>> -> memref<80x128xi32, #tpu.memory_space<hbm>>
      %dma_wait3A_17 = arith.constant 0 : i32
      %dma_wait3A_18 = arith.constant 0 : i32
      %dma_wait3A_19 = tpu.memref_slice %arg2[%add3A, %dma_wait3A_17, %dma_wait3A_18] : memref<32x80x128xi32, #tpu.memory_space<hbm>> -> memref<1x80x128xi32, #tpu.memory_space<hbm>>
      %dma_wait3A_20 = tpu.memref_squeeze %dma_wait3A_19 : memref<1x80x128xi32, #tpu.memory_space<hbm>> -> memref<80x128xi32, #tpu.memory_space<hbm>>
      tpu.wait_dma2 semaphore(%run_scoped3A : memref<!tpu.dma_semaphore, #tpu.memory_space<semaphore_mem>>) src(%dma_wait3A_20 : memref<80x128xi32, #tpu.memory_space<hbm>>) dst(%arg5 : memref<80x128xi32, #tpu.memory_space<vmem>>)
      tpu.yield
    }) : () -> ()
    %broadcast_in_dim3A = arith.constant 1.000000e+00 : f32
    %broadcast_in_dim3A_1 = vector.broadcast %broadcast_in_dim3A : f32 to vector<16xf32>
    %scan3A = arith.constant 0 : i32
    %scan3A_2 = arith.constant 0 : i32
    %scan3A_3 = arith.constant 80 : i32
    %scan3A_4 = arith.addi %scan3A_2, %scan3A_3 : i32
    %scan3A_5 = arith.constant 1 : i32
    scf.for %scan3A_7 = %scan3A_2 to %scan3A_4 step %scan3A_5  : i32 {
      %get3A = arith.index_cast %scan3A_7 : i32 to index
      %get3A_8 = arith.constant 0 : index
      %get3A_9 = tpu.vector_load %arg5[%get3A, %get3A_8] {strides = array<i32>} : memref<80x128xi32, #tpu.memory_space<vmem>>, vector<16xi32>,
      tpu.vector_store_idx %arg6[%get3A_9], %broadcast_in_dim3A_1 {add = true} : memref<10112xf32, #tpu.memory_space<vmem>>[vector<16xi32>], vector<16xf32>,
      %get3A_10 = arith.index_cast %scan3A_7 : i32 to index
      %get3A_11 = arith.constant 16 : index
      %get3A_12 = tpu.vector_load %arg5[%get3A_10, %get3A_11] {strides = array<i32>} : memref<80x128xi32, #tpu.memory_space<vmem>>, vector<16xi32>,
      tpu.vector_store_idx %arg6[%get3A_12], %broadcast_in_dim3A_1 {add = true} : memref<10112xf32, #tpu.memory_space<vmem>>[vector<16xi32>], vector<16xf32>,
      %get3A_13 = arith.index_cast %scan3A_7 : i32 to index
      %get3A_14 = arith.constant 32 : index
      %get3A_15 = tpu.vector_load %arg5[%get3A_13, %get3A_14] {strides = array<i32>} : memref<80x128xi32, #tpu.memory_space<vmem>>, vector<16xi32>,
      tpu.vector_store_idx %arg6[%get3A_15], %broadcast_in_dim3A_1 {add = true} : memref<10112xf32, #tpu.memory_space<vmem>>[vector<16xi32>], vector<16xf32>,
      %get3A_16 = arith.index_cast %scan3A_7 : i32 to index
      %get3A_17 = arith.constant 48 : index
      %get3A_18 = tpu.vector_load %arg5[%get3A_16, %get3A_17] {strides = array<i32>} : memref<80x128xi32, #tpu.memory_space<vmem>>, vector<16xi32>,
      tpu.vector_store_idx %arg6[%get3A_18], %broadcast_in_dim3A_1 {add = true} : memref<10112xf32, #tpu.memory_space<vmem>>[vector<16xi32>], vector<16xf32>,
      %get3A_19 = arith.index_cast %scan3A_7 : i32 to index
      %get3A_20 = arith.constant 64 : index
      %get3A_21 = tpu.vector_load %arg5[%get3A_19, %get3A_20] {strides = array<i32>} : memref<80x128xi32, #tpu.memory_space<vmem>>, vector<16xi32>,
      tpu.vector_store_idx %arg6[%get3A_21], %broadcast_in_dim3A_1 {add = true} : memref<10112xf32, #tpu.memory_space<vmem>>[vector<16xi32>], vector<16xf32>,
      %get3A_22 = arith.index_cast %scan3A_7 : i32 to index
      %get3A_23 = arith.constant 80 : index
      %get3A_24 = tpu.vector_load %arg5[%get3A_22, %get3A_23] {strides = array<i32>} : memref<80x128xi32, #tpu.memory_space<vmem>>, vector<16xi32>,
      tpu.vector_store_idx %arg6[%get3A_24], %broadcast_in_dim3A_1 {add = true} : memref<10112xf32, #tpu.memory_space<vmem>>[vector<16xi32>], vector<16xf32>,
      %get3A_25 = arith.index_cast %scan3A_7 : i32 to index
      %get3A_26 = arith.constant 96 : index
      %get3A_27 = tpu.vector_load %arg5[%get3A_25, %get3A_26] {strides = array<i32>} : memref<80x128xi32, #tpu.memory_space<vmem>>, vector<16xi32>,
      tpu.vector_store_idx %arg6[%get3A_27], %broadcast_in_dim3A_1 {add = true} : memref<10112xf32, #tpu.memory_space<vmem>>[vector<16xi32>], vector<16xf32>,
      %get3A_28 = arith.index_cast %scan3A_7 : i32 to index
      %get3A_29 = arith.constant 112 : index
      %get3A_30 = tpu.vector_load %arg5[%get3A_28, %get3A_29] {strides = array<i32>} : memref<80x128xi32, #tpu.memory_space<vmem>>, vector<16xi32>,
      tpu.vector_store_idx %arg6[%get3A_30], %broadcast_in_dim3A_1 {add = true} : memref<10112xf32, #tpu.memory_space<vmem>>[vector<16xi32>], vector<16xf32>,
    }
    %scan3A_6 = arith.constant 80 : i32
    "tpu.region"() ({
      %run_scoped3A = tpu.sem_alloc : memref<!tpu.dma_semaphore, #tpu.memory_space<semaphore_mem>>
      %dma_start3A = arith.constant 0 : i32
      %dma_start3A_7 = tpu.memref_slice %arg4[%arg0, %arg1, %dma_start3A] : memref<2x16x10112xf32, #tpu.memory_space<hbm>> -> memref<1x1x10112xf32, #tpu.memory_space<hbm>>
      %dma_start3A_8 = tpu.memref_squeeze %dma_start3A_7 : memref<1x1x10112xf32, #tpu.memory_space<hbm>> -> memref<10112xf32, #tpu.memory_space<hbm>>
      %dma_start3A_9 = arith.constant 0 : i32
      %dma_start3A_10 = tpu.memref_slice %arg4[%arg0, %arg1, %dma_start3A_9] : memref<2x16x10112xf32, #tpu.memory_space<hbm>> -> memref<1x1x10112xf32, #tpu.memory_space<hbm>>
      %dma_start3A_11 = tpu.memref_squeeze %dma_start3A_10 : memref<1x1x10112xf32, #tpu.memory_space<hbm>> -> memref<10112xf32, #tpu.memory_space<hbm>>
      tpu.enqueue_dma source(%arg6 : memref<10112xf32, #tpu.memory_space<vmem>>) target(%dma_start3A_11 : memref<10112xf32, #tpu.memory_space<hbm>>) target_semaphore(%run_scoped3A : memref<!tpu.dma_semaphore, #tpu.memory_space<semaphore_mem>>)
      %dma_wait3A = arith.constant 0 : i32
      %dma_wait3A_12 = tpu.memref_slice %arg4[%arg0, %arg1, %dma_wait3A] : memref<2x16x10112xf32, #tpu.memory_space<hbm>> -> memref<1x1x10112xf32, #tpu.memory_space<hbm>>
      %dma_wait3A_13 = tpu.memref_squeeze %dma_wait3A_12 : memref<1x1x10112xf32, #tpu.memory_space<hbm>> -> memref<10112xf32, #tpu.memory_space<hbm>>
      %dma_wait3A_14 = arith.constant 0 : i32
      %dma_wait3A_15 = tpu.memref_slice %arg4[%arg0, %arg1, %dma_wait3A_14] : memref<2x16x10112xf32, #tpu.memory_space<hbm>> -> memref<1x1x10112xf32, #tpu.memory_space<hbm>>
      %dma_wait3A_16 = tpu.memref_squeeze %dma_wait3A_15 : memref<1x1x10112xf32, #tpu.memory_space<hbm>> -> memref<10112xf32, #tpu.memory_space<hbm>>
      tpu.wait_dma2 semaphore(%run_scoped3A : memref<!tpu.dma_semaphore, #tpu.memory_space<semaphore_mem>>) src(%arg6 : memref<10112xf32, #tpu.memory_space<vmem>>) dst(%dma_wait3A_16 : memref<10112xf32, #tpu.memory_space<hbm>>)
      tpu.yield
    }) : () -> ()
    return
  }
}

#map = affine_map<(d0, d1) -> (0, 0)>
#map1 = affine_map<(d0, d1) -> (0, 0, 0)>
#map2 = affine_map<(d0, d1) -> (0, 0, 0, 0)>
module attributes {stable_mosaic.version = 14 : i64} {
  func.func @_agg(%arg0: i32, %arg1: i32, %arg2: memref<10112x128xf32, #tpu.memory_space<hbm>>, %arg3: memref<32x80x128xi32, #tpu.memory_space<hbm>>, %arg4: memref<32x80x128xi32, #tpu.memory_space<hbm>>, %arg5: memref<632x128xf32, #tpu.memory_space<hbm>>, %arg6: memref<2x16x632x128xf32, #tpu.memory_space<hbm>>, %arg7: memref<8x128xi32, #tpu.memory_space<vmem>>, %arg8: memref<8x128xi32, #tpu.memory_space<vmem>>, %arg9: memref<80x128xi32, #tpu.memory_space<vmem>>, %arg10: memref<128x128xf32, #tpu.memory_space<vmem>>, %arg11: memref<128x128xf32, #tpu.memory_space<vmem>>, %arg12: memref<10112x128xf32, #tpu.memory_space<vmem_shared>>, %arg13: memref<!tpu.dma_semaphore, #tpu.memory_space<semaphore_mem>>, %arg14: memref<!tpu.dma_semaphore, #tpu.memory_space<semaphore_mem>>, %arg15: memref<!tpu.dma_semaphore, #tpu.memory_space<semaphore_mem>>, %arg16: memref<!tpu.dma_semaphore, #tpu.memory_space<semaphore_mem>>, %arg17: memref<!tpu.dma_semaphore, #tpu.memory_space<semaphore_mem>>, %arg18: memref<!tpu.dma_semaphore, #tpu.memory_space<semaphore_mem>>) attributes {dimension_semantics = [#tpu.dimension_semantics<core_parallel>, #tpu.dimension_semantics<subcore_parallel>], iteration_bounds = array<i64: 2, 16>, scalar_prefetch = 0 : i64, scratch_operands = 12 : i64, tpu.core_type = #tpu.core_type<sc_vector_subcore>, window_params = [{transform_indices = #map}, {transform_indices = #map1}, {transform_indices = #map1}, {transform_indices = #map}, {transform_indices = #map2}]} {
    %mul3A = arith.constant 2 : i32
    %mul3A_0 = arith.muli %arg1, %mul3A : i32
    %add3A = arith.addi %mul3A_0, %arg0 : i32
    %dma_start3A = arith.constant 0 : i32
    %dma_start3A_1 = arith.constant 0 : i32
    %dma_start3A_2 = tpu.memref_slice %arg3[%add3A, %dma_start3A, %dma_start3A_1] : memref<32x80x128xi32, #tpu.memory_space<hbm>> -> memref<1x8x128xi32, #tpu.memory_space<hbm>>
    %dma_start3A_3 = tpu.memref_squeeze %dma_start3A_2 : memref<1x8x128xi32, #tpu.memory_space<hbm>> -> memref<8x128xi32, #tpu.memory_space<hbm>>
    %dma_start3A_4 = arith.constant 0 : i32
    %dma_start3A_5 = arith.constant 0 : i32
    %dma_start3A_6 = tpu.memref_slice %arg3[%add3A, %dma_start3A_4, %dma_start3A_5] : memref<32x80x128xi32, #tpu.memory_space<hbm>> -> memref<1x8x128xi32, #tpu.memory_space<hbm>>
    %dma_start3A_7 = tpu.memref_squeeze %dma_start3A_6 : memref<1x8x128xi32, #tpu.memory_space<hbm>> -> memref<8x128xi32, #tpu.memory_space<hbm>>
    tpu.enqueue_dma source(%dma_start3A_7 : memref<8x128xi32, #tpu.memory_space<hbm>>) target(%arg7 : memref<8x128xi32, #tpu.memory_space<vmem>>) target_semaphore(%arg13 : memref<!tpu.dma_semaphore, #tpu.memory_space<semaphore_mem>>)
    %dma_start3A_8 = arith.constant 8 : i32
    %dma_start3A_9 = arith.constant 0 : i32
    %dma_start3A_10 = tpu.memref_slice %arg3[%add3A, %dma_start3A_8, %dma_start3A_9] : memref<32x80x128xi32, #tpu.memory_space<hbm>> -> memref<1x8x128xi32, #tpu.memory_space<hbm>>
    %dma_start3A_11 = tpu.memref_squeeze %dma_start3A_10 : memref<1x8x128xi32, #tpu.memory_space<hbm>> -> memref<8x128xi32, #tpu.memory_space<hbm>>
    %dma_start3A_12 = arith.constant 8 : i32
    %dma_start3A_13 = arith.constant 0 : i32
    %dma_start3A_14 = tpu.memref_slice %arg3[%add3A, %dma_start3A_12, %dma_start3A_13] : memref<32x80x128xi32, #tpu.memory_space<hbm>> -> memref<1x8x128xi32, #tpu.memory_space<hbm>>
    %dma_start3A_15 = tpu.memref_squeeze %dma_start3A_14 : memref<1x8x128xi32, #tpu.memory_space<hbm>> -> memref<8x128xi32, #tpu.memory_space<hbm>>
    tpu.enqueue_dma source(%dma_start3A_15 : memref<8x128xi32, #tpu.memory_space<hbm>>) target(%arg8 : memref<8x128xi32, #tpu.memory_space<vmem>>) target_semaphore(%arg14 : memref<!tpu.dma_semaphore, #tpu.memory_space<semaphore_mem>>)
    "tpu.region"() ({
      %run_scoped3A = tpu.sem_alloc : memref<!tpu.dma_semaphore, #tpu.memory_space<semaphore_mem>>
      %dma_start3A_47 = arith.constant 0 : i32
      %dma_start3A_48 = arith.constant 0 : i32
      %dma_start3A_49 = tpu.memref_slice %arg4[%add3A, %dma_start3A_47, %dma_start3A_48] : memref<32x80x128xi32, #tpu.memory_space<hbm>> -> memref<1x80x128xi32, #tpu.memory_space<hbm>>
      %dma_start3A_50 = tpu.memref_squeeze %dma_start3A_49 : memref<1x80x128xi32, #tpu.memory_space<hbm>> -> memref<80x128xi32, #tpu.memory_space<hbm>>
      %dma_start3A_51 = arith.constant 0 : i32
      %dma_start3A_52 = arith.constant 0 : i32
      %dma_start3A_53 = tpu.memref_slice %arg4[%add3A, %dma_start3A_51, %dma_start3A_52] : memref<32x80x128xi32, #tpu.memory_space<hbm>> -> memref<1x80x128xi32, #tpu.memory_space<hbm>>
      %dma_start3A_54 = tpu.memref_squeeze %dma_start3A_53 : memref<1x80x128xi32, #tpu.memory_space<hbm>> -> memref<80x128xi32, #tpu.memory_space<hbm>>
      tpu.enqueue_dma source(%dma_start3A_54 : memref<80x128xi32, #tpu.memory_space<hbm>>) target(%arg9 : memref<80x128xi32, #tpu.memory_space<vmem>>) target_semaphore(%run_scoped3A : memref<!tpu.dma_semaphore, #tpu.memory_space<semaphore_mem>>)
      %dma_wait3A_55 = arith.constant 0 : i32
      %dma_wait3A_56 = arith.constant 0 : i32
      %dma_wait3A_57 = tpu.memref_slice %arg4[%add3A, %dma_wait3A_55, %dma_wait3A_56] : memref<32x80x128xi32, #tpu.memory_space<hbm>> -> memref<1x80x128xi32, #tpu.memory_space<hbm>>
      %dma_wait3A_58 = tpu.memref_squeeze %dma_wait3A_57 : memref<1x80x128xi32, #tpu.memory_space<hbm>> -> memref<80x128xi32, #tpu.memory_space<hbm>>
      %dma_wait3A_59 = arith.constant 0 : i32
      %dma_wait3A_60 = arith.constant 0 : i32
      %dma_wait3A_61 = tpu.memref_slice %arg4[%add3A, %dma_wait3A_59, %dma_wait3A_60] : memref<32x80x128xi32, #tpu.memory_space<hbm>> -> memref<1x80x128xi32, #tpu.memory_space<hbm>>
      %dma_wait3A_62 = tpu.memref_squeeze %dma_wait3A_61 : memref<1x80x128xi32, #tpu.memory_space<hbm>> -> memref<80x128xi32, #tpu.memory_space<hbm>>
      tpu.wait_dma2 semaphore(%run_scoped3A : memref<!tpu.dma_semaphore, #tpu.memory_space<semaphore_mem>>) src(%dma_wait3A_62 : memref<80x128xi32, #tpu.memory_space<hbm>>) dst(%arg9 : memref<80x128xi32, #tpu.memory_space<vmem>>)
      tpu.yield
    }) : () -> ()
    %mul3A_16 = arith.constant 632 : i32
    %mul3A_17 = arith.muli %arg1, %mul3A_16 : i32
    "tpu.region"() ({
      %run_scoped3A = tpu.sem_alloc : memref<!tpu.dma_semaphore, #tpu.memory_space<semaphore_mem>>
      %dma_start3A_47 = arith.constant 0 : i32
      %dma_start3A_48 = tpu.memref_slice %arg12[%mul3A_17, %dma_start3A_47] : memref<10112x128xf32, #tpu.memory_space<vmem_shared>> -> memref<632x128xf32, #tpu.memory_space<vmem_shared>>
      tpu.enqueue_dma source(%arg5 : memref<632x128xf32, #tpu.memory_space<hbm>>) target(%dma_start3A_48 : memref<632x128xf32, #tpu.memory_space<vmem_shared>>) target_semaphore(%run_scoped3A : memref<!tpu.dma_semaphore, #tpu.memory_space<semaphore_mem>>)
      %dma_wait3A_49 = arith.constant 0 : i32
      %dma_wait3A_50 = tpu.memref_slice %arg12[%mul3A_17, %dma_wait3A_49] : memref<10112x128xf32, #tpu.memory_space<vmem_shared>> -> memref<632x128xf32, #tpu.memory_space<vmem_shared>>
      tpu.wait_dma2 semaphore(%run_scoped3A : memref<!tpu.dma_semaphore, #tpu.memory_space<semaphore_mem>>) src(%arg5 : memref<632x128xf32, #tpu.memory_space<hbm>>) dst(%dma_wait3A_50 : memref<632x128xf32, #tpu.memory_space<vmem_shared>>)
      tpu.yield
    }) : () -> ()
    %barrier3A = arith.constant 0 : index
    tpu.barrier barrier_id(%barrier3A)
    %dma_wait3A = arith.constant 0 : i32
    %dma_wait3A_18 = arith.constant 0 : i32
    %dma_wait3A_19 = tpu.memref_slice %arg3[%add3A, %dma_wait3A, %dma_wait3A_18] : memref<32x80x128xi32, #tpu.memory_space<hbm>> -> memref<1x8x128xi32, #tpu.memory_space<hbm>>
    %dma_wait3A_20 = tpu.memref_squeeze %dma_wait3A_19 : memref<1x8x128xi32, #tpu.memory_space<hbm>> -> memref<8x128xi32, #tpu.memory_space<hbm>>
    %dma_wait3A_21 = arith.constant 0 : i32
    %dma_wait3A_22 = arith.constant 0 : i32
    %dma_wait3A_23 = tpu.memref_slice %arg3[%add3A, %dma_wait3A_21, %dma_wait3A_22] : memref<32x80x128xi32, #tpu.memory_space<hbm>> -> memref<1x8x128xi32, #tpu.memory_space<hbm>>
    %dma_wait3A_24 = tpu.memref_squeeze %dma_wait3A_23 : memref<1x8x128xi32, #tpu.memory_space<hbm>> -> memref<8x128xi32, #tpu.memory_space<hbm>>
    tpu.wait_dma2 semaphore(%arg13 : memref<!tpu.dma_semaphore, #tpu.memory_space<semaphore_mem>>) src(%dma_wait3A_24 : memref<8x128xi32, #tpu.memory_space<hbm>>) dst(%arg7 : memref<8x128xi32, #tpu.memory_space<vmem>>)
    %dma_start3A_25 = arith.constant 0 : i32
    %dma_start3A_26 = arith.constant 0 : i32
    %dma_start3A_27 = tpu.memref_slice %arg7[%dma_start3A_25, %dma_start3A_26] : memref<8x128xi32, #tpu.memory_space<vmem>> -> memref<1x128xi32, #tpu.memory_space<vmem>>
    %dma_start3A_28 = tpu.memref_squeeze %dma_start3A_27 : memref<1x128xi32, #tpu.memory_space<vmem>> -> memref<128xi32, #tpu.memory_space<vmem>>
    %dma_start3A_29 = arith.constant 0 : i32
    %dma_start3A_30 = arith.constant 0 : i32
    %dma_start3A_31 = tpu.memref_slice %arg2[%dma_start3A_29, %dma_start3A_30] : memref<10112x128xf32, #tpu.memory_space<hbm>> -> memref<10112x128xf32, #tpu.memory_space<hbm>>
    tpu.enqueue_indirect_dma source(%dma_start3A_31 : memref<10112x128xf32, #tpu.memory_space<hbm>>) target(%arg10 : memref<128x128xf32, #tpu.memory_space<vmem>>) offsets(%dma_start3A_28 : memref<128xi32, #tpu.memory_space<vmem>>) semaphore(%arg15 : memref<!tpu.dma_semaphore, #tpu.memory_space<semaphore_mem>>)
    %scan3A = arith.constant 0 : i32
    %scan3A_32 = arith.constant 0 : i32
    %scan3A_33 = arith.constant 5 : i32
    %scan3A_34 = arith.addi %scan3A_32, %scan3A_33 : i32
    %scan3A_35 = arith.constant 1 : i32
    scf.for %scan3A_47 = %scan3A_32 to %scan3A_34 step %scan3A_35  : i32 {
      %mul3A_48 = arith.constant 2 : i32
      %mul3A_49 = arith.muli %mul3A_48, %scan3A_47 : i32
      %add3A_50 = arith.constant 0 : i32
      %add3A_51 = arith.addi %mul3A_49, %add3A_50 : i32
      %mul3A_52 = arith.constant 8 : i32
      %mul3A_53 = arith.muli %add3A_51, %mul3A_52 : i32
      %add3A_54 = arith.constant 0 : i32
      %add3A_55 = arith.addi %mul3A_53, %add3A_54 : i32
      %gt3A = arith.constant 0 : i32
      %gt3A_56 = arith.cmpi sgt, %add3A_51, %gt3A : i32
      %convert_element_type3A = arith.extui %gt3A_56 : i1 to i32
      %cond3A = arith.constant 0 : i32
      %cond3A_57 = arith.cmpi ne, %convert_element_type3A, %cond3A : i32
      scf.if %cond3A_57 {
        %dma_wait3A_560 = arith.constant 0 : i32
        %dma_wait3A_561 = arith.constant 0 : i32
        %dma_wait3A_562 = tpu.memref_slice %arg9[%dma_wait3A_560, %dma_wait3A_561] : memref<80x128xi32, #tpu.memory_space<vmem>> -> memref<1x128xi32, #tpu.memory_space<vmem>>
        %dma_wait3A_563 = tpu.memref_squeeze %dma_wait3A_562 : memref<1x128xi32, #tpu.memory_space<vmem>> -> memref<128xi32, #tpu.memory_space<vmem>>
        %dma_wait3A_564 = arith.constant 0 : i32
        %dma_wait3A_565 = arith.constant 0 : i32
        %dma_wait3A_566 = tpu.memref_slice %arg12[%dma_wait3A_564, %dma_wait3A_565] : memref<10112x128xf32, #tpu.memory_space<vmem_shared>> -> memref<10112x128xf32, #tpu.memory_space<vmem_shared>>
        tpu.wait_indirect_dma semaphore(%arg18 : memref<!tpu.dma_semaphore, #tpu.memory_space<semaphore_mem>>) src(%arg11 : memref<128x128xf32, #tpu.memory_space<vmem>>) dst(%dma_wait3A_566 : memref<10112x128xf32, #tpu.memory_space<vmem_shared>>)
      } else {
      }
      %dma_start3A_58 = arith.constant 1 : i32
      %dma_start3A_59 = arith.constant 0 : i32
      %dma_start3A_60 = tpu.memref_slice %arg7[%dma_start3A_58, %dma_start3A_59] : memref<8x128xi32, #tpu.memory_space<vmem>> -> memref<1x128xi32, #tpu.memory_space<vmem>>
      %dma_start3A_61 = tpu.memref_squeeze %dma_start3A_60 : memref<1x128xi32, #tpu.memory_space<vmem>> -> memref<128xi32, #tpu.memory_space<vmem>>
      %dma_start3A_62 = arith.constant 0 : i32
      %dma_start3A_63 = arith.constant 0 : i32
      %dma_start3A_64 = tpu.memref_slice %arg2[%dma_start3A_62, %dma_start3A_63] : memref<10112x128xf32, #tpu.memory_space<hbm>> -> memref<10112x128xf32, #tpu.memory_space<hbm>>
      tpu.enqueue_indirect_dma source(%dma_start3A_64 : memref<10112x128xf32, #tpu.memory_space<hbm>>) target(%arg11 : memref<128x128xf32, #tpu.memory_space<vmem>>) offsets(%dma_start3A_61 : memref<128xi32, #tpu.memory_space<vmem>>) semaphore(%arg16 : memref<!tpu.dma_semaphore, #tpu.memory_space<semaphore_mem>>)
      %dma_wait3A_65 = arith.constant 0 : i32
      %dma_wait3A_66 = arith.constant 0 : i32
      %dma_wait3A_67 = tpu.memref_slice %arg7[%dma_wait3A_65, %dma_wait3A_66] : memref<8x128xi32, #tpu.memory_space<vmem>> -> memref<1x128xi32, #tpu.memory_space<vmem>>
      %dma_wait3A_68 = tpu.memref_squeeze %dma_wait3A_67 : memref<1x128xi32, #tpu.memory_space<vmem>> -> memref<128xi32, #tpu.memory_space<vmem>>
      %dma_wait3A_69 = arith.constant 0 : i32
      %dma_wait3A_70 = arith.constant 0 : i32
      %dma_wait3A_71 = tpu.memref_slice %arg2[%dma_wait3A_69, %dma_wait3A_70] : memref<10112x128xf32, #tpu.memory_space<hbm>> -> memref<10112x128xf32, #tpu.memory_space<hbm>>
      tpu.wait_indirect_dma semaphore(%arg15 : memref<!tpu.dma_semaphore, #tpu.memory_space<semaphore_mem>>) src(%dma_wait3A_71 : memref<10112x128xf32, #tpu.memory_space<hbm>>) dst(%arg10 : memref<128x128xf32, #tpu.memory_space<vmem>>)
      %dma_start3A_72 = arith.constant 0 : i32
      %dma_start3A_73 = tpu.memref_slice %arg9[%add3A_55, %dma_start3A_72] : memref<80x128xi32, #tpu.memory_space<vmem>> -> memref<1x128xi32, #tpu.memory_space<vmem>>
      %dma_start3A_74 = tpu.memref_squeeze %dma_start3A_73 : memref<1x128xi32, #tpu.memory_space<vmem>> -> memref<128xi32, #tpu.memory_space<vmem>>
      %dma_start3A_75 = arith.constant 0 : i32
      %dma_start3A_76 = arith.constant 0 : i32
      %dma_start3A_77 = tpu.memref_slice %arg12[%dma_start3A_75, %dma_start3A_76] : memref<10112x128xf32, #tpu.memory_space<vmem_shared>> -> memref<10112x128xf32, #tpu.memory_space<vmem_shared>>
      tpu.enqueue_indirect_dma source(%arg10 : memref<128x128xf32, #tpu.memory_space<vmem>>) target(%dma_start3A_77 : memref<10112x128xf32, #tpu.memory_space<vmem_shared>>) offsets(%dma_start3A_74 : memref<128xi32, #tpu.memory_space<vmem>>) semaphore(%arg17 : memref<!tpu.dma_semaphore, #tpu.memory_space<semaphore_mem>>) {add = true}
      %mul3A_78 = arith.constant 8 : i32
      %mul3A_79 = arith.muli %add3A_51, %mul3A_78 : i32
      %add3A_80 = arith.constant 1 : i32
      %add3A_81 = arith.addi %mul3A_79, %add3A_80 : i32
      %dma_wait3A_82 = arith.constant 0 : i32
      %dma_wait3A_83 = arith.constant 0 : i32
      %dma_wait3A_84 = tpu.memref_slice %arg9[%dma_wait3A_82, %dma_wait3A_83] : memref<80x128xi32, #tpu.memory_space<vmem>> -> memref<1x128xi32, #tpu.memory_space<vmem>>
      %dma_wait3A_85 = tpu.memref_squeeze %dma_wait3A_84 : memref<1x128xi32, #tpu.memory_space<vmem>> -> memref<128xi32, #tpu.memory_space<vmem>>
      %dma_wait3A_86 = arith.constant 0 : i32
      %dma_wait3A_87 = arith.constant 0 : i32
      %dma_wait3A_88 = tpu.memref_slice %arg12[%dma_wait3A_86, %dma_wait3A_87] : memref<10112x128xf32, #tpu.memory_space<vmem_shared>> -> memref<10112x128xf32, #tpu.memory_space<vmem_shared>>
      tpu.wait_indirect_dma semaphore(%arg17 : memref<!tpu.dma_semaphore, #tpu.memory_space<semaphore_mem>>) src(%arg10 : memref<128x128xf32, #tpu.memory_space<vmem>>) dst(%dma_wait3A_88 : memref<10112x128xf32, #tpu.memory_space<vmem_shared>>)
      %dma_start3A_89 = arith.constant 2 : i32
      %dma_start3A_90 = arith.constant 0 : i32
      %dma_start3A_91 = tpu.memref_slice %arg7[%dma_start3A_89, %dma_start3A_90] : memref<8x128xi32, #tpu.memory_space<vmem>> -> memref<1x128xi32, #tpu.memory_space<vmem>>
      %dma_start3A_92 = tpu.memref_squeeze %dma_start3A_91 : memref<1x128xi32, #tpu.memory_space<vmem>> -> memref<128xi32, #tpu.memory_space<vmem>>
      %dma_start3A_93 = arith.constant 0 : i32
      %dma_start3A_94 = arith.constant 0 : i32
      %dma_start3A_95 = tpu.memref_slice %arg2[%dma_start3A_93, %dma_start3A_94] : memref<10112x128xf32, #tpu.memory_space<hbm>> -> memref<10112x128xf32, #tpu.memory_space<hbm>>
      tpu.enqueue_indirect_dma source(%dma_start3A_95 : memref<10112x128xf32, #tpu.memory_space<hbm>>) target(%arg10 : memref<128x128xf32, #tpu.memory_space<vmem>>) offsets(%dma_start3A_92 : memref<128xi32, #tpu.memory_space<vmem>>) semaphore(%arg15 : memref<!tpu.dma_semaphore, #tpu.memory_space<semaphore_mem>>)
      %dma_wait3A_96 = arith.constant 1 : i32
      %dma_wait3A_97 = arith.constant 0 : i32
      %dma_wait3A_98 = tpu.memref_slice %arg7[%dma_wait3A_96, %dma_wait3A_97] : memref<8x128xi32, #tpu.memory_space<vmem>> -> memref<1x128xi32, #tpu.memory_space<vmem>>
      %dma_wait3A_99 = tpu.memref_squeeze %dma_wait3A_98 : memref<1x128xi32, #tpu.memory_space<vmem>> -> memref<128xi32, #tpu.memory_space<vmem>>
      %dma_wait3A_100 = arith.constant 0 : i32
      %dma_wait3A_101 = arith.constant 0 : i32
      %dma_wait3A_102 = tpu.memref_slice %arg2[%dma_wait3A_100, %dma_wait3A_101] : memref<10112x128xf32, #tpu.memory_space<hbm>> -> memref<10112x128xf32, #tpu.memory_space<hbm>>
      tpu.wait_indirect_dma semaphore(%arg16 : memref<!tpu.dma_semaphore, #tpu.memory_space<semaphore_mem>>) src(%dma_wait3A_102 : memref<10112x128xf32, #tpu.memory_space<hbm>>) dst(%arg11 : memref<128x128xf32, #tpu.memory_space<vmem>>)
      %dma_start3A_103 = arith.constant 0 : i32
      %dma_start3A_104 = tpu.memref_slice %arg9[%add3A_81, %dma_start3A_103] : memref<80x128xi32, #tpu.memory_space<vmem>> -> memref<1x128xi32, #tpu.memory_space<vmem>>
      %dma_start3A_105 = tpu.memref_squeeze %dma_start3A_104 : memref<1x128xi32, #tpu.memory_space<vmem>> -> memref<128xi32, #tpu.memory_space<vmem>>
      %dma_start3A_106 = arith.constant 0 : i32
      %dma_start3A_107 = arith.constant 0 : i32
      %dma_start3A_108 = tpu.memref_slice %arg12[%dma_start3A_106, %dma_start3A_107] : memref<10112x128xf32, #tpu.memory_space<vmem_shared>> -> memref<10112x128xf32, #tpu.memory_space<vmem_shared>>
      tpu.enqueue_indirect_dma source(%arg11 : memref<128x128xf32, #tpu.memory_space<vmem>>) target(%dma_start3A_108 : memref<10112x128xf32, #tpu.memory_space<vmem_shared>>) offsets(%dma_start3A_105 : memref<128xi32, #tpu.memory_space<vmem>>) semaphore(%arg18 : memref<!tpu.dma_semaphore, #tpu.memory_space<semaphore_mem>>) {add = true}
      %mul3A_109 = arith.constant 8 : i32
      %mul3A_110 = arith.muli %add3A_51, %mul3A_109 : i32
      %add3A_111 = arith.constant 2 : i32
      %add3A_112 = arith.addi %mul3A_110, %add3A_111 : i32
      %dma_wait3A_113 = arith.constant 0 : i32
      %dma_wait3A_114 = arith.constant 0 : i32
      %dma_wait3A_115 = tpu.memref_slice %arg9[%dma_wait3A_113, %dma_wait3A_114] : memref<80x128xi32, #tpu.memory_space<vmem>> -> memref<1x128xi32, #tpu.memory_space<vmem>>
      %dma_wait3A_116 = tpu.memref_squeeze %dma_wait3A_115 : memref<1x128xi32, #tpu.memory_space<vmem>> -> memref<128xi32, #tpu.memory_space<vmem>>
      %dma_wait3A_117 = arith.constant 0 : i32
      %dma_wait3A_118 = arith.constant 0 : i32
      %dma_wait3A_119 = tpu.memref_slice %arg12[%dma_wait3A_117, %dma_wait3A_118] : memref<10112x128xf32, #tpu.memory_space<vmem_shared>> -> memref<10112x128xf32, #tpu.memory_space<vmem_shared>>
      tpu.wait_indirect_dma semaphore(%arg18 : memref<!tpu.dma_semaphore, #tpu.memory_space<semaphore_mem>>) src(%arg11 : memref<128x128xf32, #tpu.memory_space<vmem>>) dst(%dma_wait3A_119 : memref<10112x128xf32, #tpu.memory_space<vmem_shared>>)
      %dma_start3A_120 = arith.constant 3 : i32
      %dma_start3A_121 = arith.constant 0 : i32
      %dma_start3A_122 = tpu.memref_slice %arg7[%dma_start3A_120, %dma_start3A_121] : memref<8x128xi32, #tpu.memory_space<vmem>> -> memref<1x128xi32, #tpu.memory_space<vmem>>
      %dma_start3A_123 = tpu.memref_squeeze %dma_start3A_122 : memref<1x128xi32, #tpu.memory_space<vmem>> -> memref<128xi32, #tpu.memory_space<vmem>>
      %dma_start3A_124 = arith.constant 0 : i32
      %dma_start3A_125 = arith.constant 0 : i32
      %dma_start3A_126 = tpu.memref_slice %arg2[%dma_start3A_124, %dma_start3A_125] : memref<10112x128xf32, #tpu.memory_space<hbm>> -> memref<10112x128xf32, #tpu.memory_space<hbm>>
      tpu.enqueue_indirect_dma source(%dma_start3A_126 : memref<10112x128xf32, #tpu.memory_space<hbm>>) target(%arg11 : memref<128x128xf32, #tpu.memory_space<vmem>>) offsets(%dma_start3A_123 : memref<128xi32, #tpu.memory_space<vmem>>) semaphore(%arg16 : memref<!tpu.dma_semaphore, #tpu.memory_space<semaphore_mem>>)
      %dma_wait3A_127 = arith.constant 2 : i32
      %dma_wait3A_128 = arith.constant 0 : i32
      %dma_wait3A_129 = tpu.memref_slice %arg7[%dma_wait3A_127, %dma_wait3A_128] : memref<8x128xi32, #tpu.memory_space<vmem>> -> memref<1x128xi32, #tpu.memory_space<vmem>>
      %dma_wait3A_130 = tpu.memref_squeeze %dma_wait3A_129 : memref<1x128xi32, #tpu.memory_space<vmem>> -> memref<128xi32, #tpu.memory_space<vmem>>
      %dma_wait3A_131 = arith.constant 0 : i32
      %dma_wait3A_132 = arith.constant 0 : i32
      %dma_wait3A_133 = tpu.memref_slice %arg2[%dma_wait3A_131, %dma_wait3A_132] : memref<10112x128xf32, #tpu.memory_space<hbm>> -> memref<10112x128xf32, #tpu.memory_space<hbm>>
      tpu.wait_indirect_dma semaphore(%arg15 : memref<!tpu.dma_semaphore, #tpu.memory_space<semaphore_mem>>) src(%dma_wait3A_133 : memref<10112x128xf32, #tpu.memory_space<hbm>>) dst(%arg10 : memref<128x128xf32, #tpu.memory_space<vmem>>)
      %dma_start3A_134 = arith.constant 0 : i32
      %dma_start3A_135 = tpu.memref_slice %arg9[%add3A_112, %dma_start3A_134] : memref<80x128xi32, #tpu.memory_space<vmem>> -> memref<1x128xi32, #tpu.memory_space<vmem>>
      %dma_start3A_136 = tpu.memref_squeeze %dma_start3A_135 : memref<1x128xi32, #tpu.memory_space<vmem>> -> memref<128xi32, #tpu.memory_space<vmem>>
      %dma_start3A_137 = arith.constant 0 : i32
      %dma_start3A_138 = arith.constant 0 : i32
      %dma_start3A_139 = tpu.memref_slice %arg12[%dma_start3A_137, %dma_start3A_138] : memref<10112x128xf32, #tpu.memory_space<vmem_shared>> -> memref<10112x128xf32, #tpu.memory_space<vmem_shared>>
      tpu.enqueue_indirect_dma source(%arg10 : memref<128x128xf32, #tpu.memory_space<vmem>>) target(%dma_start3A_139 : memref<10112x128xf32, #tpu.memory_space<vmem_shared>>) offsets(%dma_start3A_136 : memref<128xi32, #tpu.memory_space<vmem>>) semaphore(%arg17 : memref<!tpu.dma_semaphore, #tpu.memory_space<semaphore_mem>>) {add = true}
      %mul3A_140 = arith.constant 8 : i32
      %mul3A_141 = arith.muli %add3A_51, %mul3A_140 : i32
      %add3A_142 = arith.constant 3 : i32
      %add3A_143 = arith.addi %mul3A_141, %add3A_142 : i32
      %dma_wait3A_144 = arith.constant 0 : i32
      %dma_wait3A_145 = arith.constant 0 : i32
      %dma_wait3A_146 = tpu.memref_slice %arg9[%dma_wait3A_144, %dma_wait3A_145] : memref<80x128xi32, #tpu.memory_space<vmem>> -> memref<1x128xi32, #tpu.memory_space<vmem>>
      %dma_wait3A_147 = tpu.memref_squeeze %dma_wait3A_146 : memref<1x128xi32, #tpu.memory_space<vmem>> -> memref<128xi32, #tpu.memory_space<vmem>>
      %dma_wait3A_148 = arith.constant 0 : i32
      %dma_wait3A_149 = arith.constant 0 : i32
      %dma_wait3A_150 = tpu.memref_slice %arg12[%dma_wait3A_148, %dma_wait3A_149] : memref<10112x128xf32, #tpu.memory_space<vmem_shared>> -> memref<10112x128xf32, #tpu.memory_space<vmem_shared>>
      tpu.wait_indirect_dma semaphore(%arg17 : memref<!tpu.dma_semaphore, #tpu.memory_space<semaphore_mem>>) src(%arg10 : memref<128x128xf32, #tpu.memory_space<vmem>>) dst(%dma_wait3A_150 : memref<10112x128xf32, #tpu.memory_space<vmem_shared>>)
      %dma_start3A_151 = arith.constant 4 : i32
      %dma_start3A_152 = arith.constant 0 : i32
      %dma_start3A_153 = tpu.memref_slice %arg7[%dma_start3A_151, %dma_start3A_152] : memref<8x128xi32, #tpu.memory_space<vmem>> -> memref<1x128xi32, #tpu.memory_space<vmem>>
      %dma_start3A_154 = tpu.memref_squeeze %dma_start3A_153 : memref<1x128xi32, #tpu.memory_space<vmem>> -> memref<128xi32, #tpu.memory_space<vmem>>
      %dma_start3A_155 = arith.constant 0 : i32
      %dma_start3A_156 = arith.constant 0 : i32
      %dma_start3A_157 = tpu.memref_slice %arg2[%dma_start3A_155, %dma_start3A_156] : memref<10112x128xf32, #tpu.memory_space<hbm>> -> memref<10112x128xf32, #tpu.memory_space<hbm>>
      tpu.enqueue_indirect_dma source(%dma_start3A_157 : memref<10112x128xf32, #tpu.memory_space<hbm>>) target(%arg10 : memref<128x128xf32, #tpu.memory_space<vmem>>) offsets(%dma_start3A_154 : memref<128xi32, #tpu.memory_space<vmem>>) semaphore(%arg15 : memref<!tpu.dma_semaphore, #tpu.memory_space<semaphore_mem>>)
      %dma_wait3A_158 = arith.constant 3 : i32
      %dma_wait3A_159 = arith.constant 0 : i32
      %dma_wait3A_160 = tpu.memref_slice %arg7[%dma_wait3A_158, %dma_wait3A_159] : memref<8x128xi32, #tpu.memory_space<vmem>> -> memref<1x128xi32, #tpu.memory_space<vmem>>
      %dma_wait3A_161 = tpu.memref_squeeze %dma_wait3A_160 : memref<1x128xi32, #tpu.memory_space<vmem>> -> memref<128xi32, #tpu.memory_space<vmem>>
      %dma_wait3A_162 = arith.constant 0 : i32
      %dma_wait3A_163 = arith.constant 0 : i32
      %dma_wait3A_164 = tpu.memref_slice %arg2[%dma_wait3A_162, %dma_wait3A_163] : memref<10112x128xf32, #tpu.memory_space<hbm>> -> memref<10112x128xf32, #tpu.memory_space<hbm>>
      tpu.wait_indirect_dma semaphore(%arg16 : memref<!tpu.dma_semaphore, #tpu.memory_space<semaphore_mem>>) src(%dma_wait3A_164 : memref<10112x128xf32, #tpu.memory_space<hbm>>) dst(%arg11 : memref<128x128xf32, #tpu.memory_space<vmem>>)
      %dma_start3A_165 = arith.constant 0 : i32
      %dma_start3A_166 = tpu.memref_slice %arg9[%add3A_143, %dma_start3A_165] : memref<80x128xi32, #tpu.memory_space<vmem>> -> memref<1x128xi32, #tpu.memory_space<vmem>>
      %dma_start3A_167 = tpu.memref_squeeze %dma_start3A_166 : memref<1x128xi32, #tpu.memory_space<vmem>> -> memref<128xi32, #tpu.memory_space<vmem>>
      %dma_start3A_168 = arith.constant 0 : i32
      %dma_start3A_169 = arith.constant 0 : i32
      %dma_start3A_170 = tpu.memref_slice %arg12[%dma_start3A_168, %dma_start3A_169] : memref<10112x128xf32, #tpu.memory_space<vmem_shared>> -> memref<10112x128xf32, #tpu.memory_space<vmem_shared>>
      tpu.enqueue_indirect_dma source(%arg11 : memref<128x128xf32, #tpu.memory_space<vmem>>) target(%dma_start3A_170 : memref<10112x128xf32, #tpu.memory_space<vmem_shared>>) offsets(%dma_start3A_167 : memref<128xi32, #tpu.memory_space<vmem>>) semaphore(%arg18 : memref<!tpu.dma_semaphore, #tpu.memory_space<semaphore_mem>>) {add = true}
      %mul3A_171 = arith.constant 8 : i32
      %mul3A_172 = arith.muli %add3A_51, %mul3A_171 : i32
      %add3A_173 = arith.constant 4 : i32
      %add3A_174 = arith.addi %mul3A_172, %add3A_173 : i32
      %dma_wait3A_175 = arith.constant 0 : i32
      %dma_wait3A_176 = arith.constant 0 : i32
      %dma_wait3A_177 = tpu.memref_slice %arg9[%dma_wait3A_175, %dma_wait3A_176] : memref<80x128xi32, #tpu.memory_space<vmem>> -> memref<1x128xi32, #tpu.memory_space<vmem>>
      %dma_wait3A_178 = tpu.memref_squeeze %dma_wait3A_177 : memref<1x128xi32, #tpu.memory_space<vmem>> -> memref<128xi32, #tpu.memory_space<vmem>>
      %dma_wait3A_179 = arith.constant 0 : i32
      %dma_wait3A_180 = arith.constant 0 : i32
      %dma_wait3A_181 = tpu.memref_slice %arg12[%dma_wait3A_179, %dma_wait3A_180] : memref<10112x128xf32, #tpu.memory_space<vmem_shared>> -> memref<10112x128xf32, #tpu.memory_space<vmem_shared>>
      tpu.wait_indirect_dma semaphore(%arg18 : memref<!tpu.dma_semaphore, #tpu.memory_space<semaphore_mem>>) src(%arg11 : memref<128x128xf32, #tpu.memory_space<vmem>>) dst(%dma_wait3A_181 : memref<10112x128xf32, #tpu.memory_space<vmem_shared>>)
      %dma_start3A_182 = arith.constant 5 : i32
      %dma_start3A_183 = arith.constant 0 : i32
      %dma_start3A_184 = tpu.memref_slice %arg7[%dma_start3A_182, %dma_start3A_183] : memref<8x128xi32, #tpu.memory_space<vmem>> -> memref<1x128xi32, #tpu.memory_space<vmem>>
      %dma_start3A_185 = tpu.memref_squeeze %dma_start3A_184 : memref<1x128xi32, #tpu.memory_space<vmem>> -> memref<128xi32, #tpu.memory_space<vmem>>
      %dma_start3A_186 = arith.constant 0 : i32
      %dma_start3A_187 = arith.constant 0 : i32
      %dma_start3A_188 = tpu.memref_slice %arg2[%dma_start3A_186, %dma_start3A_187] : memref<10112x128xf32, #tpu.memory_space<hbm>> -> memref<10112x128xf32, #tpu.memory_space<hbm>>
      tpu.enqueue_indirect_dma source(%dma_start3A_188 : memref<10112x128xf32, #tpu.memory_space<hbm>>) target(%arg11 : memref<128x128xf32, #tpu.memory_space<vmem>>) offsets(%dma_start3A_185 : memref<128xi32, #tpu.memory_space<vmem>>) semaphore(%arg16 : memref<!tpu.dma_semaphore, #tpu.memory_space<semaphore_mem>>)
      %dma_wait3A_189 = arith.constant 4 : i32
      %dma_wait3A_190 = arith.constant 0 : i32
      %dma_wait3A_191 = tpu.memref_slice %arg7[%dma_wait3A_189, %dma_wait3A_190] : memref<8x128xi32, #tpu.memory_space<vmem>> -> memref<1x128xi32, #tpu.memory_space<vmem>>
      %dma_wait3A_192 = tpu.memref_squeeze %dma_wait3A_191 : memref<1x128xi32, #tpu.memory_space<vmem>> -> memref<128xi32, #tpu.memory_space<vmem>>
      %dma_wait3A_193 = arith.constant 0 : i32
      %dma_wait3A_194 = arith.constant 0 : i32
      %dma_wait3A_195 = tpu.memref_slice %arg2[%dma_wait3A_193, %dma_wait3A_194] : memref<10112x128xf32, #tpu.memory_space<hbm>> -> memref<10112x128xf32, #tpu.memory_space<hbm>>
      tpu.wait_indirect_dma semaphore(%arg15 : memref<!tpu.dma_semaphore, #tpu.memory_space<semaphore_mem>>) src(%dma_wait3A_195 : memref<10112x128xf32, #tpu.memory_space<hbm>>) dst(%arg10 : memref<128x128xf32, #tpu.memory_space<vmem>>)
      %dma_start3A_196 = arith.constant 0 : i32
      %dma_start3A_197 = tpu.memref_slice %arg9[%add3A_174, %dma_start3A_196] : memref<80x128xi32, #tpu.memory_space<vmem>> -> memref<1x128xi32, #tpu.memory_space<vmem>>
      %dma_start3A_198 = tpu.memref_squeeze %dma_start3A_197 : memref<1x128xi32, #tpu.memory_space<vmem>> -> memref<128xi32, #tpu.memory_space<vmem>>
      %dma_start3A_199 = arith.constant 0 : i32
      %dma_start3A_200 = arith.constant 0 : i32
      %dma_start3A_201 = tpu.memref_slice %arg12[%dma_start3A_199, %dma_start3A_200] : memref<10112x128xf32, #tpu.memory_space<vmem_shared>> -> memref<10112x128xf32, #tpu.memory_space<vmem_shared>>
      tpu.enqueue_indirect_dma source(%arg10 : memref<128x128xf32, #tpu.memory_space<vmem>>) target(%dma_start3A_201 : memref<10112x128xf32, #tpu.memory_space<vmem_shared>>) offsets(%dma_start3A_198 : memref<128xi32, #tpu.memory_space<vmem>>) semaphore(%arg17 : memref<!tpu.dma_semaphore, #tpu.memory_space<semaphore_mem>>) {add = true}
      %mul3A_202 = arith.constant 8 : i32
      %mul3A_203 = arith.muli %add3A_51, %mul3A_202 : i32
      %add3A_204 = arith.constant 5 : i32
      %add3A_205 = arith.addi %mul3A_203, %add3A_204 : i32
      %dma_wait3A_206 = arith.constant 0 : i32
      %dma_wait3A_207 = arith.constant 0 : i32
      %dma_wait3A_208 = tpu.memref_slice %arg9[%dma_wait3A_206, %dma_wait3A_207] : memref<80x128xi32, #tpu.memory_space<vmem>> -> memref<1x128xi32, #tpu.memory_space<vmem>>
      %dma_wait3A_209 = tpu.memref_squeeze %dma_wait3A_208 : memref<1x128xi32, #tpu.memory_space<vmem>> -> memref<128xi32, #tpu.memory_space<vmem>>
      %dma_wait3A_210 = arith.constant 0 : i32
      %dma_wait3A_211 = arith.constant 0 : i32
      %dma_wait3A_212 = tpu.memref_slice %arg12[%dma_wait3A_210, %dma_wait3A_211] : memref<10112x128xf32, #tpu.memory_space<vmem_shared>> -> memref<10112x128xf32, #tpu.memory_space<vmem_shared>>
      tpu.wait_indirect_dma semaphore(%arg17 : memref<!tpu.dma_semaphore, #tpu.memory_space<semaphore_mem>>) src(%arg10 : memref<128x128xf32, #tpu.memory_space<vmem>>) dst(%dma_wait3A_212 : memref<10112x128xf32, #tpu.memory_space<vmem_shared>>)
      %dma_start3A_213 = arith.constant 6 : i32
      %dma_start3A_214 = arith.constant 0 : i32
      %dma_start3A_215 = tpu.memref_slice %arg7[%dma_start3A_213, %dma_start3A_214] : memref<8x128xi32, #tpu.memory_space<vmem>> -> memref<1x128xi32, #tpu.memory_space<vmem>>
      %dma_start3A_216 = tpu.memref_squeeze %dma_start3A_215 : memref<1x128xi32, #tpu.memory_space<vmem>> -> memref<128xi32, #tpu.memory_space<vmem>>
      %dma_start3A_217 = arith.constant 0 : i32
      %dma_start3A_218 = arith.constant 0 : i32
      %dma_start3A_219 = tpu.memref_slice %arg2[%dma_start3A_217, %dma_start3A_218] : memref<10112x128xf32, #tpu.memory_space<hbm>> -> memref<10112x128xf32, #tpu.memory_space<hbm>>
      tpu.enqueue_indirect_dma source(%dma_start3A_219 : memref<10112x128xf32, #tpu.memory_space<hbm>>) target(%arg10 : memref<128x128xf32, #tpu.memory_space<vmem>>) offsets(%dma_start3A_216 : memref<128xi32, #tpu.memory_space<vmem>>) semaphore(%arg15 : memref<!tpu.dma_semaphore, #tpu.memory_space<semaphore_mem>>)
      %dma_wait3A_220 = arith.constant 5 : i32
      %dma_wait3A_221 = arith.constant 0 : i32
      %dma_wait3A_222 = tpu.memref_slice %arg7[%dma_wait3A_220, %dma_wait3A_221] : memref<8x128xi32, #tpu.memory_space<vmem>> -> memref<1x128xi32, #tpu.memory_space<vmem>>
      %dma_wait3A_223 = tpu.memref_squeeze %dma_wait3A_222 : memref<1x128xi32, #tpu.memory_space<vmem>> -> memref<128xi32, #tpu.memory_space<vmem>>
      %dma_wait3A_224 = arith.constant 0 : i32
      %dma_wait3A_225 = arith.constant 0 : i32
      %dma_wait3A_226 = tpu.memref_slice %arg2[%dma_wait3A_224, %dma_wait3A_225] : memref<10112x128xf32, #tpu.memory_space<hbm>> -> memref<10112x128xf32, #tpu.memory_space<hbm>>
      tpu.wait_indirect_dma semaphore(%arg16 : memref<!tpu.dma_semaphore, #tpu.memory_space<semaphore_mem>>) src(%dma_wait3A_226 : memref<10112x128xf32, #tpu.memory_space<hbm>>) dst(%arg11 : memref<128x128xf32, #tpu.memory_space<vmem>>)
      %dma_start3A_227 = arith.constant 0 : i32
      %dma_start3A_228 = tpu.memref_slice %arg9[%add3A_205, %dma_start3A_227] : memref<80x128xi32, #tpu.memory_space<vmem>> -> memref<1x128xi32, #tpu.memory_space<vmem>>
      %dma_start3A_229 = tpu.memref_squeeze %dma_start3A_228 : memref<1x128xi32, #tpu.memory_space<vmem>> -> memref<128xi32, #tpu.memory_space<vmem>>
      %dma_start3A_230 = arith.constant 0 : i32
      %dma_start3A_231 = arith.constant 0 : i32
      %dma_start3A_232 = tpu.memref_slice %arg12[%dma_start3A_230, %dma_start3A_231] : memref<10112x128xf32, #tpu.memory_space<vmem_shared>> -> memref<10112x128xf32, #tpu.memory_space<vmem_shared>>
      tpu.enqueue_indirect_dma source(%arg11 : memref<128x128xf32, #tpu.memory_space<vmem>>) target(%dma_start3A_232 : memref<10112x128xf32, #tpu.memory_space<vmem_shared>>) offsets(%dma_start3A_229 : memref<128xi32, #tpu.memory_space<vmem>>) semaphore(%arg18 : memref<!tpu.dma_semaphore, #tpu.memory_space<semaphore_mem>>) {add = true}
      %mul3A_233 = arith.constant 8 : i32
      %mul3A_234 = arith.muli %add3A_51, %mul3A_233 : i32
      %add3A_235 = arith.constant 6 : i32
      %add3A_236 = arith.addi %mul3A_234, %add3A_235 : i32
      %dma_wait3A_237 = arith.constant 0 : i32
      %dma_wait3A_238 = arith.constant 0 : i32
      %dma_wait3A_239 = tpu.memref_slice %arg9[%dma_wait3A_237, %dma_wait3A_238] : memref<80x128xi32, #tpu.memory_space<vmem>> -> memref<1x128xi32, #tpu.memory_space<vmem>>
      %dma_wait3A_240 = tpu.memref_squeeze %dma_wait3A_239 : memref<1x128xi32, #tpu.memory_space<vmem>> -> memref<128xi32, #tpu.memory_space<vmem>>
      %dma_wait3A_241 = arith.constant 0 : i32
      %dma_wait3A_242 = arith.constant 0 : i32
      %dma_wait3A_243 = tpu.memref_slice %arg12[%dma_wait3A_241, %dma_wait3A_242] : memref<10112x128xf32, #tpu.memory_space<vmem_shared>> -> memref<10112x128xf32, #tpu.memory_space<vmem_shared>>
      tpu.wait_indirect_dma semaphore(%arg18 : memref<!tpu.dma_semaphore, #tpu.memory_space<semaphore_mem>>) src(%arg11 : memref<128x128xf32, #tpu.memory_space<vmem>>) dst(%dma_wait3A_243 : memref<10112x128xf32, #tpu.memory_space<vmem_shared>>)
      %dma_start3A_244 = arith.constant 7 : i32
      %dma_start3A_245 = arith.constant 0 : i32
      %dma_start3A_246 = tpu.memref_slice %arg7[%dma_start3A_244, %dma_start3A_245] : memref<8x128xi32, #tpu.memory_space<vmem>> -> memref<1x128xi32, #tpu.memory_space<vmem>>
      %dma_start3A_247 = tpu.memref_squeeze %dma_start3A_246 : memref<1x128xi32, #tpu.memory_space<vmem>> -> memref<128xi32, #tpu.memory_space<vmem>>
      %dma_start3A_248 = arith.constant 0 : i32
      %dma_start3A_249 = arith.constant 0 : i32
      %dma_start3A_250 = tpu.memref_slice %arg2[%dma_start3A_248, %dma_start3A_249] : memref<10112x128xf32, #tpu.memory_space<hbm>> -> memref<10112x128xf32, #tpu.memory_space<hbm>>
      tpu.enqueue_indirect_dma source(%dma_start3A_250 : memref<10112x128xf32, #tpu.memory_space<hbm>>) target(%arg11 : memref<128x128xf32, #tpu.memory_space<vmem>>) offsets(%dma_start3A_247 : memref<128xi32, #tpu.memory_space<vmem>>) semaphore(%arg16 : memref<!tpu.dma_semaphore, #tpu.memory_space<semaphore_mem>>)
      %dma_wait3A_251 = arith.constant 6 : i32
      %dma_wait3A_252 = arith.constant 0 : i32
      %dma_wait3A_253 = tpu.memref_slice %arg7[%dma_wait3A_251, %dma_wait3A_252] : memref<8x128xi32, #tpu.memory_space<vmem>> -> memref<1x128xi32, #tpu.memory_space<vmem>>
      %dma_wait3A_254 = tpu.memref_squeeze %dma_wait3A_253 : memref<1x128xi32, #tpu.memory_space<vmem>> -> memref<128xi32, #tpu.memory_space<vmem>>
      %dma_wait3A_255 = arith.constant 0 : i32
      %dma_wait3A_256 = arith.constant 0 : i32
      %dma_wait3A_257 = tpu.memref_slice %arg2[%dma_wait3A_255, %dma_wait3A_256] : memref<10112x128xf32, #tpu.memory_space<hbm>> -> memref<10112x128xf32, #tpu.memory_space<hbm>>
      tpu.wait_indirect_dma semaphore(%arg15 : memref<!tpu.dma_semaphore, #tpu.memory_space<semaphore_mem>>) src(%dma_wait3A_257 : memref<10112x128xf32, #tpu.memory_space<hbm>>) dst(%arg10 : memref<128x128xf32, #tpu.memory_space<vmem>>)
      %dma_start3A_258 = arith.constant 0 : i32
      %dma_start3A_259 = tpu.memref_slice %arg9[%add3A_236, %dma_start3A_258] : memref<80x128xi32, #tpu.memory_space<vmem>> -> memref<1x128xi32, #tpu.memory_space<vmem>>
      %dma_start3A_260 = tpu.memref_squeeze %dma_start3A_259 : memref<1x128xi32, #tpu.memory_space<vmem>> -> memref<128xi32, #tpu.memory_space<vmem>>
      %dma_start3A_261 = arith.constant 0 : i32
      %dma_start3A_262 = arith.constant 0 : i32
      %dma_start3A_263 = tpu.memref_slice %arg12[%dma_start3A_261, %dma_start3A_262] : memref<10112x128xf32, #tpu.memory_space<vmem_shared>> -> memref<10112x128xf32, #tpu.memory_space<vmem_shared>>
      tpu.enqueue_indirect_dma source(%arg10 : memref<128x128xf32, #tpu.memory_space<vmem>>) target(%dma_start3A_263 : memref<10112x128xf32, #tpu.memory_space<vmem_shared>>) offsets(%dma_start3A_260 : memref<128xi32, #tpu.memory_space<vmem>>) semaphore(%arg17 : memref<!tpu.dma_semaphore, #tpu.memory_space<semaphore_mem>>) {add = true}
      %mul3A_264 = arith.constant 8 : i32
      %mul3A_265 = arith.muli %add3A_51, %mul3A_264 : i32
      %add3A_266 = arith.constant 7 : i32
      %add3A_267 = arith.addi %mul3A_265, %add3A_266 : i32
      %dma_wait3A_268 = arith.constant 0 : i32
      %dma_wait3A_269 = arith.constant 0 : i32
      %dma_wait3A_270 = tpu.memref_slice %arg9[%dma_wait3A_268, %dma_wait3A_269] : memref<80x128xi32, #tpu.memory_space<vmem>> -> memref<1x128xi32, #tpu.memory_space<vmem>>
      %dma_wait3A_271 = tpu.memref_squeeze %dma_wait3A_270 : memref<1x128xi32, #tpu.memory_space<vmem>> -> memref<128xi32, #tpu.memory_space<vmem>>
      %dma_wait3A_272 = arith.constant 0 : i32
      %dma_wait3A_273 = arith.constant 0 : i32
      %dma_wait3A_274 = tpu.memref_slice %arg12[%dma_wait3A_272, %dma_wait3A_273] : memref<10112x128xf32, #tpu.memory_space<vmem_shared>> -> memref<10112x128xf32, #tpu.memory_space<vmem_shared>>
      tpu.wait_indirect_dma semaphore(%arg17 : memref<!tpu.dma_semaphore, #tpu.memory_space<semaphore_mem>>) src(%arg10 : memref<128x128xf32, #tpu.memory_space<vmem>>) dst(%dma_wait3A_274 : memref<10112x128xf32, #tpu.memory_space<vmem_shared>>)
      %add3A_275 = arith.constant 1 : i32
      %add3A_276 = arith.addi %add3A_51, %add3A_275 : i32
      %lt3A = arith.constant 10 : i32
      %lt3A_277 = arith.cmpi slt, %add3A_276, %lt3A : i32
      %convert_element_type3A_278 = arith.extui %lt3A_277 : i1 to i32
      %cond3A_279 = arith.constant 0 : i32
      %cond3A_280 = arith.cmpi ne, %convert_element_type3A_278, %cond3A_279 : i32
      scf.if %cond3A_280 {
        %dma_wait3A_560 = arith.constant 0 : i32
        %dma_wait3A_561 = arith.constant 0 : i32
        %dma_wait3A_562 = tpu.memref_slice %arg3[%add3A, %dma_wait3A_560, %dma_wait3A_561] : memref<32x80x128xi32, #tpu.memory_space<hbm>> -> memref<1x8x128xi32, #tpu.memory_space<hbm>>
        %dma_wait3A_563 = tpu.memref_squeeze %dma_wait3A_562 : memref<1x8x128xi32, #tpu.memory_space<hbm>> -> memref<8x128xi32, #tpu.memory_space<hbm>>
        %dma_wait3A_564 = arith.constant 0 : i32
        %dma_wait3A_565 = arith.constant 0 : i32
        %dma_wait3A_566 = tpu.memref_slice %arg3[%add3A, %dma_wait3A_564, %dma_wait3A_565] : memref<32x80x128xi32, #tpu.memory_space<hbm>> -> memref<1x8x128xi32, #tpu.memory_space<hbm>>
        %dma_wait3A_567 = tpu.memref_squeeze %dma_wait3A_566 : memref<1x8x128xi32, #tpu.memory_space<hbm>> -> memref<8x128xi32, #tpu.memory_space<hbm>>
        tpu.wait_dma2 semaphore(%arg14 : memref<!tpu.dma_semaphore, #tpu.memory_space<semaphore_mem>>) src(%dma_wait3A_567 : memref<8x128xi32, #tpu.memory_space<hbm>>) dst(%arg8 : memref<8x128xi32, #tpu.memory_space<vmem>>)
        %dma_start3A_568 = arith.constant 0 : i32
        %dma_start3A_569 = arith.constant 0 : i32
        %dma_start3A_570 = tpu.memref_slice %arg8[%dma_start3A_568, %dma_start3A_569] : memref<8x128xi32, #tpu.memory_space<vmem>> -> memref<1x128xi32, #tpu.memory_space<vmem>>
        %dma_start3A_571 = tpu.memref_squeeze %dma_start3A_570 : memref<1x128xi32, #tpu.memory_space<vmem>> -> memref<128xi32, #tpu.memory_space<vmem>>
        %dma_start3A_572 = arith.constant 0 : i32
        %dma_start3A_573 = arith.constant 0 : i32
        %dma_start3A_574 = tpu.memref_slice %arg2[%dma_start3A_572, %dma_start3A_573] : memref<10112x128xf32, #tpu.memory_space<hbm>> -> memref<10112x128xf32, #tpu.memory_space<hbm>>
        tpu.enqueue_indirect_dma source(%dma_start3A_574 : memref<10112x128xf32, #tpu.memory_space<hbm>>) target(%arg10 : memref<128x128xf32, #tpu.memory_space<vmem>>) offsets(%dma_start3A_571 : memref<128xi32, #tpu.memory_space<vmem>>) semaphore(%arg15 : memref<!tpu.dma_semaphore, #tpu.memory_space<semaphore_mem>>)
      } else {
      }
      %dma_wait3A_281 = arith.constant 7 : i32
      %dma_wait3A_282 = arith.constant 0 : i32
      %dma_wait3A_283 = tpu.memref_slice %arg7[%dma_wait3A_281, %dma_wait3A_282] : memref<8x128xi32, #tpu.memory_space<vmem>> -> memref<1x128xi32, #tpu.memory_space<vmem>>
      %dma_wait3A_284 = tpu.memref_squeeze %dma_wait3A_283 : memref<1x128xi32, #tpu.memory_space<vmem>> -> memref<128xi32, #tpu.memory_space<vmem>>
      %dma_wait3A_285 = arith.constant 0 : i32
      %dma_wait3A_286 = arith.constant 0 : i32
      %dma_wait3A_287 = tpu.memref_slice %arg2[%dma_wait3A_285, %dma_wait3A_286] : memref<10112x128xf32, #tpu.memory_space<hbm>> -> memref<10112x128xf32, #tpu.memory_space<hbm>>
      tpu.wait_indirect_dma semaphore(%arg16 : memref<!tpu.dma_semaphore, #tpu.memory_space<semaphore_mem>>) src(%dma_wait3A_287 : memref<10112x128xf32, #tpu.memory_space<hbm>>) dst(%arg11 : memref<128x128xf32, #tpu.memory_space<vmem>>)
      %dma_start3A_288 = arith.constant 0 : i32
      %dma_start3A_289 = tpu.memref_slice %arg9[%add3A_267, %dma_start3A_288] : memref<80x128xi32, #tpu.memory_space<vmem>> -> memref<1x128xi32, #tpu.memory_space<vmem>>
      %dma_start3A_290 = tpu.memref_squeeze %dma_start3A_289 : memref<1x128xi32, #tpu.memory_space<vmem>> -> memref<128xi32, #tpu.memory_space<vmem>>
      %dma_start3A_291 = arith.constant 0 : i32
      %dma_start3A_292 = arith.constant 0 : i32
      %dma_start3A_293 = tpu.memref_slice %arg12[%dma_start3A_291, %dma_start3A_292] : memref<10112x128xf32, #tpu.memory_space<vmem_shared>> -> memref<10112x128xf32, #tpu.memory_space<vmem_shared>>
      tpu.enqueue_indirect_dma source(%arg11 : memref<128x128xf32, #tpu.memory_space<vmem>>) target(%dma_start3A_293 : memref<10112x128xf32, #tpu.memory_space<vmem_shared>>) offsets(%dma_start3A_290 : memref<128xi32, #tpu.memory_space<vmem>>) semaphore(%arg18 : memref<!tpu.dma_semaphore, #tpu.memory_space<semaphore_mem>>) {add = true}
      %add3A_294 = arith.constant 2 : i32
      %add3A_295 = arith.addi %add3A_51, %add3A_294 : i32
      %lt3A_296 = arith.constant 10 : i32
      %lt3A_297 = arith.cmpi slt, %add3A_295, %lt3A_296 : i32
      %convert_element_type3A_298 = arith.extui %lt3A_297 : i1 to i32
      %cond3A_299 = arith.constant 0 : i32
      %cond3A_300 = arith.cmpi ne, %convert_element_type3A_298, %cond3A_299 : i32
      scf.if %cond3A_300 {
        %add3A_560 = arith.constant 2 : i32
        %add3A_561 = arith.addi %add3A_51, %add3A_560 : i32
        %mul3A_562 = arith.constant 8 : i32
        %mul3A_563 = arith.muli %add3A_561, %mul3A_562 : i32
        %dma_start3A_564 = arith.constant 0 : i32
        %dma_start3A_565 = tpu.memref_slice %arg3[%add3A, %mul3A_563, %dma_start3A_564] : memref<32x80x128xi32, #tpu.memory_space<hbm>> -> memref<1x8x128xi32, #tpu.memory_space<hbm>>
        %dma_start3A_566 = tpu.memref_squeeze %dma_start3A_565 : memref<1x8x128xi32, #tpu.memory_space<hbm>> -> memref<8x128xi32, #tpu.memory_space<hbm>>
        %dma_start3A_567 = arith.constant 0 : i32
        %dma_start3A_568 = tpu.memref_slice %arg3[%add3A, %mul3A_563, %dma_start3A_567] : memref<32x80x128xi32, #tpu.memory_space<hbm>> -> memref<1x8x128xi32, #tpu.memory_space<hbm>>
        %dma_start3A_569 = tpu.memref_squeeze %dma_start3A_568 : memref<1x8x128xi32, #tpu.memory_space<hbm>> -> memref<8x128xi32, #tpu.memory_space<hbm>>
        tpu.enqueue_dma source(%dma_start3A_569 : memref<8x128xi32, #tpu.memory_space<hbm>>) target(%arg7 : memref<8x128xi32, #tpu.memory_space<vmem>>) target_semaphore(%arg13 : memref<!tpu.dma_semaphore, #tpu.memory_space<semaphore_mem>>)
      } else {
      }
      %mul3A_301 = arith.constant 2 : i32
      %mul3A_302 = arith.muli %mul3A_301, %scan3A_47 : i32
      %add3A_303 = arith.constant 1 : i32
      %add3A_304 = arith.addi %mul3A_302, %add3A_303 : i32
      %mul3A_305 = arith.constant 8 : i32
      %mul3A_306 = arith.muli %add3A_304, %mul3A_305 : i32
      %add3A_307 = arith.constant 0 : i32
      %add3A_308 = arith.addi %mul3A_306, %add3A_307 : i32
      %dma_wait3A_309 = arith.constant 0 : i32
      %dma_wait3A_310 = arith.constant 0 : i32
      %dma_wait3A_311 = tpu.memref_slice %arg9[%dma_wait3A_309, %dma_wait3A_310] : memref<80x128xi32, #tpu.memory_space<vmem>> -> memref<1x128xi32, #tpu.memory_space<vmem>>
      %dma_wait3A_312 = tpu.memref_squeeze %dma_wait3A_311 : memref<1x128xi32, #tpu.memory_space<vmem>> -> memref<128xi32, #tpu.memory_space<vmem>>
      %dma_wait3A_313 = arith.constant 0 : i32
      %dma_wait3A_314 = arith.constant 0 : i32
      %dma_wait3A_315 = tpu.memref_slice %arg12[%dma_wait3A_313, %dma_wait3A_314] : memref<10112x128xf32, #tpu.memory_space<vmem_shared>> -> memref<10112x128xf32, #tpu.memory_space<vmem_shared>>
      tpu.wait_indirect_dma semaphore(%arg18 : memref<!tpu.dma_semaphore, #tpu.memory_space<semaphore_mem>>) src(%arg11 : memref<128x128xf32, #tpu.memory_space<vmem>>) dst(%dma_wait3A_315 : memref<10112x128xf32, #tpu.memory_space<vmem_shared>>)
      %dma_start3A_316 = arith.constant 1 : i32
      %dma_start3A_317 = arith.constant 0 : i32
      %dma_start3A_318 = tpu.memref_slice %arg8[%dma_start3A_316, %dma_start3A_317] : memref<8x128xi32, #tpu.memory_space<vmem>> -> memref<1x128xi32, #tpu.memory_space<vmem>>
      %dma_start3A_319 = tpu.memref_squeeze %dma_start3A_318 : memref<1x128xi32, #tpu.memory_space<vmem>> -> memref<128xi32, #tpu.memory_space<vmem>>
      %dma_start3A_320 = arith.constant 0 : i32
      %dma_start3A_321 = arith.constant 0 : i32
      %dma_start3A_322 = tpu.memref_slice %arg2[%dma_start3A_320, %dma_start3A_321] : memref<10112x128xf32, #tpu.memory_space<hbm>> -> memref<10112x128xf32, #tpu.memory_space<hbm>>
      tpu.enqueue_indirect_dma source(%dma_start3A_322 : memref<10112x128xf32, #tpu.memory_space<hbm>>) target(%arg11 : memref<128x128xf32, #tpu.memory_space<vmem>>) offsets(%dma_start3A_319 : memref<128xi32, #tpu.memory_space<vmem>>) semaphore(%arg16 : memref<!tpu.dma_semaphore, #tpu.memory_space<semaphore_mem>>)
      %dma_wait3A_323 = arith.constant 0 : i32
      %dma_wait3A_324 = arith.constant 0 : i32
      %dma_wait3A_325 = tpu.memref_slice %arg8[%dma_wait3A_323, %dma_wait3A_324] : memref<8x128xi32, #tpu.memory_space<vmem>> -> memref<1x128xi32, #tpu.memory_space<vmem>>
      %dma_wait3A_326 = tpu.memref_squeeze %dma_wait3A_325 : memref<1x128xi32, #tpu.memory_space<vmem>> -> memref<128xi32, #tpu.memory_space<vmem>>
      %dma_wait3A_327 = arith.constant 0 : i32
      %dma_wait3A_328 = arith.constant 0 : i32
      %dma_wait3A_329 = tpu.memref_slice %arg2[%dma_wait3A_327, %dma_wait3A_328] : memref<10112x128xf32, #tpu.memory_space<hbm>> -> memref<10112x128xf32, #tpu.memory_space<hbm>>
      tpu.wait_indirect_dma semaphore(%arg15 : memref<!tpu.dma_semaphore, #tpu.memory_space<semaphore_mem>>) src(%dma_wait3A_329 : memref<10112x128xf32, #tpu.memory_space<hbm>>) dst(%arg10 : memref<128x128xf32, #tpu.memory_space<vmem>>)
      %dma_start3A_330 = arith.constant 0 : i32
      %dma_start3A_331 = tpu.memref_slice %arg9[%add3A_308, %dma_start3A_330] : memref<80x128xi32, #tpu.memory_space<vmem>> -> memref<1x128xi32, #tpu.memory_space<vmem>>
      %dma_start3A_332 = tpu.memref_squeeze %dma_start3A_331 : memref<1x128xi32, #tpu.memory_space<vmem>> -> memref<128xi32, #tpu.memory_space<vmem>>
      %dma_start3A_333 = arith.constant 0 : i32
      %dma_start3A_334 = arith.constant 0 : i32
      %dma_start3A_335 = tpu.memref_slice %arg12[%dma_start3A_333, %dma_start3A_334] : memref<10112x128xf32, #tpu.memory_space<vmem_shared>> -> memref<10112x128xf32, #tpu.memory_space<vmem_shared>>
      tpu.enqueue_indirect_dma source(%arg10 : memref<128x128xf32, #tpu.memory_space<vmem>>) target(%dma_start3A_335 : memref<10112x128xf32, #tpu.memory_space<vmem_shared>>) offsets(%dma_start3A_332 : memref<128xi32, #tpu.memory_space<vmem>>) semaphore(%arg17 : memref<!tpu.dma_semaphore, #tpu.memory_space<semaphore_mem>>) {add = true}
      %mul3A_336 = arith.constant 8 : i32
      %mul3A_337 = arith.muli %add3A_304, %mul3A_336 : i32
      %add3A_338 = arith.constant 1 : i32
      %add3A_339 = arith.addi %mul3A_337, %add3A_338 : i32
      %dma_wait3A_340 = arith.constant 0 : i32
      %dma_wait3A_341 = arith.constant 0 : i32
      %dma_wait3A_342 = tpu.memref_slice %arg9[%dma_wait3A_340, %dma_wait3A_341] : memref<80x128xi32, #tpu.memory_space<vmem>> -> memref<1x128xi32, #tpu.memory_space<vmem>>
      %dma_wait3A_343 = tpu.memref_squeeze %dma_wait3A_342 : memref<1x128xi32, #tpu.memory_space<vmem>> -> memref<128xi32, #tpu.memory_space<vmem>>
      %dma_wait3A_344 = arith.constant 0 : i32
      %dma_wait3A_345 = arith.constant 0 : i32
      %dma_wait3A_346 = tpu.memref_slice %arg12[%dma_wait3A_344, %dma_wait3A_345] : memref<10112x128xf32, #tpu.memory_space<vmem_shared>> -> memref<10112x128xf32, #tpu.memory_space<vmem_shared>>
      tpu.wait_indirect_dma semaphore(%arg17 : memref<!tpu.dma_semaphore, #tpu.memory_space<semaphore_mem>>) src(%arg10 : memref<128x128xf32, #tpu.memory_space<vmem>>) dst(%dma_wait3A_346 : memref<10112x128xf32, #tpu.memory_space<vmem_shared>>)
      %dma_start3A_347 = arith.constant 2 : i32
      %dma_start3A_348 = arith.constant 0 : i32
      %dma_start3A_349 = tpu.memref_slice %arg8[%dma_start3A_347, %dma_start3A_348] : memref<8x128xi32, #tpu.memory_space<vmem>> -> memref<1x128xi32, #tpu.memory_space<vmem>>
      %dma_start3A_350 = tpu.memref_squeeze %dma_start3A_349 : memref<1x128xi32, #tpu.memory_space<vmem>> -> memref<128xi32, #tpu.memory_space<vmem>>
      %dma_start3A_351 = arith.constant 0 : i32
      %dma_start3A_352 = arith.constant 0 : i32
      %dma_start3A_353 = tpu.memref_slice %arg2[%dma_start3A_351, %dma_start3A_352] : memref<10112x128xf32, #tpu.memory_space<hbm>> -> memref<10112x128xf32, #tpu.memory_space<hbm>>
      tpu.enqueue_indirect_dma source(%dma_start3A_353 : memref<10112x128xf32, #tpu.memory_space<hbm>>) target(%arg10 : memref<128x128xf32, #tpu.memory_space<vmem>>) offsets(%dma_start3A_350 : memref<128xi32, #tpu.memory_space<vmem>>) semaphore(%arg15 : memref<!tpu.dma_semaphore, #tpu.memory_space<semaphore_mem>>)
      %dma_wait3A_354 = arith.constant 1 : i32
      %dma_wait3A_355 = arith.constant 0 : i32
      %dma_wait3A_356 = tpu.memref_slice %arg8[%dma_wait3A_354, %dma_wait3A_355] : memref<8x128xi32, #tpu.memory_space<vmem>> -> memref<1x128xi32, #tpu.memory_space<vmem>>
      %dma_wait3A_357 = tpu.memref_squeeze %dma_wait3A_356 : memref<1x128xi32, #tpu.memory_space<vmem>> -> memref<128xi32, #tpu.memory_space<vmem>>
      %dma_wait3A_358 = arith.constant 0 : i32
      %dma_wait3A_359 = arith.constant 0 : i32
      %dma_wait3A_360 = tpu.memref_slice %arg2[%dma_wait3A_358, %dma_wait3A_359] : memref<10112x128xf32, #tpu.memory_space<hbm>> -> memref<10112x128xf32, #tpu.memory_space<hbm>>
      tpu.wait_indirect_dma semaphore(%arg16 : memref<!tpu.dma_semaphore, #tpu.memory_space<semaphore_mem>>) src(%dma_wait3A_360 : memref<10112x128xf32, #tpu.memory_space<hbm>>) dst(%arg11 : memref<128x128xf32, #tpu.memory_space<vmem>>)
      %dma_start3A_361 = arith.constant 0 : i32
      %dma_start3A_362 = tpu.memref_slice %arg9[%add3A_339, %dma_start3A_361] : memref<80x128xi32, #tpu.memory_space<vmem>> -> memref<1x128xi32, #tpu.memory_space<vmem>>
      %dma_start3A_363 = tpu.memref_squeeze %dma_start3A_362 : memref<1x128xi32, #tpu.memory_space<vmem>> -> memref<128xi32, #tpu.memory_space<vmem>>
      %dma_start3A_364 = arith.constant 0 : i32
      %dma_start3A_365 = arith.constant 0 : i32
      %dma_start3A_366 = tpu.memref_slice %arg12[%dma_start3A_364, %dma_start3A_365] : memref<10112x128xf32, #tpu.memory_space<vmem_shared>> -> memref<10112x128xf32, #tpu.memory_space<vmem_shared>>
      tpu.enqueue_indirect_dma source(%arg11 : memref<128x128xf32, #tpu.memory_space<vmem>>) target(%dma_start3A_366 : memref<10112x128xf32, #tpu.memory_space<vmem_shared>>) offsets(%dma_start3A_363 : memref<128xi32, #tpu.memory_space<vmem>>) semaphore(%arg18 : memref<!tpu.dma_semaphore, #tpu.memory_space<semaphore_mem>>) {add = true}
      %mul3A_367 = arith.constant 8 : i32
      %mul3A_368 = arith.muli %add3A_304, %mul3A_367 : i32
      %add3A_369 = arith.constant 2 : i32
      %add3A_370 = arith.addi %mul3A_368, %add3A_369 : i32
      %dma_wait3A_371 = arith.constant 0 : i32
      %dma_wait3A_372 = arith.constant 0 : i32
      %dma_wait3A_373 = tpu.memref_slice %arg9[%dma_wait3A_371, %dma_wait3A_372] : memref<80x128xi32, #tpu.memory_space<vmem>> -> memref<1x128xi32, #tpu.memory_space<vmem>>
      %dma_wait3A_374 = tpu.memref_squeeze %dma_wait3A_373 : memref<1x128xi32, #tpu.memory_space<vmem>> -> memref<128xi32, #tpu.memory_space<vmem>>
      %dma_wait3A_375 = arith.constant 0 : i32
      %dma_wait3A_376 = arith.constant 0 : i32
      %dma_wait3A_377 = tpu.memref_slice %arg12[%dma_wait3A_375, %dma_wait3A_376] : memref<10112x128xf32, #tpu.memory_space<vmem_shared>> -> memref<10112x128xf32, #tpu.memory_space<vmem_shared>>
      tpu.wait_indirect_dma semaphore(%arg18 : memref<!tpu.dma_semaphore, #tpu.memory_space<semaphore_mem>>) src(%arg11 : memref<128x128xf32, #tpu.memory_space<vmem>>) dst(%dma_wait3A_377 : memref<10112x128xf32, #tpu.memory_space<vmem_shared>>)
      %dma_start3A_378 = arith.constant 3 : i32
      %dma_start3A_379 = arith.constant 0 : i32
      %dma_start3A_380 = tpu.memref_slice %arg8[%dma_start3A_378, %dma_start3A_379] : memref<8x128xi32, #tpu.memory_space<vmem>> -> memref<1x128xi32, #tpu.memory_space<vmem>>
      %dma_start3A_381 = tpu.memref_squeeze %dma_start3A_380 : memref<1x128xi32, #tpu.memory_space<vmem>> -> memref<128xi32, #tpu.memory_space<vmem>>
      %dma_start3A_382 = arith.constant 0 : i32
      %dma_start3A_383 = arith.constant 0 : i32
      %dma_start3A_384 = tpu.memref_slice %arg2[%dma_start3A_382, %dma_start3A_383] : memref<10112x128xf32, #tpu.memory_space<hbm>> -> memref<10112x128xf32, #tpu.memory_space<hbm>>
      tpu.enqueue_indirect_dma source(%dma_start3A_384 : memref<10112x128xf32, #tpu.memory_space<hbm>>) target(%arg11 : memref<128x128xf32, #tpu.memory_space<vmem>>) offsets(%dma_start3A_381 : memref<128xi32, #tpu.memory_space<vmem>>) semaphore(%arg16 : memref<!tpu.dma_semaphore, #tpu.memory_space<semaphore_mem>>)
      %dma_wait3A_385 = arith.constant 2 : i32
      %dma_wait3A_386 = arith.constant 0 : i32
      %dma_wait3A_387 = tpu.memref_slice %arg8[%dma_wait3A_385, %dma_wait3A_386] : memref<8x128xi32, #tpu.memory_space<vmem>> -> memref<1x128xi32, #tpu.memory_space<vmem>>
      %dma_wait3A_388 = tpu.memref_squeeze %dma_wait3A_387 : memref<1x128xi32, #tpu.memory_space<vmem>> -> memref<128xi32, #tpu.memory_space<vmem>>
      %dma_wait3A_389 = arith.constant 0 : i32
      %dma_wait3A_390 = arith.constant 0 : i32
      %dma_wait3A_391 = tpu.memref_slice %arg2[%dma_wait3A_389, %dma_wait3A_390] : memref<10112x128xf32, #tpu.memory_space<hbm>> -> memref<10112x128xf32, #tpu.memory_space<hbm>>
      tpu.wait_indirect_dma semaphore(%arg15 : memref<!tpu.dma_semaphore, #tpu.memory_space<semaphore_mem>>) src(%dma_wait3A_391 : memref<10112x128xf32, #tpu.memory_space<hbm>>) dst(%arg10 : memref<128x128xf32, #tpu.memory_space<vmem>>)
      %dma_start3A_392 = arith.constant 0 : i32
      %dma_start3A_393 = tpu.memref_slice %arg9[%add3A_370, %dma_start3A_392] : memref<80x128xi32, #tpu.memory_space<vmem>> -> memref<1x128xi32, #tpu.memory_space<vmem>>
      %dma_start3A_394 = tpu.memref_squeeze %dma_start3A_393 : memref<1x128xi32, #tpu.memory_space<vmem>> -> memref<128xi32, #tpu.memory_space<vmem>>
      %dma_start3A_395 = arith.constant 0 : i32
      %dma_start3A_396 = arith.constant 0 : i32
      %dma_start3A_397 = tpu.memref_slice %arg12[%dma_start3A_395, %dma_start3A_396] : memref<10112x128xf32, #tpu.memory_space<vmem_shared>> -> memref<10112x128xf32, #tpu.memory_space<vmem_shared>>
      tpu.enqueue_indirect_dma source(%arg10 : memref<128x128xf32, #tpu.memory_space<vmem>>) target(%dma_start3A_397 : memref<10112x128xf32, #tpu.memory_space<vmem_shared>>) offsets(%dma_start3A_394 : memref<128xi32, #tpu.memory_space<vmem>>) semaphore(%arg17 : memref<!tpu.dma_semaphore, #tpu.memory_space<semaphore_mem>>) {add = true}
      %mul3A_398 = arith.constant 8 : i32
      %mul3A_399 = arith.muli %add3A_304, %mul3A_398 : i32
      %add3A_400 = arith.constant 3 : i32
      %add3A_401 = arith.addi %mul3A_399, %add3A_400 : i32
      %dma_wait3A_402 = arith.constant 0 : i32
      %dma_wait3A_403 = arith.constant 0 : i32
      %dma_wait3A_404 = tpu.memref_slice %arg9[%dma_wait3A_402, %dma_wait3A_403] : memref<80x128xi32, #tpu.memory_space<vmem>> -> memref<1x128xi32, #tpu.memory_space<vmem>>
      %dma_wait3A_405 = tpu.memref_squeeze %dma_wait3A_404 : memref<1x128xi32, #tpu.memory_space<vmem>> -> memref<128xi32, #tpu.memory_space<vmem>>
      %dma_wait3A_406 = arith.constant 0 : i32
      %dma_wait3A_407 = arith.constant 0 : i32
      %dma_wait3A_408 = tpu.memref_slice %arg12[%dma_wait3A_406, %dma_wait3A_407] : memref<10112x128xf32, #tpu.memory_space<vmem_shared>> -> memref<10112x128xf32, #tpu.memory_space<vmem_shared>>
      tpu.wait_indirect_dma semaphore(%arg17 : memref<!tpu.dma_semaphore, #tpu.memory_space<semaphore_mem>>) src(%arg10 : memref<128x128xf32, #tpu.memory_space<vmem>>) dst(%dma_wait3A_408 : memref<10112x128xf32, #tpu.memory_space<vmem_shared>>)
      %dma_start3A_409 = arith.constant 4 : i32
      %dma_start3A_410 = arith.constant 0 : i32
      %dma_start3A_411 = tpu.memref_slice %arg8[%dma_start3A_409, %dma_start3A_410] : memref<8x128xi32, #tpu.memory_space<vmem>> -> memref<1x128xi32, #tpu.memory_space<vmem>>
      %dma_start3A_412 = tpu.memref_squeeze %dma_start3A_411 : memref<1x128xi32, #tpu.memory_space<vmem>> -> memref<128xi32, #tpu.memory_space<vmem>>
      %dma_start3A_413 = arith.constant 0 : i32
      %dma_start3A_414 = arith.constant 0 : i32
      %dma_start3A_415 = tpu.memref_slice %arg2[%dma_start3A_413, %dma_start3A_414] : memref<10112x128xf32, #tpu.memory_space<hbm>> -> memref<10112x128xf32, #tpu.memory_space<hbm>>
      tpu.enqueue_indirect_dma source(%dma_start3A_415 : memref<10112x128xf32, #tpu.memory_space<hbm>>) target(%arg10 : memref<128x128xf32, #tpu.memory_space<vmem>>) offsets(%dma_start3A_412 : memref<128xi32, #tpu.memory_space<vmem>>) semaphore(%arg15 : memref<!tpu.dma_semaphore, #tpu.memory_space<semaphore_mem>>)
      %dma_wait3A_416 = arith.constant 3 : i32
      %dma_wait3A_417 = arith.constant 0 : i32
      %dma_wait3A_418 = tpu.memref_slice %arg8[%dma_wait3A_416, %dma_wait3A_417] : memref<8x128xi32, #tpu.memory_space<vmem>> -> memref<1x128xi32, #tpu.memory_space<vmem>>
      %dma_wait3A_419 = tpu.memref_squeeze %dma_wait3A_418 : memref<1x128xi32, #tpu.memory_space<vmem>> -> memref<128xi32, #tpu.memory_space<vmem>>
      %dma_wait3A_420 = arith.constant 0 : i32
      %dma_wait3A_421 = arith.constant 0 : i32
      %dma_wait3A_422 = tpu.memref_slice %arg2[%dma_wait3A_420, %dma_wait3A_421] : memref<10112x128xf32, #tpu.memory_space<hbm>> -> memref<10112x128xf32, #tpu.memory_space<hbm>>
      tpu.wait_indirect_dma semaphore(%arg16 : memref<!tpu.dma_semaphore, #tpu.memory_space<semaphore_mem>>) src(%dma_wait3A_422 : memref<10112x128xf32, #tpu.memory_space<hbm>>) dst(%arg11 : memref<128x128xf32, #tpu.memory_space<vmem>>)
      %dma_start3A_423 = arith.constant 0 : i32
      %dma_start3A_424 = tpu.memref_slice %arg9[%add3A_401, %dma_start3A_423] : memref<80x128xi32, #tpu.memory_space<vmem>> -> memref<1x128xi32, #tpu.memory_space<vmem>>
      %dma_start3A_425 = tpu.memref_squeeze %dma_start3A_424 : memref<1x128xi32, #tpu.memory_space<vmem>> -> memref<128xi32, #tpu.memory_space<vmem>>
      %dma_start3A_426 = arith.constant 0 : i32
      %dma_start3A_427 = arith.constant 0 : i32
      %dma_start3A_428 = tpu.memref_slice %arg12[%dma_start3A_426, %dma_start3A_427] : memref<10112x128xf32, #tpu.memory_space<vmem_shared>> -> memref<10112x128xf32, #tpu.memory_space<vmem_shared>>
      tpu.enqueue_indirect_dma source(%arg11 : memref<128x128xf32, #tpu.memory_space<vmem>>) target(%dma_start3A_428 : memref<10112x128xf32, #tpu.memory_space<vmem_shared>>) offsets(%dma_start3A_425 : memref<128xi32, #tpu.memory_space<vmem>>) semaphore(%arg18 : memref<!tpu.dma_semaphore, #tpu.memory_space<semaphore_mem>>) {add = true}
      %mul3A_429 = arith.constant 8 : i32
      %mul3A_430 = arith.muli %add3A_304, %mul3A_429 : i32
      %add3A_431 = arith.constant 4 : i32
      %add3A_432 = arith.addi %mul3A_430, %add3A_431 : i32
      %dma_wait3A_433 = arith.constant 0 : i32
      %dma_wait3A_434 = arith.constant 0 : i32
      %dma_wait3A_435 = tpu.memref_slice %arg9[%dma_wait3A_433, %dma_wait3A_434] : memref<80x128xi32, #tpu.memory_space<vmem>> -> memref<1x128xi32, #tpu.memory_space<vmem>>
      %dma_wait3A_436 = tpu.memref_squeeze %dma_wait3A_435 : memref<1x128xi32, #tpu.memory_space<vmem>> -> memref<128xi32, #tpu.memory_space<vmem>>
      %dma_wait3A_437 = arith.constant 0 : i32
      %dma_wait3A_438 = arith.constant 0 : i32
      %dma_wait3A_439 = tpu.memref_slice %arg12[%dma_wait3A_437, %dma_wait3A_438] : memref<10112x128xf32, #tpu.memory_space<vmem_shared>> -> memref<10112x128xf32, #tpu.memory_space<vmem_shared>>
      tpu.wait_indirect_dma semaphore(%arg18 : memref<!tpu.dma_semaphore, #tpu.memory_space<semaphore_mem>>) src(%arg11 : memref<128x128xf32, #tpu.memory_space<vmem>>) dst(%dma_wait3A_439 : memref<10112x128xf32, #tpu.memory_space<vmem_shared>>)
      %dma_start3A_440 = arith.constant 5 : i32
      %dma_start3A_441 = arith.constant 0 : i32
      %dma_start3A_442 = tpu.memref_slice %arg8[%dma_start3A_440, %dma_start3A_441] : memref<8x128xi32, #tpu.memory_space<vmem>> -> memref<1x128xi32, #tpu.memory_space<vmem>>
      %dma_start3A_443 = tpu.memref_squeeze %dma_start3A_442 : memref<1x128xi32, #tpu.memory_space<vmem>> -> memref<128xi32, #tpu.memory_space<vmem>>
      %dma_start3A_444 = arith.constant 0 : i32
      %dma_start3A_445 = arith.constant 0 : i32
      %dma_start3A_446 = tpu.memref_slice %arg2[%dma_start3A_444, %dma_start3A_445] : memref<10112x128xf32, #tpu.memory_space<hbm>> -> memref<10112x128xf32, #tpu.memory_space<hbm>>
      tpu.enqueue_indirect_dma source(%dma_start3A_446 : memref<10112x128xf32, #tpu.memory_space<hbm>>) target(%arg11 : memref<128x128xf32, #tpu.memory_space<vmem>>) offsets(%dma_start3A_443 : memref<128xi32, #tpu.memory_space<vmem>>) semaphore(%arg16 : memref<!tpu.dma_semaphore, #tpu.memory_space<semaphore_mem>>)
      %dma_wait3A_447 = arith.constant 4 : i32
      %dma_wait3A_448 = arith.constant 0 : i32
      %dma_wait3A_449 = tpu.memref_slice %arg8[%dma_wait3A_447, %dma_wait3A_448] : memref<8x128xi32, #tpu.memory_space<vmem>> -> memref<1x128xi32, #tpu.memory_space<vmem>>
      %dma_wait3A_450 = tpu.memref_squeeze %dma_wait3A_449 : memref<1x128xi32, #tpu.memory_space<vmem>> -> memref<128xi32, #tpu.memory_space<vmem>>
      %dma_wait3A_451 = arith.constant 0 : i32
      %dma_wait3A_452 = arith.constant 0 : i32
      %dma_wait3A_453 = tpu.memref_slice %arg2[%dma_wait3A_451, %dma_wait3A_452] : memref<10112x128xf32, #tpu.memory_space<hbm>> -> memref<10112x128xf32, #tpu.memory_space<hbm>>
      tpu.wait_indirect_dma semaphore(%arg15 : memref<!tpu.dma_semaphore, #tpu.memory_space<semaphore_mem>>) src(%dma_wait3A_453 : memref<10112x128xf32, #tpu.memory_space<hbm>>) dst(%arg10 : memref<128x128xf32, #tpu.memory_space<vmem>>)
      %dma_start3A_454 = arith.constant 0 : i32
      %dma_start3A_455 = tpu.memref_slice %arg9[%add3A_432, %dma_start3A_454] : memref<80x128xi32, #tpu.memory_space<vmem>> -> memref<1x128xi32, #tpu.memory_space<vmem>>
      %dma_start3A_456 = tpu.memref_squeeze %dma_start3A_455 : memref<1x128xi32, #tpu.memory_space<vmem>> -> memref<128xi32, #tpu.memory_space<vmem>>
      %dma_start3A_457 = arith.constant 0 : i32
      %dma_start3A_458 = arith.constant 0 : i32
      %dma_start3A_459 = tpu.memref_slice %arg12[%dma_start3A_457, %dma_start3A_458] : memref<10112x128xf32, #tpu.memory_space<vmem_shared>> -> memref<10112x128xf32, #tpu.memory_space<vmem_shared>>
      tpu.enqueue_indirect_dma source(%arg10 : memref<128x128xf32, #tpu.memory_space<vmem>>) target(%dma_start3A_459 : memref<10112x128xf32, #tpu.memory_space<vmem_shared>>) offsets(%dma_start3A_456 : memref<128xi32, #tpu.memory_space<vmem>>) semaphore(%arg17 : memref<!tpu.dma_semaphore, #tpu.memory_space<semaphore_mem>>) {add = true}
      %mul3A_460 = arith.constant 8 : i32
      %mul3A_461 = arith.muli %add3A_304, %mul3A_460 : i32
      %add3A_462 = arith.constant 5 : i32
      %add3A_463 = arith.addi %mul3A_461, %add3A_462 : i32
      %dma_wait3A_464 = arith.constant 0 : i32
      %dma_wait3A_465 = arith.constant 0 : i32
      %dma_wait3A_466 = tpu.memref_slice %arg9[%dma_wait3A_464, %dma_wait3A_465] : memref<80x128xi32, #tpu.memory_space<vmem>> -> memref<1x128xi32, #tpu.memory_space<vmem>>
      %dma_wait3A_467 = tpu.memref_squeeze %dma_wait3A_466 : memref<1x128xi32, #tpu.memory_space<vmem>> -> memref<128xi32, #tpu.memory_space<vmem>>
      %dma_wait3A_468 = arith.constant 0 : i32
      %dma_wait3A_469 = arith.constant 0 : i32
      %dma_wait3A_470 = tpu.memref_slice %arg12[%dma_wait3A_468, %dma_wait3A_469] : memref<10112x128xf32, #tpu.memory_space<vmem_shared>> -> memref<10112x128xf32, #tpu.memory_space<vmem_shared>>
      tpu.wait_indirect_dma semaphore(%arg17 : memref<!tpu.dma_semaphore, #tpu.memory_space<semaphore_mem>>) src(%arg10 : memref<128x128xf32, #tpu.memory_space<vmem>>) dst(%dma_wait3A_470 : memref<10112x128xf32, #tpu.memory_space<vmem_shared>>)
      %dma_start3A_471 = arith.constant 6 : i32
      %dma_start3A_472 = arith.constant 0 : i32
      %dma_start3A_473 = tpu.memref_slice %arg8[%dma_start3A_471, %dma_start3A_472] : memref<8x128xi32, #tpu.memory_space<vmem>> -> memref<1x128xi32, #tpu.memory_space<vmem>>
      %dma_start3A_474 = tpu.memref_squeeze %dma_start3A_473 : memref<1x128xi32, #tpu.memory_space<vmem>> -> memref<128xi32, #tpu.memory_space<vmem>>
      %dma_start3A_475 = arith.constant 0 : i32
      %dma_start3A_476 = arith.constant 0 : i32
      %dma_start3A_477 = tpu.memref_slice %arg2[%dma_start3A_475, %dma_start3A_476] : memref<10112x128xf32, #tpu.memory_space<hbm>> -> memref<10112x128xf32, #tpu.memory_space<hbm>>
      tpu.enqueue_indirect_dma source(%dma_start3A_477 : memref<10112x128xf32, #tpu.memory_space<hbm>>) target(%arg10 : memref<128x128xf32, #tpu.memory_space<vmem>>) offsets(%dma_start3A_474 : memref<128xi32, #tpu.memory_space<vmem>>) semaphore(%arg15 : memref<!tpu.dma_semaphore, #tpu.memory_space<semaphore_mem>>)
      %dma_wait3A_478 = arith.constant 5 : i32
      %dma_wait3A_479 = arith.constant 0 : i32
      %dma_wait3A_480 = tpu.memref_slice %arg8[%dma_wait3A_478, %dma_wait3A_479] : memref<8x128xi32, #tpu.memory_space<vmem>> -> memref<1x128xi32, #tpu.memory_space<vmem>>
      %dma_wait3A_481 = tpu.memref_squeeze %dma_wait3A_480 : memref<1x128xi32, #tpu.memory_space<vmem>> -> memref<128xi32, #tpu.memory_space<vmem>>
      %dma_wait3A_482 = arith.constant 0 : i32
      %dma_wait3A_483 = arith.constant 0 : i32
      %dma_wait3A_484 = tpu.memref_slice %arg2[%dma_wait3A_482, %dma_wait3A_483] : memref<10112x128xf32, #tpu.memory_space<hbm>> -> memref<10112x128xf32, #tpu.memory_space<hbm>>
      tpu.wait_indirect_dma semaphore(%arg16 : memref<!tpu.dma_semaphore, #tpu.memory_space<semaphore_mem>>) src(%dma_wait3A_484 : memref<10112x128xf32, #tpu.memory_space<hbm>>) dst(%arg11 : memref<128x128xf32, #tpu.memory_space<vmem>>)
      %dma_start3A_485 = arith.constant 0 : i32
      %dma_start3A_486 = tpu.memref_slice %arg9[%add3A_463, %dma_start3A_485] : memref<80x128xi32, #tpu.memory_space<vmem>> -> memref<1x128xi32, #tpu.memory_space<vmem>>
      %dma_start3A_487 = tpu.memref_squeeze %dma_start3A_486 : memref<1x128xi32, #tpu.memory_space<vmem>> -> memref<128xi32, #tpu.memory_space<vmem>>
      %dma_start3A_488 = arith.constant 0 : i32
      %dma_start3A_489 = arith.constant 0 : i32
      %dma_start3A_490 = tpu.memref_slice %arg12[%dma_start3A_488, %dma_start3A_489] : memref<10112x128xf32, #tpu.memory_space<vmem_shared>> -> memref<10112x128xf32, #tpu.memory_space<vmem_shared>>
      tpu.enqueue_indirect_dma source(%arg11 : memref<128x128xf32, #tpu.memory_space<vmem>>) target(%dma_start3A_490 : memref<10112x128xf32, #tpu.memory_space<vmem_shared>>) offsets(%dma_start3A_487 : memref<128xi32, #tpu.memory_space<vmem>>) semaphore(%arg18 : memref<!tpu.dma_semaphore, #tpu.memory_space<semaphore_mem>>) {add = true}
      %mul3A_491 = arith.constant 8 : i32
      %mul3A_492 = arith.muli %add3A_304, %mul3A_491 : i32
      %add3A_493 = arith.constant 6 : i32
      %add3A_494 = arith.addi %mul3A_492, %add3A_493 : i32
      %dma_wait3A_495 = arith.constant 0 : i32
      %dma_wait3A_496 = arith.constant 0 : i32
      %dma_wait3A_497 = tpu.memref_slice %arg9[%dma_wait3A_495, %dma_wait3A_496] : memref<80x128xi32, #tpu.memory_space<vmem>> -> memref<1x128xi32, #tpu.memory_space<vmem>>
      %dma_wait3A_498 = tpu.memref_squeeze %dma_wait3A_497 : memref<1x128xi32, #tpu.memory_space<vmem>> -> memref<128xi32, #tpu.memory_space<vmem>>
      %dma_wait3A_499 = arith.constant 0 : i32
      %dma_wait3A_500 = arith.constant 0 : i32
      %dma_wait3A_501 = tpu.memref_slice %arg12[%dma_wait3A_499, %dma_wait3A_500] : memref<10112x128xf32, #tpu.memory_space<vmem_shared>> -> memref<10112x128xf32, #tpu.memory_space<vmem_shared>>
      tpu.wait_indirect_dma semaphore(%arg18 : memref<!tpu.dma_semaphore, #tpu.memory_space<semaphore_mem>>) src(%arg11 : memref<128x128xf32, #tpu.memory_space<vmem>>) dst(%dma_wait3A_501 : memref<10112x128xf32, #tpu.memory_space<vmem_shared>>)
      %dma_start3A_502 = arith.constant 7 : i32
      %dma_start3A_503 = arith.constant 0 : i32
      %dma_start3A_504 = tpu.memref_slice %arg8[%dma_start3A_502, %dma_start3A_503] : memref<8x128xi32, #tpu.memory_space<vmem>> -> memref<1x128xi32, #tpu.memory_space<vmem>>
      %dma_start3A_505 = tpu.memref_squeeze %dma_start3A_504 : memref<1x128xi32, #tpu.memory_space<vmem>> -> memref<128xi32, #tpu.memory_space<vmem>>
      %dma_start3A_506 = arith.constant 0 : i32
      %dma_start3A_507 = arith.constant 0 : i32
      %dma_start3A_508 = tpu.memref_slice %arg2[%dma_start3A_506, %dma_start3A_507] : memref<10112x128xf32, #tpu.memory_space<hbm>> -> memref<10112x128xf32, #tpu.memory_space<hbm>>
      tpu.enqueue_indirect_dma source(%dma_start3A_508 : memref<10112x128xf32, #tpu.memory_space<hbm>>) target(%arg11 : memref<128x128xf32, #tpu.memory_space<vmem>>) offsets(%dma_start3A_505 : memref<128xi32, #tpu.memory_space<vmem>>) semaphore(%arg16 : memref<!tpu.dma_semaphore, #tpu.memory_space<semaphore_mem>>)
      %dma_wait3A_509 = arith.constant 6 : i32
      %dma_wait3A_510 = arith.constant 0 : i32
      %dma_wait3A_511 = tpu.memref_slice %arg8[%dma_wait3A_509, %dma_wait3A_510] : memref<8x128xi32, #tpu.memory_space<vmem>> -> memref<1x128xi32, #tpu.memory_space<vmem>>
      %dma_wait3A_512 = tpu.memref_squeeze %dma_wait3A_511 : memref<1x128xi32, #tpu.memory_space<vmem>> -> memref<128xi32, #tpu.memory_space<vmem>>
      %dma_wait3A_513 = arith.constant 0 : i32
      %dma_wait3A_514 = arith.constant 0 : i32
      %dma_wait3A_515 = tpu.memref_slice %arg2[%dma_wait3A_513, %dma_wait3A_514] : memref<10112x128xf32, #tpu.memory_space<hbm>> -> memref<10112x128xf32, #tpu.memory_space<hbm>>
      tpu.wait_indirect_dma semaphore(%arg15 : memref<!tpu.dma_semaphore, #tpu.memory_space<semaphore_mem>>) src(%dma_wait3A_515 : memref<10112x128xf32, #tpu.memory_space<hbm>>) dst(%arg10 : memref<128x128xf32, #tpu.memory_space<vmem>>)
      %dma_start3A_516 = arith.constant 0 : i32
      %dma_start3A_517 = tpu.memref_slice %arg9[%add3A_494, %dma_start3A_516] : memref<80x128xi32, #tpu.memory_space<vmem>> -> memref<1x128xi32, #tpu.memory_space<vmem>>
      %dma_start3A_518 = tpu.memref_squeeze %dma_start3A_517 : memref<1x128xi32, #tpu.memory_space<vmem>> -> memref<128xi32, #tpu.memory_space<vmem>>
      %dma_start3A_519 = arith.constant 0 : i32
      %dma_start3A_520 = arith.constant 0 : i32
      %dma_start3A_521 = tpu.memref_slice %arg12[%dma_start3A_519, %dma_start3A_520] : memref<10112x128xf32, #tpu.memory_space<vmem_shared>> -> memref<10112x128xf32, #tpu.memory_space<vmem_shared>>
      tpu.enqueue_indirect_dma source(%arg10 : memref<128x128xf32, #tpu.memory_space<vmem>>) target(%dma_start3A_521 : memref<10112x128xf32, #tpu.memory_space<vmem_shared>>) offsets(%dma_start3A_518 : memref<128xi32, #tpu.memory_space<vmem>>) semaphore(%arg17 : memref<!tpu.dma_semaphore, #tpu.memory_space<semaphore_mem>>) {add = true}
      %mul3A_522 = arith.constant 8 : i32
      %mul3A_523 = arith.muli %add3A_304, %mul3A_522 : i32
      %add3A_524 = arith.constant 7 : i32
      %add3A_525 = arith.addi %mul3A_523, %add3A_524 : i32
      %dma_wait3A_526 = arith.constant 0 : i32
      %dma_wait3A_527 = arith.constant 0 : i32
      %dma_wait3A_528 = tpu.memref_slice %arg9[%dma_wait3A_526, %dma_wait3A_527] : memref<80x128xi32, #tpu.memory_space<vmem>> -> memref<1x128xi32, #tpu.memory_space<vmem>>
      %dma_wait3A_529 = tpu.memref_squeeze %dma_wait3A_528 : memref<1x128xi32, #tpu.memory_space<vmem>> -> memref<128xi32, #tpu.memory_space<vmem>>
      %dma_wait3A_530 = arith.constant 0 : i32
      %dma_wait3A_531 = arith.constant 0 : i32
      %dma_wait3A_532 = tpu.memref_slice %arg12[%dma_wait3A_530, %dma_wait3A_531] : memref<10112x128xf32, #tpu.memory_space<vmem_shared>> -> memref<10112x128xf32, #tpu.memory_space<vmem_shared>>
      tpu.wait_indirect_dma semaphore(%arg17 : memref<!tpu.dma_semaphore, #tpu.memory_space<semaphore_mem>>) src(%arg10 : memref<128x128xf32, #tpu.memory_space<vmem>>) dst(%dma_wait3A_532 : memref<10112x128xf32, #tpu.memory_space<vmem_shared>>)
      %add3A_533 = arith.constant 1 : i32
      %add3A_534 = arith.addi %add3A_304, %add3A_533 : i32
      %lt3A_535 = arith.constant 10 : i32
      %lt3A_536 = arith.cmpi slt, %add3A_534, %lt3A_535 : i32
      %convert_element_type3A_537 = arith.extui %lt3A_536 : i1 to i32
      %cond3A_538 = arith.constant 0 : i32
      %cond3A_539 = arith.cmpi ne, %convert_element_type3A_537, %cond3A_538 : i32
      scf.if %cond3A_539 {
        %dma_wait3A_560 = arith.constant 0 : i32
        %dma_wait3A_561 = arith.constant 0 : i32
        %dma_wait3A_562 = tpu.memref_slice %arg3[%add3A, %dma_wait3A_560, %dma_wait3A_561] : memref<32x80x128xi32, #tpu.memory_space<hbm>> -> memref<1x8x128xi32, #tpu.memory_space<hbm>>
        %dma_wait3A_563 = tpu.memref_squeeze %dma_wait3A_562 : memref<1x8x128xi32, #tpu.memory_space<hbm>> -> memref<8x128xi32, #tpu.memory_space<hbm>>
        %dma_wait3A_564 = arith.constant 0 : i32
        %dma_wait3A_565 = arith.constant 0 : i32
        %dma_wait3A_566 = tpu.memref_slice %arg3[%add3A, %dma_wait3A_564, %dma_wait3A_565] : memref<32x80x128xi32, #tpu.memory_space<hbm>> -> memref<1x8x128xi32, #tpu.memory_space<hbm>>
        %dma_wait3A_567 = tpu.memref_squeeze %dma_wait3A_566 : memref<1x8x128xi32, #tpu.memory_space<hbm>> -> memref<8x128xi32, #tpu.memory_space<hbm>>
        tpu.wait_dma2 semaphore(%arg13 : memref<!tpu.dma_semaphore, #tpu.memory_space<semaphore_mem>>) src(%dma_wait3A_567 : memref<8x128xi32, #tpu.memory_space<hbm>>) dst(%arg7 : memref<8x128xi32, #tpu.memory_space<vmem>>)
        %dma_start3A_568 = arith.constant 0 : i32
        %dma_start3A_569 = arith.constant 0 : i32
        %dma_start3A_570 = tpu.memref_slice %arg7[%dma_start3A_568, %dma_start3A_569] : memref<8x128xi32, #tpu.memory_space<vmem>> -> memref<1x128xi32, #tpu.memory_space<vmem>>
        %dma_start3A_571 = tpu.memref_squeeze %dma_start3A_570 : memref<1x128xi32, #tpu.memory_space<vmem>> -> memref<128xi32, #tpu.memory_space<vmem>>
        %dma_start3A_572 = arith.constant 0 : i32
        %dma_start3A_573 = arith.constant 0 : i32
        %dma_start3A_574 = tpu.memref_slice %arg2[%dma_start3A_572, %dma_start3A_573] : memref<10112x128xf32, #tpu.memory_space<hbm>> -> memref<10112x128xf32, #tpu.memory_space<hbm>>
        tpu.enqueue_indirect_dma source(%dma_start3A_574 : memref<10112x128xf32, #tpu.memory_space<hbm>>) target(%arg10 : memref<128x128xf32, #tpu.memory_space<vmem>>) offsets(%dma_start3A_571 : memref<128xi32, #tpu.memory_space<vmem>>) semaphore(%arg15 : memref<!tpu.dma_semaphore, #tpu.memory_space<semaphore_mem>>)
      } else {
      }
      %dma_wait3A_540 = arith.constant 7 : i32
      %dma_wait3A_541 = arith.constant 0 : i32
      %dma_wait3A_542 = tpu.memref_slice %arg8[%dma_wait3A_540, %dma_wait3A_541] : memref<8x128xi32, #tpu.memory_space<vmem>> -> memref<1x128xi32, #tpu.memory_space<vmem>>
      %dma_wait3A_543 = tpu.memref_squeeze %dma_wait3A_542 : memref<1x128xi32, #tpu.memory_space<vmem>> -> memref<128xi32, #tpu.memory_space<vmem>>
      %dma_wait3A_544 = arith.constant 0 : i32
      %dma_wait3A_545 = arith.constant 0 : i32
      %dma_wait3A_546 = tpu.memref_slice %arg2[%dma_wait3A_544, %dma_wait3A_545] : memref<10112x128xf32, #tpu.memory_space<hbm>> -> memref<10112x128xf32, #tpu.memory_space<hbm>>
      tpu.wait_indirect_dma semaphore(%arg16 : memref<!tpu.dma_semaphore, #tpu.memory_space<semaphore_mem>>) src(%dma_wait3A_546 : memref<10112x128xf32, #tpu.memory_space<hbm>>) dst(%arg11 : memref<128x128xf32, #tpu.memory_space<vmem>>)
      %dma_start3A_547 = arith.constant 0 : i32
      %dma_start3A_548 = tpu.memref_slice %arg9[%add3A_525, %dma_start3A_547] : memref<80x128xi32, #tpu.memory_space<vmem>> -> memref<1x128xi32, #tpu.memory_space<vmem>>
      %dma_start3A_549 = tpu.memref_squeeze %dma_start3A_548 : memref<1x128xi32, #tpu.memory_space<vmem>> -> memref<128xi32, #tpu.memory_space<vmem>>
      %dma_start3A_550 = arith.constant 0 : i32
      %dma_start3A_551 = arith.constant 0 : i32
      %dma_start3A_552 = tpu.memref_slice %arg12[%dma_start3A_550, %dma_start3A_551] : memref<10112x128xf32, #tpu.memory_space<vmem_shared>> -> memref<10112x128xf32, #tpu.memory_space<vmem_shared>>
      tpu.enqueue_indirect_dma source(%arg11 : memref<128x128xf32, #tpu.memory_space<vmem>>) target(%dma_start3A_552 : memref<10112x128xf32, #tpu.memory_space<vmem_shared>>) offsets(%dma_start3A_549 : memref<128xi32, #tpu.memory_space<vmem>>) semaphore(%arg18 : memref<!tpu.dma_semaphore, #tpu.memory_space<semaphore_mem>>) {add = true}
      %add3A_553 = arith.constant 2 : i32
      %add3A_554 = arith.addi %add3A_304, %add3A_553 : i32
      %lt3A_555 = arith.constant 10 : i32
      %lt3A_556 = arith.cmpi slt, %add3A_554, %lt3A_555 : i32
      %convert_element_type3A_557 = arith.extui %lt3A_556 : i1 to i32
      %cond3A_558 = arith.constant 0 : i32
      %cond3A_559 = arith.cmpi ne, %convert_element_type3A_557, %cond3A_558 : i32
      scf.if %cond3A_559 {
        %add3A_560 = arith.constant 2 : i32
        %add3A_561 = arith.addi %add3A_304, %add3A_560 : i32
        %mul3A_562 = arith.constant 8 : i32
        %mul3A_563 = arith.muli %add3A_561, %mul3A_562 : i32
        %dma_start3A_564 = arith.constant 0 : i32
        %dma_start3A_565 = tpu.memref_slice %arg3[%add3A, %mul3A_563, %dma_start3A_564] : memref<32x80x128xi32, #tpu.memory_space<hbm>> -> memref<1x8x128xi32, #tpu.memory_space<hbm>>
        %dma_start3A_566 = tpu.memref_squeeze %dma_start3A_565 : memref<1x8x128xi32, #tpu.memory_space<hbm>> -> memref<8x128xi32, #tpu.memory_space<hbm>>
        %dma_start3A_567 = arith.constant 0 : i32
        %dma_start3A_568 = tpu.memref_slice %arg3[%add3A, %mul3A_563, %dma_start3A_567] : memref<32x80x128xi32, #tpu.memory_space<hbm>> -> memref<1x8x128xi32, #tpu.memory_space<hbm>>
        %dma_start3A_569 = tpu.memref_squeeze %dma_start3A_568 : memref<1x8x128xi32, #tpu.memory_space<hbm>> -> memref<8x128xi32, #tpu.memory_space<hbm>>
        tpu.enqueue_dma source(%dma_start3A_569 : memref<8x128xi32, #tpu.memory_space<hbm>>) target(%arg8 : memref<8x128xi32, #tpu.memory_space<vmem>>) target_semaphore(%arg14 : memref<!tpu.dma_semaphore, #tpu.memory_space<semaphore_mem>>)
      } else {
      }
    }
    %scan3A_36 = arith.constant 5 : i32
    %dma_wait3A_37 = arith.constant 0 : i32
    %dma_wait3A_38 = arith.constant 0 : i32
    %dma_wait3A_39 = tpu.memref_slice %arg9[%dma_wait3A_37, %dma_wait3A_38] : memref<80x128xi32, #tpu.memory_space<vmem>> -> memref<1x128xi32, #tpu.memory_space<vmem>>
    %dma_wait3A_40 = tpu.memref_squeeze %dma_wait3A_39 : memref<1x128xi32, #tpu.memory_space<vmem>> -> memref<128xi32, #tpu.memory_space<vmem>>
    %dma_wait3A_41 = arith.constant 0 : i32
    %dma_wait3A_42 = arith.constant 0 : i32
    %dma_wait3A_43 = tpu.memref_slice %arg12[%dma_wait3A_41, %dma_wait3A_42] : memref<10112x128xf32, #tpu.memory_space<vmem_shared>> -> memref<10112x128xf32, #tpu.memory_space<vmem_shared>>
    tpu.wait_indirect_dma semaphore(%arg18 : memref<!tpu.dma_semaphore, #tpu.memory_space<semaphore_mem>>) src(%arg11 : memref<128x128xf32, #tpu.memory_space<vmem>>) dst(%dma_wait3A_43 : memref<10112x128xf32, #tpu.memory_space<vmem_shared>>)
    %barrier3A_44 = arith.constant 0 : index
    tpu.barrier barrier_id(%barrier3A_44)
    %mul3A_45 = arith.constant 632 : i32
    %mul3A_46 = arith.muli %arg1, %mul3A_45 : i32
    "tpu.region"() ({
      %run_scoped3A = tpu.sem_alloc : memref<!tpu.dma_semaphore, #tpu.memory_space<semaphore_mem>>
      %dma_start3A_47 = arith.constant 0 : i32
      %dma_start3A_48 = arith.constant 0 : i32
      %dma_start3A_49 = tpu.memref_slice %arg6[%arg0, %arg1, %dma_start3A_47, %dma_start3A_48] : memref<2x16x632x128xf32, #tpu.memory_space<hbm>> -> memref<1x1x632x128xf32, #tpu.memory_space<hbm>>
      %dma_start3A_50 = tpu.memref_squeeze %dma_start3A_49 : memref<1x1x632x128xf32, #tpu.memory_space<hbm>> -> memref<632x128xf32, #tpu.memory_space<hbm>>
      %dma_start3A_51 = arith.constant 0 : i32
      %dma_start3A_52 = tpu.memref_slice %arg12[%mul3A_46, %dma_start3A_51] : memref<10112x128xf32, #tpu.memory_space<vmem_shared>> -> memref<632x128xf32, #tpu.memory_space<vmem_shared>>
      tpu.enqueue_dma source(%dma_start3A_52 : memref<632x128xf32, #tpu.memory_space<vmem_shared>>) target(%dma_start3A_50 : memref<632x128xf32, #tpu.memory_space<hbm>>) target_semaphore(%run_scoped3A : memref<!tpu.dma_semaphore, #tpu.memory_space<semaphore_mem>>)
      %dma_wait3A_53 = arith.constant 0 : i32
      %dma_wait3A_54 = arith.constant 0 : i32
      %dma_wait3A_55 = tpu.memref_slice %arg6[%arg0, %arg1, %dma_wait3A_53, %dma_wait3A_54] : memref<2x16x632x128xf32, #tpu.memory_space<hbm>> -> memref<1x1x632x128xf32, #tpu.memory_space<hbm>>
      %dma_wait3A_56 = tpu.memref_squeeze %dma_wait3A_55 : memref<1x1x632x128xf32, #tpu.memory_space<hbm>> -> memref<632x128xf32, #tpu.memory_space<hbm>>
      %dma_wait3A_57 = arith.constant 0 : i32
      %dma_wait3A_58 = tpu.memref_slice %arg12[%mul3A_46, %dma_wait3A_57] : memref<10112x128xf32, #tpu.memory_space<vmem_shared>> -> memref<632x128xf32, #tpu.memory_space<vmem_shared>>
      tpu.wait_dma2 semaphore(%run_scoped3A : memref<!tpu.dma_semaphore, #tpu.memory_space<semaphore_mem>>) src(%dma_wait3A_58 : memref<632x128xf32, #tpu.memory_space<vmem_shared>>) dst(%dma_wait3A_56 : memref<632x128xf32, #tpu.memory_space<hbm>>)
      tpu.yield
    }) : () -> ()
    return
  }
}

#map = affine_map<(d0, d1) -> (0, 0)>
#map1 = affine_map<(d0, d1) -> (0, 0, 0)>
#map2 = affine_map<(d0, d1) -> (0, 0, 0, 0)>
module attributes {stable_mosaic.version = 14 : i64} {
  func.func @_agg(%arg0: i32, %arg1: i32, %arg2: memref<10112x128xf32, #tpu.memory_space<hbm>>, %arg3: memref<32x80x128xi32, #tpu.memory_space<hbm>>, %arg4: memref<32x80x128xi32, #tpu.memory_space<hbm>>, %arg5: memref<632x128xf32, #tpu.memory_space<hbm>>, %arg6: memref<2x16x632x128xf32, #tpu.memory_space<hbm>>, %arg7: memref<8x128xi32, #tpu.memory_space<vmem>>, %arg8: memref<8x128xi32, #tpu.memory_space<vmem>>, %arg9: memref<80x128xi32, #tpu.memory_space<vmem>>, %arg10: memref<128x128xf32, #tpu.memory_space<vmem>>, %arg11: memref<128x128xf32, #tpu.memory_space<vmem>>, %arg12: memref<10112x128xf32, #tpu.memory_space<vmem_shared>>, %arg13: memref<!tpu.dma_semaphore, #tpu.memory_space<semaphore_mem>>, %arg14: memref<!tpu.dma_semaphore, #tpu.memory_space<semaphore_mem>>, %arg15: memref<!tpu.dma_semaphore, #tpu.memory_space<semaphore_mem>>, %arg16: memref<!tpu.dma_semaphore, #tpu.memory_space<semaphore_mem>>, %arg17: memref<!tpu.dma_semaphore, #tpu.memory_space<semaphore_mem>>, %arg18: memref<!tpu.dma_semaphore, #tpu.memory_space<semaphore_mem>>) attributes {dimension_semantics = [#tpu.dimension_semantics<core_parallel>, #tpu.dimension_semantics<subcore_parallel>], iteration_bounds = array<i64: 2, 16>, scalar_prefetch = 0 : i64, scratch_operands = 12 : i64, tpu.core_type = #tpu.core_type<sc_vector_subcore>, window_params = [{transform_indices = #map}, {transform_indices = #map1}, {transform_indices = #map1}, {transform_indices = #map}, {transform_indices = #map2}]} {
    %mul3A = arith.constant 2 : i32
    %mul3A_0 = arith.muli %arg1, %mul3A : i32
    %add3A = arith.addi %mul3A_0, %arg0 : i32
    %dma_start3A = arith.constant 0 : i32
    %dma_start3A_1 = arith.constant 0 : i32
    %dma_start3A_2 = tpu.memref_slice %arg3[%add3A, %dma_start3A, %dma_start3A_1] : memref<32x80x128xi32, #tpu.memory_space<hbm>> -> memref<1x8x128xi32, #tpu.memory_space<hbm>>
    %dma_start3A_3 = tpu.memref_squeeze %dma_start3A_2 : memref<1x8x128xi32, #tpu.memory_space<hbm>> -> memref<8x128xi32, #tpu.memory_space<hbm>>
    %dma_start3A_4 = arith.constant 0 : i32
    %dma_start3A_5 = arith.constant 0 : i32
    %dma_start3A_6 = tpu.memref_slice %arg3[%add3A, %dma_start3A_4, %dma_start3A_5] : memref<32x80x128xi32, #tpu.memory_space<hbm>> -> memref<1x8x128xi32, #tpu.memory_space<hbm>>
    %dma_start3A_7 = tpu.memref_squeeze %dma_start3A_6 : memref<1x8x128xi32, #tpu.memory_space<hbm>> -> memref<8x128xi32, #tpu.memory_space<hbm>>
    tpu.enqueue_dma source(%dma_start3A_7 : memref<8x128xi32, #tpu.memory_space<hbm>>) target(%arg7 : memref<8x128xi32, #tpu.memory_space<vmem>>) target_semaphore(%arg13 : memref<!tpu.dma_semaphore, #tpu.memory_space<semaphore_mem>>)
    %dma_start3A_8 = arith.constant 8 : i32
    %dma_start3A_9 = arith.constant 0 : i32
    %dma_start3A_10 = tpu.memref_slice %arg3[%add3A, %dma_start3A_8, %dma_start3A_9] : memref<32x80x128xi32, #tpu.memory_space<hbm>> -> memref<1x8x128xi32, #tpu.memory_space<hbm>>
    %dma_start3A_11 = tpu.memref_squeeze %dma_start3A_10 : memref<1x8x128xi32, #tpu.memory_space<hbm>> -> memref<8x128xi32, #tpu.memory_space<hbm>>
    %dma_start3A_12 = arith.constant 8 : i32
    %dma_start3A_13 = arith.constant 0 : i32
    %dma_start3A_14 = tpu.memref_slice %arg3[%add3A, %dma_start3A_12, %dma_start3A_13] : memref<32x80x128xi32, #tpu.memory_space<hbm>> -> memref<1x8x128xi32, #tpu.memory_space<hbm>>
    %dma_start3A_15 = tpu.memref_squeeze %dma_start3A_14 : memref<1x8x128xi32, #tpu.memory_space<hbm>> -> memref<8x128xi32, #tpu.memory_space<hbm>>
    tpu.enqueue_dma source(%dma_start3A_15 : memref<8x128xi32, #tpu.memory_space<hbm>>) target(%arg8 : memref<8x128xi32, #tpu.memory_space<vmem>>) target_semaphore(%arg14 : memref<!tpu.dma_semaphore, #tpu.memory_space<semaphore_mem>>)
    "tpu.region"() ({
      %run_scoped3A = tpu.sem_alloc : memref<!tpu.dma_semaphore, #tpu.memory_space<semaphore_mem>>
      %dma_start3A_47 = arith.constant 0 : i32
      %dma_start3A_48 = arith.constant 0 : i32
      %dma_start3A_49 = tpu.memref_slice %arg4[%add3A, %dma_start3A_47, %dma_start3A_48] : memref<32x80x128xi32, #tpu.memory_space<hbm>> -> memref<1x80x128xi32, #tpu.memory_space<hbm>>
      %dma_start3A_50 = tpu.memref_squeeze %dma_start3A_49 : memref<1x80x128xi32, #tpu.memory_space<hbm>> -> memref<80x128xi32, #tpu.memory_space<hbm>>
      %dma_start3A_51 = arith.constant 0 : i32
      %dma_start3A_52 = arith.constant 0 : i32
      %dma_start3A_53 = tpu.memref_slice %arg4[%add3A, %dma_start3A_51, %dma_start3A_52] : memref<32x80x128xi32, #tpu.memory_space<hbm>> -> memref<1x80x128xi32, #tpu.memory_space<hbm>>
      %dma_start3A_54 = tpu.memref_squeeze %dma_start3A_53 : memref<1x80x128xi32, #tpu.memory_space<hbm>> -> memref<80x128xi32, #tpu.memory_space<hbm>>
      tpu.enqueue_dma source(%dma_start3A_54 : memref<80x128xi32, #tpu.memory_space<hbm>>) target(%arg9 : memref<80x128xi32, #tpu.memory_space<vmem>>) target_semaphore(%run_scoped3A : memref<!tpu.dma_semaphore, #tpu.memory_space<semaphore_mem>>)
      %dma_wait3A_55 = arith.constant 0 : i32
      %dma_wait3A_56 = arith.constant 0 : i32
      %dma_wait3A_57 = tpu.memref_slice %arg4[%add3A, %dma_wait3A_55, %dma_wait3A_56] : memref<32x80x128xi32, #tpu.memory_space<hbm>> -> memref<1x80x128xi32, #tpu.memory_space<hbm>>
      %dma_wait3A_58 = tpu.memref_squeeze %dma_wait3A_57 : memref<1x80x128xi32, #tpu.memory_space<hbm>> -> memref<80x128xi32, #tpu.memory_space<hbm>>
      %dma_wait3A_59 = arith.constant 0 : i32
      %dma_wait3A_60 = arith.constant 0 : i32
      %dma_wait3A_61 = tpu.memref_slice %arg4[%add3A, %dma_wait3A_59, %dma_wait3A_60] : memref<32x80x128xi32, #tpu.memory_space<hbm>> -> memref<1x80x128xi32, #tpu.memory_space<hbm>>
      %dma_wait3A_62 = tpu.memref_squeeze %dma_wait3A_61 : memref<1x80x128xi32, #tpu.memory_space<hbm>> -> memref<80x128xi32, #tpu.memory_space<hbm>>
      tpu.wait_dma2 semaphore(%run_scoped3A : memref<!tpu.dma_semaphore, #tpu.memory_space<semaphore_mem>>) src(%dma_wait3A_62 : memref<80x128xi32, #tpu.memory_space<hbm>>) dst(%arg9 : memref<80x128xi32, #tpu.memory_space<vmem>>)
      tpu.yield
    }) : () -> ()
    %mul3A_16 = arith.constant 632 : i32
    %mul3A_17 = arith.muli %arg1, %mul3A_16 : i32
    "tpu.region"() ({
      %run_scoped3A = tpu.sem_alloc : memref<!tpu.dma_semaphore, #tpu.memory_space<semaphore_mem>>
      %dma_start3A_47 = arith.constant 0 : i32
      %dma_start3A_48 = tpu.memref_slice %arg12[%mul3A_17, %dma_start3A_47] : memref<10112x128xf32, #tpu.memory_space<vmem_shared>> -> memref<632x128xf32, #tpu.memory_space<vmem_shared>>
      tpu.enqueue_dma source(%arg5 : memref<632x128xf32, #tpu.memory_space<hbm>>) target(%dma_start3A_48 : memref<632x128xf32, #tpu.memory_space<vmem_shared>>) target_semaphore(%run_scoped3A : memref<!tpu.dma_semaphore, #tpu.memory_space<semaphore_mem>>)
      %dma_wait3A_49 = arith.constant 0 : i32
      %dma_wait3A_50 = tpu.memref_slice %arg12[%mul3A_17, %dma_wait3A_49] : memref<10112x128xf32, #tpu.memory_space<vmem_shared>> -> memref<632x128xf32, #tpu.memory_space<vmem_shared>>
      tpu.wait_dma2 semaphore(%run_scoped3A : memref<!tpu.dma_semaphore, #tpu.memory_space<semaphore_mem>>) src(%arg5 : memref<632x128xf32, #tpu.memory_space<hbm>>) dst(%dma_wait3A_50 : memref<632x128xf32, #tpu.memory_space<vmem_shared>>)
      tpu.yield
    }) : () -> ()
    %barrier3A = arith.constant 0 : index
    tpu.barrier barrier_id(%barrier3A)
    %dma_wait3A = arith.constant 0 : i32
    %dma_wait3A_18 = arith.constant 0 : i32
    %dma_wait3A_19 = tpu.memref_slice %arg3[%add3A, %dma_wait3A, %dma_wait3A_18] : memref<32x80x128xi32, #tpu.memory_space<hbm>> -> memref<1x8x128xi32, #tpu.memory_space<hbm>>
    %dma_wait3A_20 = tpu.memref_squeeze %dma_wait3A_19 : memref<1x8x128xi32, #tpu.memory_space<hbm>> -> memref<8x128xi32, #tpu.memory_space<hbm>>
    %dma_wait3A_21 = arith.constant 0 : i32
    %dma_wait3A_22 = arith.constant 0 : i32
    %dma_wait3A_23 = tpu.memref_slice %arg3[%add3A, %dma_wait3A_21, %dma_wait3A_22] : memref<32x80x128xi32, #tpu.memory_space<hbm>> -> memref<1x8x128xi32, #tpu.memory_space<hbm>>
    %dma_wait3A_24 = tpu.memref_squeeze %dma_wait3A_23 : memref<1x8x128xi32, #tpu.memory_space<hbm>> -> memref<8x128xi32, #tpu.memory_space<hbm>>
    tpu.wait_dma2 semaphore(%arg13 : memref<!tpu.dma_semaphore, #tpu.memory_space<semaphore_mem>>) src(%dma_wait3A_24 : memref<8x128xi32, #tpu.memory_space<hbm>>) dst(%arg7 : memref<8x128xi32, #tpu.memory_space<vmem>>)
    %dma_start3A_25 = arith.constant 0 : i32
    %dma_start3A_26 = arith.constant 0 : i32
    %dma_start3A_27 = tpu.memref_slice %arg7[%dma_start3A_25, %dma_start3A_26] : memref<8x128xi32, #tpu.memory_space<vmem>> -> memref<1x128xi32, #tpu.memory_space<vmem>>
    %dma_start3A_28 = tpu.memref_squeeze %dma_start3A_27 : memref<1x128xi32, #tpu.memory_space<vmem>> -> memref<128xi32, #tpu.memory_space<vmem>>
    %dma_start3A_29 = arith.constant 0 : i32
    %dma_start3A_30 = arith.constant 0 : i32
    %dma_start3A_31 = tpu.memref_slice %arg2[%dma_start3A_29, %dma_start3A_30] : memref<10112x128xf32, #tpu.memory_space<hbm>> -> memref<10112x128xf32, #tpu.memory_space<hbm>>
    tpu.enqueue_indirect_dma source(%dma_start3A_31 : memref<10112x128xf32, #tpu.memory_space<hbm>>) target(%arg10 : memref<128x128xf32, #tpu.memory_space<vmem>>) offsets(%dma_start3A_28 : memref<128xi32, #tpu.memory_space<vmem>>) semaphore(%arg15 : memref<!tpu.dma_semaphore, #tpu.memory_space<semaphore_mem>>)
    %scan3A = arith.constant 0 : i32
    %scan3A_32 = arith.constant 0 : i32
    %scan3A_33 = arith.constant 5 : i32
    %scan3A_34 = arith.addi %scan3A_32, %scan3A_33 : i32
    %scan3A_35 = arith.constant 1 : i32
    scf.for %scan3A_47 = %scan3A_32 to %scan3A_34 step %scan3A_35  : i32 {
      %mul3A_48 = arith.constant 2 : i32
      %mul3A_49 = arith.muli %mul3A_48, %scan3A_47 : i32
      %add3A_50 = arith.constant 0 : i32
      %add3A_51 = arith.addi %mul3A_49, %add3A_50 : i32
      %mul3A_52 = arith.constant 8 : i32
      %mul3A_53 = arith.muli %add3A_51, %mul3A_52 : i32
      %add3A_54 = arith.constant 0 : i32
      %add3A_55 = arith.addi %mul3A_53, %add3A_54 : i32
      %gt3A = arith.constant 0 : i32
      %gt3A_56 = arith.cmpi sgt, %add3A_51, %gt3A : i32
      %convert_element_type3A = arith.extui %gt3A_56 : i1 to i32
      %cond3A = arith.constant 0 : i32
      %cond3A_57 = arith.cmpi ne, %convert_element_type3A, %cond3A : i32
      scf.if %cond3A_57 {
        %dma_wait3A_560 = arith.constant 0 : i32
        %dma_wait3A_561 = arith.constant 0 : i32
        %dma_wait3A_562 = tpu.memref_slice %arg9[%dma_wait3A_560, %dma_wait3A_561] : memref<80x128xi32, #tpu.memory_space<vmem>> -> memref<1x128xi32, #tpu.memory_space<vmem>>
        %dma_wait3A_563 = tpu.memref_squeeze %dma_wait3A_562 : memref<1x128xi32, #tpu.memory_space<vmem>> -> memref<128xi32, #tpu.memory_space<vmem>>
        %dma_wait3A_564 = arith.constant 0 : i32
        %dma_wait3A_565 = arith.constant 0 : i32
        %dma_wait3A_566 = tpu.memref_slice %arg12[%dma_wait3A_564, %dma_wait3A_565] : memref<10112x128xf32, #tpu.memory_space<vmem_shared>> -> memref<10112x128xf32, #tpu.memory_space<vmem_shared>>
        tpu.wait_indirect_dma semaphore(%arg18 : memref<!tpu.dma_semaphore, #tpu.memory_space<semaphore_mem>>) src(%arg11 : memref<128x128xf32, #tpu.memory_space<vmem>>) dst(%dma_wait3A_566 : memref<10112x128xf32, #tpu.memory_space<vmem_shared>>)
      } else {
      }
      %dma_start3A_58 = arith.constant 1 : i32
      %dma_start3A_59 = arith.constant 0 : i32
      %dma_start3A_60 = tpu.memref_slice %arg7[%dma_start3A_58, %dma_start3A_59] : memref<8x128xi32, #tpu.memory_space<vmem>> -> memref<1x128xi32, #tpu.memory_space<vmem>>
      %dma_start3A_61 = tpu.memref_squeeze %dma_start3A_60 : memref<1x128xi32, #tpu.memory_space<vmem>> -> memref<128xi32, #tpu.memory_space<vmem>>
      %dma_start3A_62 = arith.constant 0 : i32
      %dma_start3A_63 = arith.constant 0 : i32
      %dma_start3A_64 = tpu.memref_slice %arg2[%dma_start3A_62, %dma_start3A_63] : memref<10112x128xf32, #tpu.memory_space<hbm>> -> memref<10112x128xf32, #tpu.memory_space<hbm>>
      tpu.enqueue_indirect_dma source(%dma_start3A_64 : memref<10112x128xf32, #tpu.memory_space<hbm>>) target(%arg11 : memref<128x128xf32, #tpu.memory_space<vmem>>) offsets(%dma_start3A_61 : memref<128xi32, #tpu.memory_space<vmem>>) semaphore(%arg16 : memref<!tpu.dma_semaphore, #tpu.memory_space<semaphore_mem>>)
      %dma_wait3A_65 = arith.constant 0 : i32
      %dma_wait3A_66 = arith.constant 0 : i32
      %dma_wait3A_67 = tpu.memref_slice %arg7[%dma_wait3A_65, %dma_wait3A_66] : memref<8x128xi32, #tpu.memory_space<vmem>> -> memref<1x128xi32, #tpu.memory_space<vmem>>
      %dma_wait3A_68 = tpu.memref_squeeze %dma_wait3A_67 : memref<1x128xi32, #tpu.memory_space<vmem>> -> memref<128xi32, #tpu.memory_space<vmem>>
      %dma_wait3A_69 = arith.constant 0 : i32
      %dma_wait3A_70 = arith.constant 0 : i32
      %dma_wait3A_71 = tpu.memref_slice %arg2[%dma_wait3A_69, %dma_wait3A_70] : memref<10112x128xf32, #tpu.memory_space<hbm>> -> memref<10112x128xf32, #tpu.memory_space<hbm>>
      tpu.wait_indirect_dma semaphore(%arg15 : memref<!tpu.dma_semaphore, #tpu.memory_space<semaphore_mem>>) src(%dma_wait3A_71 : memref<10112x128xf32, #tpu.memory_space<hbm>>) dst(%arg10 : memref<128x128xf32, #tpu.memory_space<vmem>>)
      %dma_start3A_72 = arith.constant 0 : i32
      %dma_start3A_73 = tpu.memref_slice %arg9[%add3A_55, %dma_start3A_72] : memref<80x128xi32, #tpu.memory_space<vmem>> -> memref<1x128xi32, #tpu.memory_space<vmem>>
      %dma_start3A_74 = tpu.memref_squeeze %dma_start3A_73 : memref<1x128xi32, #tpu.memory_space<vmem>> -> memref<128xi32, #tpu.memory_space<vmem>>
      %dma_start3A_75 = arith.constant 0 : i32
      %dma_start3A_76 = arith.constant 0 : i32
      %dma_start3A_77 = tpu.memref_slice %arg12[%dma_start3A_75, %dma_start3A_76] : memref<10112x128xf32, #tpu.memory_space<vmem_shared>> -> memref<10112x128xf32, #tpu.memory_space<vmem_shared>>
      tpu.enqueue_indirect_dma source(%arg10 : memref<128x128xf32, #tpu.memory_space<vmem>>) target(%dma_start3A_77 : memref<10112x128xf32, #tpu.memory_space<vmem_shared>>) offsets(%dma_start3A_74 : memref<128xi32, #tpu.memory_space<vmem>>) semaphore(%arg17 : memref<!tpu.dma_semaphore, #tpu.memory_space<semaphore_mem>>) {add = true}
      %mul3A_78 = arith.constant 8 : i32
      %mul3A_79 = arith.muli %add3A_51, %mul3A_78 : i32
      %add3A_80 = arith.constant 1 : i32
      %add3A_81 = arith.addi %mul3A_79, %add3A_80 : i32
      %dma_wait3A_82 = arith.constant 0 : i32
      %dma_wait3A_83 = arith.constant 0 : i32
      %dma_wait3A_84 = tpu.memref_slice %arg9[%dma_wait3A_82, %dma_wait3A_83] : memref<80x128xi32, #tpu.memory_space<vmem>> -> memref<1x128xi32, #tpu.memory_space<vmem>>
      %dma_wait3A_85 = tpu.memref_squeeze %dma_wait3A_84 : memref<1x128xi32, #tpu.memory_space<vmem>> -> memref<128xi32, #tpu.memory_space<vmem>>
      %dma_wait3A_86 = arith.constant 0 : i32
      %dma_wait3A_87 = arith.constant 0 : i32
      %dma_wait3A_88 = tpu.memref_slice %arg12[%dma_wait3A_86, %dma_wait3A_87] : memref<10112x128xf32, #tpu.memory_space<vmem_shared>> -> memref<10112x128xf32, #tpu.memory_space<vmem_shared>>
      tpu.wait_indirect_dma semaphore(%arg17 : memref<!tpu.dma_semaphore, #tpu.memory_space<semaphore_mem>>) src(%arg10 : memref<128x128xf32, #tpu.memory_space<vmem>>) dst(%dma_wait3A_88 : memref<10112x128xf32, #tpu.memory_space<vmem_shared>>)
      %dma_start3A_89 = arith.constant 2 : i32
      %dma_start3A_90 = arith.constant 0 : i32
      %dma_start3A_91 = tpu.memref_slice %arg7[%dma_start3A_89, %dma_start3A_90] : memref<8x128xi32, #tpu.memory_space<vmem>> -> memref<1x128xi32, #tpu.memory_space<vmem>>
      %dma_start3A_92 = tpu.memref_squeeze %dma_start3A_91 : memref<1x128xi32, #tpu.memory_space<vmem>> -> memref<128xi32, #tpu.memory_space<vmem>>
      %dma_start3A_93 = arith.constant 0 : i32
      %dma_start3A_94 = arith.constant 0 : i32
      %dma_start3A_95 = tpu.memref_slice %arg2[%dma_start3A_93, %dma_start3A_94] : memref<10112x128xf32, #tpu.memory_space<hbm>> -> memref<10112x128xf32, #tpu.memory_space<hbm>>
      tpu.enqueue_indirect_dma source(%dma_start3A_95 : memref<10112x128xf32, #tpu.memory_space<hbm>>) target(%arg10 : memref<128x128xf32, #tpu.memory_space<vmem>>) offsets(%dma_start3A_92 : memref<128xi32, #tpu.memory_space<vmem>>) semaphore(%arg15 : memref<!tpu.dma_semaphore, #tpu.memory_space<semaphore_mem>>)
      %dma_wait3A_96 = arith.constant 1 : i32
      %dma_wait3A_97 = arith.constant 0 : i32
      %dma_wait3A_98 = tpu.memref_slice %arg7[%dma_wait3A_96, %dma_wait3A_97] : memref<8x128xi32, #tpu.memory_space<vmem>> -> memref<1x128xi32, #tpu.memory_space<vmem>>
      %dma_wait3A_99 = tpu.memref_squeeze %dma_wait3A_98 : memref<1x128xi32, #tpu.memory_space<vmem>> -> memref<128xi32, #tpu.memory_space<vmem>>
      %dma_wait3A_100 = arith.constant 0 : i32
      %dma_wait3A_101 = arith.constant 0 : i32
      %dma_wait3A_102 = tpu.memref_slice %arg2[%dma_wait3A_100, %dma_wait3A_101] : memref<10112x128xf32, #tpu.memory_space<hbm>> -> memref<10112x128xf32, #tpu.memory_space<hbm>>
      tpu.wait_indirect_dma semaphore(%arg16 : memref<!tpu.dma_semaphore, #tpu.memory_space<semaphore_mem>>) src(%dma_wait3A_102 : memref<10112x128xf32, #tpu.memory_space<hbm>>) dst(%arg11 : memref<128x128xf32, #tpu.memory_space<vmem>>)
      %dma_start3A_103 = arith.constant 0 : i32
      %dma_start3A_104 = tpu.memref_slice %arg9[%add3A_81, %dma_start3A_103] : memref<80x128xi32, #tpu.memory_space<vmem>> -> memref<1x128xi32, #tpu.memory_space<vmem>>
      %dma_start3A_105 = tpu.memref_squeeze %dma_start3A_104 : memref<1x128xi32, #tpu.memory_space<vmem>> -> memref<128xi32, #tpu.memory_space<vmem>>
      %dma_start3A_106 = arith.constant 0 : i32
      %dma_start3A_107 = arith.constant 0 : i32
      %dma_start3A_108 = tpu.memref_slice %arg12[%dma_start3A_106, %dma_start3A_107] : memref<10112x128xf32, #tpu.memory_space<vmem_shared>> -> memref<10112x128xf32, #tpu.memory_space<vmem_shared>>
      tpu.enqueue_indirect_dma source(%arg11 : memref<128x128xf32, #tpu.memory_space<vmem>>) target(%dma_start3A_108 : memref<10112x128xf32, #tpu.memory_space<vmem_shared>>) offsets(%dma_start3A_105 : memref<128xi32, #tpu.memory_space<vmem>>) semaphore(%arg18 : memref<!tpu.dma_semaphore, #tpu.memory_space<semaphore_mem>>) {add = true}
      %mul3A_109 = arith.constant 8 : i32
      %mul3A_110 = arith.muli %add3A_51, %mul3A_109 : i32
      %add3A_111 = arith.constant 2 : i32
      %add3A_112 = arith.addi %mul3A_110, %add3A_111 : i32
      %dma_wait3A_113 = arith.constant 0 : i32
      %dma_wait3A_114 = arith.constant 0 : i32
      %dma_wait3A_115 = tpu.memref_slice %arg9[%dma_wait3A_113, %dma_wait3A_114] : memref<80x128xi32, #tpu.memory_space<vmem>> -> memref<1x128xi32, #tpu.memory_space<vmem>>
      %dma_wait3A_116 = tpu.memref_squeeze %dma_wait3A_115 : memref<1x128xi32, #tpu.memory_space<vmem>> -> memref<128xi32, #tpu.memory_space<vmem>>
      %dma_wait3A_117 = arith.constant 0 : i32
      %dma_wait3A_118 = arith.constant 0 : i32
      %dma_wait3A_119 = tpu.memref_slice %arg12[%dma_wait3A_117, %dma_wait3A_118] : memref<10112x128xf32, #tpu.memory_space<vmem_shared>> -> memref<10112x128xf32, #tpu.memory_space<vmem_shared>>
      tpu.wait_indirect_dma semaphore(%arg18 : memref<!tpu.dma_semaphore, #tpu.memory_space<semaphore_mem>>) src(%arg11 : memref<128x128xf32, #tpu.memory_space<vmem>>) dst(%dma_wait3A_119 : memref<10112x128xf32, #tpu.memory_space<vmem_shared>>)
      %dma_start3A_120 = arith.constant 3 : i32
      %dma_start3A_121 = arith.constant 0 : i32
      %dma_start3A_122 = tpu.memref_slice %arg7[%dma_start3A_120, %dma_start3A_121] : memref<8x128xi32, #tpu.memory_space<vmem>> -> memref<1x128xi32, #tpu.memory_space<vmem>>
      %dma_start3A_123 = tpu.memref_squeeze %dma_start3A_122 : memref<1x128xi32, #tpu.memory_space<vmem>> -> memref<128xi32, #tpu.memory_space<vmem>>
      %dma_start3A_124 = arith.constant 0 : i32
      %dma_start3A_125 = arith.constant 0 : i32
      %dma_start3A_126 = tpu.memref_slice %arg2[%dma_start3A_124, %dma_start3A_125] : memref<10112x128xf32, #tpu.memory_space<hbm>> -> memref<10112x128xf32, #tpu.memory_space<hbm>>
      tpu.enqueue_indirect_dma source(%dma_start3A_126 : memref<10112x128xf32, #tpu.memory_space<hbm>>) target(%arg11 : memref<128x128xf32, #tpu.memory_space<vmem>>) offsets(%dma_start3A_123 : memref<128xi32, #tpu.memory_space<vmem>>) semaphore(%arg16 : memref<!tpu.dma_semaphore, #tpu.memory_space<semaphore_mem>>)
      %dma_wait3A_127 = arith.constant 2 : i32
      %dma_wait3A_128 = arith.constant 0 : i32
      %dma_wait3A_129 = tpu.memref_slice %arg7[%dma_wait3A_127, %dma_wait3A_128] : memref<8x128xi32, #tpu.memory_space<vmem>> -> memref<1x128xi32, #tpu.memory_space<vmem>>
      %dma_wait3A_130 = tpu.memref_squeeze %dma_wait3A_129 : memref<1x128xi32, #tpu.memory_space<vmem>> -> memref<128xi32, #tpu.memory_space<vmem>>
      %dma_wait3A_131 = arith.constant 0 : i32
      %dma_wait3A_132 = arith.constant 0 : i32
      %dma_wait3A_133 = tpu.memref_slice %arg2[%dma_wait3A_131, %dma_wait3A_132] : memref<10112x128xf32, #tpu.memory_space<hbm>> -> memref<10112x128xf32, #tpu.memory_space<hbm>>
      tpu.wait_indirect_dma semaphore(%arg15 : memref<!tpu.dma_semaphore, #tpu.memory_space<semaphore_mem>>) src(%dma_wait3A_133 : memref<10112x128xf32, #tpu.memory_space<hbm>>) dst(%arg10 : memref<128x128xf32, #tpu.memory_space<vmem>>)
      %dma_start3A_134 = arith.constant 0 : i32
      %dma_start3A_135 = tpu.memref_slice %arg9[%add3A_112, %dma_start3A_134] : memref<80x128xi32, #tpu.memory_space<vmem>> -> memref<1x128xi32, #tpu.memory_space<vmem>>
      %dma_start3A_136 = tpu.memref_squeeze %dma_start3A_135 : memref<1x128xi32, #tpu.memory_space<vmem>> -> memref<128xi32, #tpu.memory_space<vmem>>
      %dma_start3A_137 = arith.constant 0 : i32
      %dma_start3A_138 = arith.constant 0 : i32
      %dma_start3A_139 = tpu.memref_slice %arg12[%dma_start3A_137, %dma_start3A_138] : memref<10112x128xf32, #tpu.memory_space<vmem_shared>> -> memref<10112x128xf32, #tpu.memory_space<vmem_shared>>
      tpu.enqueue_indirect_dma source(%arg10 : memref<128x128xf32, #tpu.memory_space<vmem>>) target(%dma_start3A_139 : memref<10112x128xf32, #tpu.memory_space<vmem_shared>>) offsets(%dma_start3A_136 : memref<128xi32, #tpu.memory_space<vmem>>) semaphore(%arg17 : memref<!tpu.dma_semaphore, #tpu.memory_space<semaphore_mem>>) {add = true}
      %mul3A_140 = arith.constant 8 : i32
      %mul3A_141 = arith.muli %add3A_51, %mul3A_140 : i32
      %add3A_142 = arith.constant 3 : i32
      %add3A_143 = arith.addi %mul3A_141, %add3A_142 : i32
      %dma_wait3A_144 = arith.constant 0 : i32
      %dma_wait3A_145 = arith.constant 0 : i32
      %dma_wait3A_146 = tpu.memref_slice %arg9[%dma_wait3A_144, %dma_wait3A_145] : memref<80x128xi32, #tpu.memory_space<vmem>> -> memref<1x128xi32, #tpu.memory_space<vmem>>
      %dma_wait3A_147 = tpu.memref_squeeze %dma_wait3A_146 : memref<1x128xi32, #tpu.memory_space<vmem>> -> memref<128xi32, #tpu.memory_space<vmem>>
      %dma_wait3A_148 = arith.constant 0 : i32
      %dma_wait3A_149 = arith.constant 0 : i32
      %dma_wait3A_150 = tpu.memref_slice %arg12[%dma_wait3A_148, %dma_wait3A_149] : memref<10112x128xf32, #tpu.memory_space<vmem_shared>> -> memref<10112x128xf32, #tpu.memory_space<vmem_shared>>
      tpu.wait_indirect_dma semaphore(%arg17 : memref<!tpu.dma_semaphore, #tpu.memory_space<semaphore_mem>>) src(%arg10 : memref<128x128xf32, #tpu.memory_space<vmem>>) dst(%dma_wait3A_150 : memref<10112x128xf32, #tpu.memory_space<vmem_shared>>)
      %dma_start3A_151 = arith.constant 4 : i32
      %dma_start3A_152 = arith.constant 0 : i32
      %dma_start3A_153 = tpu.memref_slice %arg7[%dma_start3A_151, %dma_start3A_152] : memref<8x128xi32, #tpu.memory_space<vmem>> -> memref<1x128xi32, #tpu.memory_space<vmem>>
      %dma_start3A_154 = tpu.memref_squeeze %dma_start3A_153 : memref<1x128xi32, #tpu.memory_space<vmem>> -> memref<128xi32, #tpu.memory_space<vmem>>
      %dma_start3A_155 = arith.constant 0 : i32
      %dma_start3A_156 = arith.constant 0 : i32
      %dma_start3A_157 = tpu.memref_slice %arg2[%dma_start3A_155, %dma_start3A_156] : memref<10112x128xf32, #tpu.memory_space<hbm>> -> memref<10112x128xf32, #tpu.memory_space<hbm>>
      tpu.enqueue_indirect_dma source(%dma_start3A_157 : memref<10112x128xf32, #tpu.memory_space<hbm>>) target(%arg10 : memref<128x128xf32, #tpu.memory_space<vmem>>) offsets(%dma_start3A_154 : memref<128xi32, #tpu.memory_space<vmem>>) semaphore(%arg15 : memref<!tpu.dma_semaphore, #tpu.memory_space<semaphore_mem>>)
      %dma_wait3A_158 = arith.constant 3 : i32
      %dma_wait3A_159 = arith.constant 0 : i32
      %dma_wait3A_160 = tpu.memref_slice %arg7[%dma_wait3A_158, %dma_wait3A_159] : memref<8x128xi32, #tpu.memory_space<vmem>> -> memref<1x128xi32, #tpu.memory_space<vmem>>
      %dma_wait3A_161 = tpu.memref_squeeze %dma_wait3A_160 : memref<1x128xi32, #tpu.memory_space<vmem>> -> memref<128xi32, #tpu.memory_space<vmem>>
      %dma_wait3A_162 = arith.constant 0 : i32
      %dma_wait3A_163 = arith.constant 0 : i32
      %dma_wait3A_164 = tpu.memref_slice %arg2[%dma_wait3A_162, %dma_wait3A_163] : memref<10112x128xf32, #tpu.memory_space<hbm>> -> memref<10112x128xf32, #tpu.memory_space<hbm>>
      tpu.wait_indirect_dma semaphore(%arg16 : memref<!tpu.dma_semaphore, #tpu.memory_space<semaphore_mem>>) src(%dma_wait3A_164 : memref<10112x128xf32, #tpu.memory_space<hbm>>) dst(%arg11 : memref<128x128xf32, #tpu.memory_space<vmem>>)
      %dma_start3A_165 = arith.constant 0 : i32
      %dma_start3A_166 = tpu.memref_slice %arg9[%add3A_143, %dma_start3A_165] : memref<80x128xi32, #tpu.memory_space<vmem>> -> memref<1x128xi32, #tpu.memory_space<vmem>>
      %dma_start3A_167 = tpu.memref_squeeze %dma_start3A_166 : memref<1x128xi32, #tpu.memory_space<vmem>> -> memref<128xi32, #tpu.memory_space<vmem>>
      %dma_start3A_168 = arith.constant 0 : i32
      %dma_start3A_169 = arith.constant 0 : i32
      %dma_start3A_170 = tpu.memref_slice %arg12[%dma_start3A_168, %dma_start3A_169] : memref<10112x128xf32, #tpu.memory_space<vmem_shared>> -> memref<10112x128xf32, #tpu.memory_space<vmem_shared>>
      tpu.enqueue_indirect_dma source(%arg11 : memref<128x128xf32, #tpu.memory_space<vmem>>) target(%dma_start3A_170 : memref<10112x128xf32, #tpu.memory_space<vmem_shared>>) offsets(%dma_start3A_167 : memref<128xi32, #tpu.memory_space<vmem>>) semaphore(%arg18 : memref<!tpu.dma_semaphore, #tpu.memory_space<semaphore_mem>>) {add = true}
      %mul3A_171 = arith.constant 8 : i32
      %mul3A_172 = arith.muli %add3A_51, %mul3A_171 : i32
      %add3A_173 = arith.constant 4 : i32
      %add3A_174 = arith.addi %mul3A_172, %add3A_173 : i32
      %dma_wait3A_175 = arith.constant 0 : i32
      %dma_wait3A_176 = arith.constant 0 : i32
      %dma_wait3A_177 = tpu.memref_slice %arg9[%dma_wait3A_175, %dma_wait3A_176] : memref<80x128xi32, #tpu.memory_space<vmem>> -> memref<1x128xi32, #tpu.memory_space<vmem>>
      %dma_wait3A_178 = tpu.memref_squeeze %dma_wait3A_177 : memref<1x128xi32, #tpu.memory_space<vmem>> -> memref<128xi32, #tpu.memory_space<vmem>>
      %dma_wait3A_179 = arith.constant 0 : i32
      %dma_wait3A_180 = arith.constant 0 : i32
      %dma_wait3A_181 = tpu.memref_slice %arg12[%dma_wait3A_179, %dma_wait3A_180] : memref<10112x128xf32, #tpu.memory_space<vmem_shared>> -> memref<10112x128xf32, #tpu.memory_space<vmem_shared>>
      tpu.wait_indirect_dma semaphore(%arg18 : memref<!tpu.dma_semaphore, #tpu.memory_space<semaphore_mem>>) src(%arg11 : memref<128x128xf32, #tpu.memory_space<vmem>>) dst(%dma_wait3A_181 : memref<10112x128xf32, #tpu.memory_space<vmem_shared>>)
      %dma_start3A_182 = arith.constant 5 : i32
      %dma_start3A_183 = arith.constant 0 : i32
      %dma_start3A_184 = tpu.memref_slice %arg7[%dma_start3A_182, %dma_start3A_183] : memref<8x128xi32, #tpu.memory_space<vmem>> -> memref<1x128xi32, #tpu.memory_space<vmem>>
      %dma_start3A_185 = tpu.memref_squeeze %dma_start3A_184 : memref<1x128xi32, #tpu.memory_space<vmem>> -> memref<128xi32, #tpu.memory_space<vmem>>
      %dma_start3A_186 = arith.constant 0 : i32
      %dma_start3A_187 = arith.constant 0 : i32
      %dma_start3A_188 = tpu.memref_slice %arg2[%dma_start3A_186, %dma_start3A_187] : memref<10112x128xf32, #tpu.memory_space<hbm>> -> memref<10112x128xf32, #tpu.memory_space<hbm>>
      tpu.enqueue_indirect_dma source(%dma_start3A_188 : memref<10112x128xf32, #tpu.memory_space<hbm>>) target(%arg11 : memref<128x128xf32, #tpu.memory_space<vmem>>) offsets(%dma_start3A_185 : memref<128xi32, #tpu.memory_space<vmem>>) semaphore(%arg16 : memref<!tpu.dma_semaphore, #tpu.memory_space<semaphore_mem>>)
      %dma_wait3A_189 = arith.constant 4 : i32
      %dma_wait3A_190 = arith.constant 0 : i32
      %dma_wait3A_191 = tpu.memref_slice %arg7[%dma_wait3A_189, %dma_wait3A_190] : memref<8x128xi32, #tpu.memory_space<vmem>> -> memref<1x128xi32, #tpu.memory_space<vmem>>
      %dma_wait3A_192 = tpu.memref_squeeze %dma_wait3A_191 : memref<1x128xi32, #tpu.memory_space<vmem>> -> memref<128xi32, #tpu.memory_space<vmem>>
      %dma_wait3A_193 = arith.constant 0 : i32
      %dma_wait3A_194 = arith.constant 0 : i32
      %dma_wait3A_195 = tpu.memref_slice %arg2[%dma_wait3A_193, %dma_wait3A_194] : memref<10112x128xf32, #tpu.memory_space<hbm>> -> memref<10112x128xf32, #tpu.memory_space<hbm>>
      tpu.wait_indirect_dma semaphore(%arg15 : memref<!tpu.dma_semaphore, #tpu.memory_space<semaphore_mem>>) src(%dma_wait3A_195 : memref<10112x128xf32, #tpu.memory_space<hbm>>) dst(%arg10 : memref<128x128xf32, #tpu.memory_space<vmem>>)
      %dma_start3A_196 = arith.constant 0 : i32
      %dma_start3A_197 = tpu.memref_slice %arg9[%add3A_174, %dma_start3A_196] : memref<80x128xi32, #tpu.memory_space<vmem>> -> memref<1x128xi32, #tpu.memory_space<vmem>>
      %dma_start3A_198 = tpu.memref_squeeze %dma_start3A_197 : memref<1x128xi32, #tpu.memory_space<vmem>> -> memref<128xi32, #tpu.memory_space<vmem>>
      %dma_start3A_199 = arith.constant 0 : i32
      %dma_start3A_200 = arith.constant 0 : i32
      %dma_start3A_201 = tpu.memref_slice %arg12[%dma_start3A_199, %dma_start3A_200] : memref<10112x128xf32, #tpu.memory_space<vmem_shared>> -> memref<10112x128xf32, #tpu.memory_space<vmem_shared>>
      tpu.enqueue_indirect_dma source(%arg10 : memref<128x128xf32, #tpu.memory_space<vmem>>) target(%dma_start3A_201 : memref<10112x128xf32, #tpu.memory_space<vmem_shared>>) offsets(%dma_start3A_198 : memref<128xi32, #tpu.memory_space<vmem>>) semaphore(%arg17 : memref<!tpu.dma_semaphore, #tpu.memory_space<semaphore_mem>>) {add = true}
      %mul3A_202 = arith.constant 8 : i32
      %mul3A_203 = arith.muli %add3A_51, %mul3A_202 : i32
      %add3A_204 = arith.constant 5 : i32
      %add3A_205 = arith.addi %mul3A_203, %add3A_204 : i32
      %dma_wait3A_206 = arith.constant 0 : i32
      %dma_wait3A_207 = arith.constant 0 : i32
      %dma_wait3A_208 = tpu.memref_slice %arg9[%dma_wait3A_206, %dma_wait3A_207] : memref<80x128xi32, #tpu.memory_space<vmem>> -> memref<1x128xi32, #tpu.memory_space<vmem>>
      %dma_wait3A_209 = tpu.memref_squeeze %dma_wait3A_208 : memref<1x128xi32, #tpu.memory_space<vmem>> -> memref<128xi32, #tpu.memory_space<vmem>>
      %dma_wait3A_210 = arith.constant 0 : i32
      %dma_wait3A_211 = arith.constant 0 : i32
      %dma_wait3A_212 = tpu.memref_slice %arg12[%dma_wait3A_210, %dma_wait3A_211] : memref<10112x128xf32, #tpu.memory_space<vmem_shared>> -> memref<10112x128xf32, #tpu.memory_space<vmem_shared>>
      tpu.wait_indirect_dma semaphore(%arg17 : memref<!tpu.dma_semaphore, #tpu.memory_space<semaphore_mem>>) src(%arg10 : memref<128x128xf32, #tpu.memory_space<vmem>>) dst(%dma_wait3A_212 : memref<10112x128xf32, #tpu.memory_space<vmem_shared>>)
      %dma_start3A_213 = arith.constant 6 : i32
      %dma_start3A_214 = arith.constant 0 : i32
      %dma_start3A_215 = tpu.memref_slice %arg7[%dma_start3A_213, %dma_start3A_214] : memref<8x128xi32, #tpu.memory_space<vmem>> -> memref<1x128xi32, #tpu.memory_space<vmem>>
      %dma_start3A_216 = tpu.memref_squeeze %dma_start3A_215 : memref<1x128xi32, #tpu.memory_space<vmem>> -> memref<128xi32, #tpu.memory_space<vmem>>
      %dma_start3A_217 = arith.constant 0 : i32
      %dma_start3A_218 = arith.constant 0 : i32
      %dma_start3A_219 = tpu.memref_slice %arg2[%dma_start3A_217, %dma_start3A_218] : memref<10112x128xf32, #tpu.memory_space<hbm>> -> memref<10112x128xf32, #tpu.memory_space<hbm>>
      tpu.enqueue_indirect_dma source(%dma_start3A_219 : memref<10112x128xf32, #tpu.memory_space<hbm>>) target(%arg10 : memref<128x128xf32, #tpu.memory_space<vmem>>) offsets(%dma_start3A_216 : memref<128xi32, #tpu.memory_space<vmem>>) semaphore(%arg15 : memref<!tpu.dma_semaphore, #tpu.memory_space<semaphore_mem>>)
      %dma_wait3A_220 = arith.constant 5 : i32
      %dma_wait3A_221 = arith.constant 0 : i32
      %dma_wait3A_222 = tpu.memref_slice %arg7[%dma_wait3A_220, %dma_wait3A_221] : memref<8x128xi32, #tpu.memory_space<vmem>> -> memref<1x128xi32, #tpu.memory_space<vmem>>
      %dma_wait3A_223 = tpu.memref_squeeze %dma_wait3A_222 : memref<1x128xi32, #tpu.memory_space<vmem>> -> memref<128xi32, #tpu.memory_space<vmem>>
      %dma_wait3A_224 = arith.constant 0 : i32
      %dma_wait3A_225 = arith.constant 0 : i32
      %dma_wait3A_226 = tpu.memref_slice %arg2[%dma_wait3A_224, %dma_wait3A_225] : memref<10112x128xf32, #tpu.memory_space<hbm>> -> memref<10112x128xf32, #tpu.memory_space<hbm>>
      tpu.wait_indirect_dma semaphore(%arg16 : memref<!tpu.dma_semaphore, #tpu.memory_space<semaphore_mem>>) src(%dma_wait3A_226 : memref<10112x128xf32, #tpu.memory_space<hbm>>) dst(%arg11 : memref<128x128xf32, #tpu.memory_space<vmem>>)
      %dma_start3A_227 = arith.constant 0 : i32
      %dma_start3A_228 = tpu.memref_slice %arg9[%add3A_205, %dma_start3A_227] : memref<80x128xi32, #tpu.memory_space<vmem>> -> memref<1x128xi32, #tpu.memory_space<vmem>>
      %dma_start3A_229 = tpu.memref_squeeze %dma_start3A_228 : memref<1x128xi32, #tpu.memory_space<vmem>> -> memref<128xi32, #tpu.memory_space<vmem>>
      %dma_start3A_230 = arith.constant 0 : i32
      %dma_start3A_231 = arith.constant 0 : i32
      %dma_start3A_232 = tpu.memref_slice %arg12[%dma_start3A_230, %dma_start3A_231] : memref<10112x128xf32, #tpu.memory_space<vmem_shared>> -> memref<10112x128xf32, #tpu.memory_space<vmem_shared>>
      tpu.enqueue_indirect_dma source(%arg11 : memref<128x128xf32, #tpu.memory_space<vmem>>) target(%dma_start3A_232 : memref<10112x128xf32, #tpu.memory_space<vmem_shared>>) offsets(%dma_start3A_229 : memref<128xi32, #tpu.memory_space<vmem>>) semaphore(%arg18 : memref<!tpu.dma_semaphore, #tpu.memory_space<semaphore_mem>>) {add = true}
      %mul3A_233 = arith.constant 8 : i32
      %mul3A_234 = arith.muli %add3A_51, %mul3A_233 : i32
      %add3A_235 = arith.constant 6 : i32
      %add3A_236 = arith.addi %mul3A_234, %add3A_235 : i32
      %dma_wait3A_237 = arith.constant 0 : i32
      %dma_wait3A_238 = arith.constant 0 : i32
      %dma_wait3A_239 = tpu.memref_slice %arg9[%dma_wait3A_237, %dma_wait3A_238] : memref<80x128xi32, #tpu.memory_space<vmem>> -> memref<1x128xi32, #tpu.memory_space<vmem>>
      %dma_wait3A_240 = tpu.memref_squeeze %dma_wait3A_239 : memref<1x128xi32, #tpu.memory_space<vmem>> -> memref<128xi32, #tpu.memory_space<vmem>>
      %dma_wait3A_241 = arith.constant 0 : i32
      %dma_wait3A_242 = arith.constant 0 : i32
      %dma_wait3A_243 = tpu.memref_slice %arg12[%dma_wait3A_241, %dma_wait3A_242] : memref<10112x128xf32, #tpu.memory_space<vmem_shared>> -> memref<10112x128xf32, #tpu.memory_space<vmem_shared>>
      tpu.wait_indirect_dma semaphore(%arg18 : memref<!tpu.dma_semaphore, #tpu.memory_space<semaphore_mem>>) src(%arg11 : memref<128x128xf32, #tpu.memory_space<vmem>>) dst(%dma_wait3A_243 : memref<10112x128xf32, #tpu.memory_space<vmem_shared>>)
      %dma_start3A_244 = arith.constant 7 : i32
      %dma_start3A_245 = arith.constant 0 : i32
      %dma_start3A_246 = tpu.memref_slice %arg7[%dma_start3A_244, %dma_start3A_245] : memref<8x128xi32, #tpu.memory_space<vmem>> -> memref<1x128xi32, #tpu.memory_space<vmem>>
      %dma_start3A_247 = tpu.memref_squeeze %dma_start3A_246 : memref<1x128xi32, #tpu.memory_space<vmem>> -> memref<128xi32, #tpu.memory_space<vmem>>
      %dma_start3A_248 = arith.constant 0 : i32
      %dma_start3A_249 = arith.constant 0 : i32
      %dma_start3A_250 = tpu.memref_slice %arg2[%dma_start3A_248, %dma_start3A_249] : memref<10112x128xf32, #tpu.memory_space<hbm>> -> memref<10112x128xf32, #tpu.memory_space<hbm>>
      tpu.enqueue_indirect_dma source(%dma_start3A_250 : memref<10112x128xf32, #tpu.memory_space<hbm>>) target(%arg11 : memref<128x128xf32, #tpu.memory_space<vmem>>) offsets(%dma_start3A_247 : memref<128xi32, #tpu.memory_space<vmem>>) semaphore(%arg16 : memref<!tpu.dma_semaphore, #tpu.memory_space<semaphore_mem>>)
      %dma_wait3A_251 = arith.constant 6 : i32
      %dma_wait3A_252 = arith.constant 0 : i32
      %dma_wait3A_253 = tpu.memref_slice %arg7[%dma_wait3A_251, %dma_wait3A_252] : memref<8x128xi32, #tpu.memory_space<vmem>> -> memref<1x128xi32, #tpu.memory_space<vmem>>
      %dma_wait3A_254 = tpu.memref_squeeze %dma_wait3A_253 : memref<1x128xi32, #tpu.memory_space<vmem>> -> memref<128xi32, #tpu.memory_space<vmem>>
      %dma_wait3A_255 = arith.constant 0 : i32
      %dma_wait3A_256 = arith.constant 0 : i32
      %dma_wait3A_257 = tpu.memref_slice %arg2[%dma_wait3A_255, %dma_wait3A_256] : memref<10112x128xf32, #tpu.memory_space<hbm>> -> memref<10112x128xf32, #tpu.memory_space<hbm>>
      tpu.wait_indirect_dma semaphore(%arg15 : memref<!tpu.dma_semaphore, #tpu.memory_space<semaphore_mem>>) src(%dma_wait3A_257 : memref<10112x128xf32, #tpu.memory_space<hbm>>) dst(%arg10 : memref<128x128xf32, #tpu.memory_space<vmem>>)
      %dma_start3A_258 = arith.constant 0 : i32
      %dma_start3A_259 = tpu.memref_slice %arg9[%add3A_236, %dma_start3A_258] : memref<80x128xi32, #tpu.memory_space<vmem>> -> memref<1x128xi32, #tpu.memory_space<vmem>>
      %dma_start3A_260 = tpu.memref_squeeze %dma_start3A_259 : memref<1x128xi32, #tpu.memory_space<vmem>> -> memref<128xi32, #tpu.memory_space<vmem>>
      %dma_start3A_261 = arith.constant 0 : i32
      %dma_start3A_262 = arith.constant 0 : i32
      %dma_start3A_263 = tpu.memref_slice %arg12[%dma_start3A_261, %dma_start3A_262] : memref<10112x128xf32, #tpu.memory_space<vmem_shared>> -> memref<10112x128xf32, #tpu.memory_space<vmem_shared>>
      tpu.enqueue_indirect_dma source(%arg10 : memref<128x128xf32, #tpu.memory_space<vmem>>) target(%dma_start3A_263 : memref<10112x128xf32, #tpu.memory_space<vmem_shared>>) offsets(%dma_start3A_260 : memref<128xi32, #tpu.memory_space<vmem>>) semaphore(%arg17 : memref<!tpu.dma_semaphore, #tpu.memory_space<semaphore_mem>>) {add = true}
      %mul3A_264 = arith.constant 8 : i32
      %mul3A_265 = arith.muli %add3A_51, %mul3A_264 : i32
      %add3A_266 = arith.constant 7 : i32
      %add3A_267 = arith.addi %mul3A_265, %add3A_266 : i32
      %dma_wait3A_268 = arith.constant 0 : i32
      %dma_wait3A_269 = arith.constant 0 : i32
      %dma_wait3A_270 = tpu.memref_slice %arg9[%dma_wait3A_268, %dma_wait3A_269] : memref<80x128xi32, #tpu.memory_space<vmem>> -> memref<1x128xi32, #tpu.memory_space<vmem>>
      %dma_wait3A_271 = tpu.memref_squeeze %dma_wait3A_270 : memref<1x128xi32, #tpu.memory_space<vmem>> -> memref<128xi32, #tpu.memory_space<vmem>>
      %dma_wait3A_272 = arith.constant 0 : i32
      %dma_wait3A_273 = arith.constant 0 : i32
      %dma_wait3A_274 = tpu.memref_slice %arg12[%dma_wait3A_272, %dma_wait3A_273] : memref<10112x128xf32, #tpu.memory_space<vmem_shared>> -> memref<10112x128xf32, #tpu.memory_space<vmem_shared>>
      tpu.wait_indirect_dma semaphore(%arg17 : memref<!tpu.dma_semaphore, #tpu.memory_space<semaphore_mem>>) src(%arg10 : memref<128x128xf32, #tpu.memory_space<vmem>>) dst(%dma_wait3A_274 : memref<10112x128xf32, #tpu.memory_space<vmem_shared>>)
      %add3A_275 = arith.constant 1 : i32
      %add3A_276 = arith.addi %add3A_51, %add3A_275 : i32
      %lt3A = arith.constant 10 : i32
      %lt3A_277 = arith.cmpi slt, %add3A_276, %lt3A : i32
      %convert_element_type3A_278 = arith.extui %lt3A_277 : i1 to i32
      %cond3A_279 = arith.constant 0 : i32
      %cond3A_280 = arith.cmpi ne, %convert_element_type3A_278, %cond3A_279 : i32
      scf.if %cond3A_280 {
        %dma_wait3A_560 = arith.constant 0 : i32
        %dma_wait3A_561 = arith.constant 0 : i32
        %dma_wait3A_562 = tpu.memref_slice %arg3[%add3A, %dma_wait3A_560, %dma_wait3A_561] : memref<32x80x128xi32, #tpu.memory_space<hbm>> -> memref<1x8x128xi32, #tpu.memory_space<hbm>>
        %dma_wait3A_563 = tpu.memref_squeeze %dma_wait3A_562 : memref<1x8x128xi32, #tpu.memory_space<hbm>> -> memref<8x128xi32, #tpu.memory_space<hbm>>
        %dma_wait3A_564 = arith.constant 0 : i32
        %dma_wait3A_565 = arith.constant 0 : i32
        %dma_wait3A_566 = tpu.memref_slice %arg3[%add3A, %dma_wait3A_564, %dma_wait3A_565] : memref<32x80x128xi32, #tpu.memory_space<hbm>> -> memref<1x8x128xi32, #tpu.memory_space<hbm>>
        %dma_wait3A_567 = tpu.memref_squeeze %dma_wait3A_566 : memref<1x8x128xi32, #tpu.memory_space<hbm>> -> memref<8x128xi32, #tpu.memory_space<hbm>>
        tpu.wait_dma2 semaphore(%arg14 : memref<!tpu.dma_semaphore, #tpu.memory_space<semaphore_mem>>) src(%dma_wait3A_567 : memref<8x128xi32, #tpu.memory_space<hbm>>) dst(%arg8 : memref<8x128xi32, #tpu.memory_space<vmem>>)
        %dma_start3A_568 = arith.constant 0 : i32
        %dma_start3A_569 = arith.constant 0 : i32
        %dma_start3A_570 = tpu.memref_slice %arg8[%dma_start3A_568, %dma_start3A_569] : memref<8x128xi32, #tpu.memory_space<vmem>> -> memref<1x128xi32, #tpu.memory_space<vmem>>
        %dma_start3A_571 = tpu.memref_squeeze %dma_start3A_570 : memref<1x128xi32, #tpu.memory_space<vmem>> -> memref<128xi32, #tpu.memory_space<vmem>>
        %dma_start3A_572 = arith.constant 0 : i32
        %dma_start3A_573 = arith.constant 0 : i32
        %dma_start3A_574 = tpu.memref_slice %arg2[%dma_start3A_572, %dma_start3A_573] : memref<10112x128xf32, #tpu.memory_space<hbm>> -> memref<10112x128xf32, #tpu.memory_space<hbm>>
        tpu.enqueue_indirect_dma source(%dma_start3A_574 : memref<10112x128xf32, #tpu.memory_space<hbm>>) target(%arg10 : memref<128x128xf32, #tpu.memory_space<vmem>>) offsets(%dma_start3A_571 : memref<128xi32, #tpu.memory_space<vmem>>) semaphore(%arg15 : memref<!tpu.dma_semaphore, #tpu.memory_space<semaphore_mem>>)
      } else {
      }
      %dma_wait3A_281 = arith.constant 7 : i32
      %dma_wait3A_282 = arith.constant 0 : i32
      %dma_wait3A_283 = tpu.memref_slice %arg7[%dma_wait3A_281, %dma_wait3A_282] : memref<8x128xi32, #tpu.memory_space<vmem>> -> memref<1x128xi32, #tpu.memory_space<vmem>>
      %dma_wait3A_284 = tpu.memref_squeeze %dma_wait3A_283 : memref<1x128xi32, #tpu.memory_space<vmem>> -> memref<128xi32, #tpu.memory_space<vmem>>
      %dma_wait3A_285 = arith.constant 0 : i32
      %dma_wait3A_286 = arith.constant 0 : i32
      %dma_wait3A_287 = tpu.memref_slice %arg2[%dma_wait3A_285, %dma_wait3A_286] : memref<10112x128xf32, #tpu.memory_space<hbm>> -> memref<10112x128xf32, #tpu.memory_space<hbm>>
      tpu.wait_indirect_dma semaphore(%arg16 : memref<!tpu.dma_semaphore, #tpu.memory_space<semaphore_mem>>) src(%dma_wait3A_287 : memref<10112x128xf32, #tpu.memory_space<hbm>>) dst(%arg11 : memref<128x128xf32, #tpu.memory_space<vmem>>)
      %dma_start3A_288 = arith.constant 0 : i32
      %dma_start3A_289 = tpu.memref_slice %arg9[%add3A_267, %dma_start3A_288] : memref<80x128xi32, #tpu.memory_space<vmem>> -> memref<1x128xi32, #tpu.memory_space<vmem>>
      %dma_start3A_290 = tpu.memref_squeeze %dma_start3A_289 : memref<1x128xi32, #tpu.memory_space<vmem>> -> memref<128xi32, #tpu.memory_space<vmem>>
      %dma_start3A_291 = arith.constant 0 : i32
      %dma_start3A_292 = arith.constant 0 : i32
      %dma_start3A_293 = tpu.memref_slice %arg12[%dma_start3A_291, %dma_start3A_292] : memref<10112x128xf32, #tpu.memory_space<vmem_shared>> -> memref<10112x128xf32, #tpu.memory_space<vmem_shared>>
      tpu.enqueue_indirect_dma source(%arg11 : memref<128x128xf32, #tpu.memory_space<vmem>>) target(%dma_start3A_293 : memref<10112x128xf32, #tpu.memory_space<vmem_shared>>) offsets(%dma_start3A_290 : memref<128xi32, #tpu.memory_space<vmem>>) semaphore(%arg18 : memref<!tpu.dma_semaphore, #tpu.memory_space<semaphore_mem>>) {add = true}
      %add3A_294 = arith.constant 2 : i32
      %add3A_295 = arith.addi %add3A_51, %add3A_294 : i32
      %lt3A_296 = arith.constant 10 : i32
      %lt3A_297 = arith.cmpi slt, %add3A_295, %lt3A_296 : i32
      %convert_element_type3A_298 = arith.extui %lt3A_297 : i1 to i32
      %cond3A_299 = arith.constant 0 : i32
      %cond3A_300 = arith.cmpi ne, %convert_element_type3A_298, %cond3A_299 : i32
      scf.if %cond3A_300 {
        %add3A_560 = arith.constant 2 : i32
        %add3A_561 = arith.addi %add3A_51, %add3A_560 : i32
        %mul3A_562 = arith.constant 8 : i32
        %mul3A_563 = arith.muli %add3A_561, %mul3A_562 : i32
        %dma_start3A_564 = arith.constant 0 : i32
        %dma_start3A_565 = tpu.memref_slice %arg3[%add3A, %mul3A_563, %dma_start3A_564] : memref<32x80x128xi32, #tpu.memory_space<hbm>> -> memref<1x8x128xi32, #tpu.memory_space<hbm>>
        %dma_start3A_566 = tpu.memref_squeeze %dma_start3A_565 : memref<1x8x128xi32, #tpu.memory_space<hbm>> -> memref<8x128xi32, #tpu.memory_space<hbm>>
        %dma_start3A_567 = arith.constant 0 : i32
        %dma_start3A_568 = tpu.memref_slice %arg3[%add3A, %mul3A_563, %dma_start3A_567] : memref<32x80x128xi32, #tpu.memory_space<hbm>> -> memref<1x8x128xi32, #tpu.memory_space<hbm>>
        %dma_start3A_569 = tpu.memref_squeeze %dma_start3A_568 : memref<1x8x128xi32, #tpu.memory_space<hbm>> -> memref<8x128xi32, #tpu.memory_space<hbm>>
        tpu.enqueue_dma source(%dma_start3A_569 : memref<8x128xi32, #tpu.memory_space<hbm>>) target(%arg7 : memref<8x128xi32, #tpu.memory_space<vmem>>) target_semaphore(%arg13 : memref<!tpu.dma_semaphore, #tpu.memory_space<semaphore_mem>>)
      } else {
      }
      %mul3A_301 = arith.constant 2 : i32
      %mul3A_302 = arith.muli %mul3A_301, %scan3A_47 : i32
      %add3A_303 = arith.constant 1 : i32
      %add3A_304 = arith.addi %mul3A_302, %add3A_303 : i32
      %mul3A_305 = arith.constant 8 : i32
      %mul3A_306 = arith.muli %add3A_304, %mul3A_305 : i32
      %add3A_307 = arith.constant 0 : i32
      %add3A_308 = arith.addi %mul3A_306, %add3A_307 : i32
      %dma_wait3A_309 = arith.constant 0 : i32
      %dma_wait3A_310 = arith.constant 0 : i32
      %dma_wait3A_311 = tpu.memref_slice %arg9[%dma_wait3A_309, %dma_wait3A_310] : memref<80x128xi32, #tpu.memory_space<vmem>> -> memref<1x128xi32, #tpu.memory_space<vmem>>
      %dma_wait3A_312 = tpu.memref_squeeze %dma_wait3A_311 : memref<1x128xi32, #tpu.memory_space<vmem>> -> memref<128xi32, #tpu.memory_space<vmem>>
      %dma_wait3A_313 = arith.constant 0 : i32
      %dma_wait3A_314 = arith.constant 0 : i32
      %dma_wait3A_315 = tpu.memref_slice %arg12[%dma_wait3A_313, %dma_wait3A_314] : memref<10112x128xf32, #tpu.memory_space<vmem_shared>> -> memref<10112x128xf32, #tpu.memory_space<vmem_shared>>
      tpu.wait_indirect_dma semaphore(%arg18 : memref<!tpu.dma_semaphore, #tpu.memory_space<semaphore_mem>>) src(%arg11 : memref<128x128xf32, #tpu.memory_space<vmem>>) dst(%dma_wait3A_315 : memref<10112x128xf32, #tpu.memory_space<vmem_shared>>)
      %dma_start3A_316 = arith.constant 1 : i32
      %dma_start3A_317 = arith.constant 0 : i32
      %dma_start3A_318 = tpu.memref_slice %arg8[%dma_start3A_316, %dma_start3A_317] : memref<8x128xi32, #tpu.memory_space<vmem>> -> memref<1x128xi32, #tpu.memory_space<vmem>>
      %dma_start3A_319 = tpu.memref_squeeze %dma_start3A_318 : memref<1x128xi32, #tpu.memory_space<vmem>> -> memref<128xi32, #tpu.memory_space<vmem>>
      %dma_start3A_320 = arith.constant 0 : i32
      %dma_start3A_321 = arith.constant 0 : i32
      %dma_start3A_322 = tpu.memref_slice %arg2[%dma_start3A_320, %dma_start3A_321] : memref<10112x128xf32, #tpu.memory_space<hbm>> -> memref<10112x128xf32, #tpu.memory_space<hbm>>
      tpu.enqueue_indirect_dma source(%dma_start3A_322 : memref<10112x128xf32, #tpu.memory_space<hbm>>) target(%arg11 : memref<128x128xf32, #tpu.memory_space<vmem>>) offsets(%dma_start3A_319 : memref<128xi32, #tpu.memory_space<vmem>>) semaphore(%arg16 : memref<!tpu.dma_semaphore, #tpu.memory_space<semaphore_mem>>)
      %dma_wait3A_323 = arith.constant 0 : i32
      %dma_wait3A_324 = arith.constant 0 : i32
      %dma_wait3A_325 = tpu.memref_slice %arg8[%dma_wait3A_323, %dma_wait3A_324] : memref<8x128xi32, #tpu.memory_space<vmem>> -> memref<1x128xi32, #tpu.memory_space<vmem>>
      %dma_wait3A_326 = tpu.memref_squeeze %dma_wait3A_325 : memref<1x128xi32, #tpu.memory_space<vmem>> -> memref<128xi32, #tpu.memory_space<vmem>>
      %dma_wait3A_327 = arith.constant 0 : i32
      %dma_wait3A_328 = arith.constant 0 : i32
      %dma_wait3A_329 = tpu.memref_slice %arg2[%dma_wait3A_327, %dma_wait3A_328] : memref<10112x128xf32, #tpu.memory_space<hbm>> -> memref<10112x128xf32, #tpu.memory_space<hbm>>
      tpu.wait_indirect_dma semaphore(%arg15 : memref<!tpu.dma_semaphore, #tpu.memory_space<semaphore_mem>>) src(%dma_wait3A_329 : memref<10112x128xf32, #tpu.memory_space<hbm>>) dst(%arg10 : memref<128x128xf32, #tpu.memory_space<vmem>>)
      %dma_start3A_330 = arith.constant 0 : i32
      %dma_start3A_331 = tpu.memref_slice %arg9[%add3A_308, %dma_start3A_330] : memref<80x128xi32, #tpu.memory_space<vmem>> -> memref<1x128xi32, #tpu.memory_space<vmem>>
      %dma_start3A_332 = tpu.memref_squeeze %dma_start3A_331 : memref<1x128xi32, #tpu.memory_space<vmem>> -> memref<128xi32, #tpu.memory_space<vmem>>
      %dma_start3A_333 = arith.constant 0 : i32
      %dma_start3A_334 = arith.constant 0 : i32
      %dma_start3A_335 = tpu.memref_slice %arg12[%dma_start3A_333, %dma_start3A_334] : memref<10112x128xf32, #tpu.memory_space<vmem_shared>> -> memref<10112x128xf32, #tpu.memory_space<vmem_shared>>
      tpu.enqueue_indirect_dma source(%arg10 : memref<128x128xf32, #tpu.memory_space<vmem>>) target(%dma_start3A_335 : memref<10112x128xf32, #tpu.memory_space<vmem_shared>>) offsets(%dma_start3A_332 : memref<128xi32, #tpu.memory_space<vmem>>) semaphore(%arg17 : memref<!tpu.dma_semaphore, #tpu.memory_space<semaphore_mem>>) {add = true}
      %mul3A_336 = arith.constant 8 : i32
      %mul3A_337 = arith.muli %add3A_304, %mul3A_336 : i32
      %add3A_338 = arith.constant 1 : i32
      %add3A_339 = arith.addi %mul3A_337, %add3A_338 : i32
      %dma_wait3A_340 = arith.constant 0 : i32
      %dma_wait3A_341 = arith.constant 0 : i32
      %dma_wait3A_342 = tpu.memref_slice %arg9[%dma_wait3A_340, %dma_wait3A_341] : memref<80x128xi32, #tpu.memory_space<vmem>> -> memref<1x128xi32, #tpu.memory_space<vmem>>
      %dma_wait3A_343 = tpu.memref_squeeze %dma_wait3A_342 : memref<1x128xi32, #tpu.memory_space<vmem>> -> memref<128xi32, #tpu.memory_space<vmem>>
      %dma_wait3A_344 = arith.constant 0 : i32
      %dma_wait3A_345 = arith.constant 0 : i32
      %dma_wait3A_346 = tpu.memref_slice %arg12[%dma_wait3A_344, %dma_wait3A_345] : memref<10112x128xf32, #tpu.memory_space<vmem_shared>> -> memref<10112x128xf32, #tpu.memory_space<vmem_shared>>
      tpu.wait_indirect_dma semaphore(%arg17 : memref<!tpu.dma_semaphore, #tpu.memory_space<semaphore_mem>>) src(%arg10 : memref<128x128xf32, #tpu.memory_space<vmem>>) dst(%dma_wait3A_346 : memref<10112x128xf32, #tpu.memory_space<vmem_shared>>)
      %dma_start3A_347 = arith.constant 2 : i32
      %dma_start3A_348 = arith.constant 0 : i32
      %dma_start3A_349 = tpu.memref_slice %arg8[%dma_start3A_347, %dma_start3A_348] : memref<8x128xi32, #tpu.memory_space<vmem>> -> memref<1x128xi32, #tpu.memory_space<vmem>>
      %dma_start3A_350 = tpu.memref_squeeze %dma_start3A_349 : memref<1x128xi32, #tpu.memory_space<vmem>> -> memref<128xi32, #tpu.memory_space<vmem>>
      %dma_start3A_351 = arith.constant 0 : i32
      %dma_start3A_352 = arith.constant 0 : i32
      %dma_start3A_353 = tpu.memref_slice %arg2[%dma_start3A_351, %dma_start3A_352] : memref<10112x128xf32, #tpu.memory_space<hbm>> -> memref<10112x128xf32, #tpu.memory_space<hbm>>
      tpu.enqueue_indirect_dma source(%dma_start3A_353 : memref<10112x128xf32, #tpu.memory_space<hbm>>) target(%arg10 : memref<128x128xf32, #tpu.memory_space<vmem>>) offsets(%dma_start3A_350 : memref<128xi32, #tpu.memory_space<vmem>>) semaphore(%arg15 : memref<!tpu.dma_semaphore, #tpu.memory_space<semaphore_mem>>)
      %dma_wait3A_354 = arith.constant 1 : i32
      %dma_wait3A_355 = arith.constant 0 : i32
      %dma_wait3A_356 = tpu.memref_slice %arg8[%dma_wait3A_354, %dma_wait3A_355] : memref<8x128xi32, #tpu.memory_space<vmem>> -> memref<1x128xi32, #tpu.memory_space<vmem>>
      %dma_wait3A_357 = tpu.memref_squeeze %dma_wait3A_356 : memref<1x128xi32, #tpu.memory_space<vmem>> -> memref<128xi32, #tpu.memory_space<vmem>>
      %dma_wait3A_358 = arith.constant 0 : i32
      %dma_wait3A_359 = arith.constant 0 : i32
      %dma_wait3A_360 = tpu.memref_slice %arg2[%dma_wait3A_358, %dma_wait3A_359] : memref<10112x128xf32, #tpu.memory_space<hbm>> -> memref<10112x128xf32, #tpu.memory_space<hbm>>
      tpu.wait_indirect_dma semaphore(%arg16 : memref<!tpu.dma_semaphore, #tpu.memory_space<semaphore_mem>>) src(%dma_wait3A_360 : memref<10112x128xf32, #tpu.memory_space<hbm>>) dst(%arg11 : memref<128x128xf32, #tpu.memory_space<vmem>>)
      %dma_start3A_361 = arith.constant 0 : i32
      %dma_start3A_362 = tpu.memref_slice %arg9[%add3A_339, %dma_start3A_361] : memref<80x128xi32, #tpu.memory_space<vmem>> -> memref<1x128xi32, #tpu.memory_space<vmem>>
      %dma_start3A_363 = tpu.memref_squeeze %dma_start3A_362 : memref<1x128xi32, #tpu.memory_space<vmem>> -> memref<128xi32, #tpu.memory_space<vmem>>
      %dma_start3A_364 = arith.constant 0 : i32
      %dma_start3A_365 = arith.constant 0 : i32
      %dma_start3A_366 = tpu.memref_slice %arg12[%dma_start3A_364, %dma_start3A_365] : memref<10112x128xf32, #tpu.memory_space<vmem_shared>> -> memref<10112x128xf32, #tpu.memory_space<vmem_shared>>
      tpu.enqueue_indirect_dma source(%arg11 : memref<128x128xf32, #tpu.memory_space<vmem>>) target(%dma_start3A_366 : memref<10112x128xf32, #tpu.memory_space<vmem_shared>>) offsets(%dma_start3A_363 : memref<128xi32, #tpu.memory_space<vmem>>) semaphore(%arg18 : memref<!tpu.dma_semaphore, #tpu.memory_space<semaphore_mem>>) {add = true}
      %mul3A_367 = arith.constant 8 : i32
      %mul3A_368 = arith.muli %add3A_304, %mul3A_367 : i32
      %add3A_369 = arith.constant 2 : i32
      %add3A_370 = arith.addi %mul3A_368, %add3A_369 : i32
      %dma_wait3A_371 = arith.constant 0 : i32
      %dma_wait3A_372 = arith.constant 0 : i32
      %dma_wait3A_373 = tpu.memref_slice %arg9[%dma_wait3A_371, %dma_wait3A_372] : memref<80x128xi32, #tpu.memory_space<vmem>> -> memref<1x128xi32, #tpu.memory_space<vmem>>
      %dma_wait3A_374 = tpu.memref_squeeze %dma_wait3A_373 : memref<1x128xi32, #tpu.memory_space<vmem>> -> memref<128xi32, #tpu.memory_space<vmem>>
      %dma_wait3A_375 = arith.constant 0 : i32
      %dma_wait3A_376 = arith.constant 0 : i32
      %dma_wait3A_377 = tpu.memref_slice %arg12[%dma_wait3A_375, %dma_wait3A_376] : memref<10112x128xf32, #tpu.memory_space<vmem_shared>> -> memref<10112x128xf32, #tpu.memory_space<vmem_shared>>
      tpu.wait_indirect_dma semaphore(%arg18 : memref<!tpu.dma_semaphore, #tpu.memory_space<semaphore_mem>>) src(%arg11 : memref<128x128xf32, #tpu.memory_space<vmem>>) dst(%dma_wait3A_377 : memref<10112x128xf32, #tpu.memory_space<vmem_shared>>)
      %dma_start3A_378 = arith.constant 3 : i32
      %dma_start3A_379 = arith.constant 0 : i32
      %dma_start3A_380 = tpu.memref_slice %arg8[%dma_start3A_378, %dma_start3A_379] : memref<8x128xi32, #tpu.memory_space<vmem>> -> memref<1x128xi32, #tpu.memory_space<vmem>>
      %dma_start3A_381 = tpu.memref_squeeze %dma_start3A_380 : memref<1x128xi32, #tpu.memory_space<vmem>> -> memref<128xi32, #tpu.memory_space<vmem>>
      %dma_start3A_382 = arith.constant 0 : i32
      %dma_start3A_383 = arith.constant 0 : i32
      %dma_start3A_384 = tpu.memref_slice %arg2[%dma_start3A_382, %dma_start3A_383] : memref<10112x128xf32, #tpu.memory_space<hbm>> -> memref<10112x128xf32, #tpu.memory_space<hbm>>
      tpu.enqueue_indirect_dma source(%dma_start3A_384 : memref<10112x128xf32, #tpu.memory_space<hbm>>) target(%arg11 : memref<128x128xf32, #tpu.memory_space<vmem>>) offsets(%dma_start3A_381 : memref<128xi32, #tpu.memory_space<vmem>>) semaphore(%arg16 : memref<!tpu.dma_semaphore, #tpu.memory_space<semaphore_mem>>)
      %dma_wait3A_385 = arith.constant 2 : i32
      %dma_wait3A_386 = arith.constant 0 : i32
      %dma_wait3A_387 = tpu.memref_slice %arg8[%dma_wait3A_385, %dma_wait3A_386] : memref<8x128xi32, #tpu.memory_space<vmem>> -> memref<1x128xi32, #tpu.memory_space<vmem>>
      %dma_wait3A_388 = tpu.memref_squeeze %dma_wait3A_387 : memref<1x128xi32, #tpu.memory_space<vmem>> -> memref<128xi32, #tpu.memory_space<vmem>>
      %dma_wait3A_389 = arith.constant 0 : i32
      %dma_wait3A_390 = arith.constant 0 : i32
      %dma_wait3A_391 = tpu.memref_slice %arg2[%dma_wait3A_389, %dma_wait3A_390] : memref<10112x128xf32, #tpu.memory_space<hbm>> -> memref<10112x128xf32, #tpu.memory_space<hbm>>
      tpu.wait_indirect_dma semaphore(%arg15 : memref<!tpu.dma_semaphore, #tpu.memory_space<semaphore_mem>>) src(%dma_wait3A_391 : memref<10112x128xf32, #tpu.memory_space<hbm>>) dst(%arg10 : memref<128x128xf32, #tpu.memory_space<vmem>>)
      %dma_start3A_392 = arith.constant 0 : i32
      %dma_start3A_393 = tpu.memref_slice %arg9[%add3A_370, %dma_start3A_392] : memref<80x128xi32, #tpu.memory_space<vmem>> -> memref<1x128xi32, #tpu.memory_space<vmem>>
      %dma_start3A_394 = tpu.memref_squeeze %dma_start3A_393 : memref<1x128xi32, #tpu.memory_space<vmem>> -> memref<128xi32, #tpu.memory_space<vmem>>
      %dma_start3A_395 = arith.constant 0 : i32
      %dma_start3A_396 = arith.constant 0 : i32
      %dma_start3A_397 = tpu.memref_slice %arg12[%dma_start3A_395, %dma_start3A_396] : memref<10112x128xf32, #tpu.memory_space<vmem_shared>> -> memref<10112x128xf32, #tpu.memory_space<vmem_shared>>
      tpu.enqueue_indirect_dma source(%arg10 : memref<128x128xf32, #tpu.memory_space<vmem>>) target(%dma_start3A_397 : memref<10112x128xf32, #tpu.memory_space<vmem_shared>>) offsets(%dma_start3A_394 : memref<128xi32, #tpu.memory_space<vmem>>) semaphore(%arg17 : memref<!tpu.dma_semaphore, #tpu.memory_space<semaphore_mem>>) {add = true}
      %mul3A_398 = arith.constant 8 : i32
      %mul3A_399 = arith.muli %add3A_304, %mul3A_398 : i32
      %add3A_400 = arith.constant 3 : i32
      %add3A_401 = arith.addi %mul3A_399, %add3A_400 : i32
      %dma_wait3A_402 = arith.constant 0 : i32
      %dma_wait3A_403 = arith.constant 0 : i32
      %dma_wait3A_404 = tpu.memref_slice %arg9[%dma_wait3A_402, %dma_wait3A_403] : memref<80x128xi32, #tpu.memory_space<vmem>> -> memref<1x128xi32, #tpu.memory_space<vmem>>
      %dma_wait3A_405 = tpu.memref_squeeze %dma_wait3A_404 : memref<1x128xi32, #tpu.memory_space<vmem>> -> memref<128xi32, #tpu.memory_space<vmem>>
      %dma_wait3A_406 = arith.constant 0 : i32
      %dma_wait3A_407 = arith.constant 0 : i32
      %dma_wait3A_408 = tpu.memref_slice %arg12[%dma_wait3A_406, %dma_wait3A_407] : memref<10112x128xf32, #tpu.memory_space<vmem_shared>> -> memref<10112x128xf32, #tpu.memory_space<vmem_shared>>
      tpu.wait_indirect_dma semaphore(%arg17 : memref<!tpu.dma_semaphore, #tpu.memory_space<semaphore_mem>>) src(%arg10 : memref<128x128xf32, #tpu.memory_space<vmem>>) dst(%dma_wait3A_408 : memref<10112x128xf32, #tpu.memory_space<vmem_shared>>)
      %dma_start3A_409 = arith.constant 4 : i32
      %dma_start3A_410 = arith.constant 0 : i32
      %dma_start3A_411 = tpu.memref_slice %arg8[%dma_start3A_409, %dma_start3A_410] : memref<8x128xi32, #tpu.memory_space<vmem>> -> memref<1x128xi32, #tpu.memory_space<vmem>>
      %dma_start3A_412 = tpu.memref_squeeze %dma_start3A_411 : memref<1x128xi32, #tpu.memory_space<vmem>> -> memref<128xi32, #tpu.memory_space<vmem>>
      %dma_start3A_413 = arith.constant 0 : i32
      %dma_start3A_414 = arith.constant 0 : i32
      %dma_start3A_415 = tpu.memref_slice %arg2[%dma_start3A_413, %dma_start3A_414] : memref<10112x128xf32, #tpu.memory_space<hbm>> -> memref<10112x128xf32, #tpu.memory_space<hbm>>
      tpu.enqueue_indirect_dma source(%dma_start3A_415 : memref<10112x128xf32, #tpu.memory_space<hbm>>) target(%arg10 : memref<128x128xf32, #tpu.memory_space<vmem>>) offsets(%dma_start3A_412 : memref<128xi32, #tpu.memory_space<vmem>>) semaphore(%arg15 : memref<!tpu.dma_semaphore, #tpu.memory_space<semaphore_mem>>)
      %dma_wait3A_416 = arith.constant 3 : i32
      %dma_wait3A_417 = arith.constant 0 : i32
      %dma_wait3A_418 = tpu.memref_slice %arg8[%dma_wait3A_416, %dma_wait3A_417] : memref<8x128xi32, #tpu.memory_space<vmem>> -> memref<1x128xi32, #tpu.memory_space<vmem>>
      %dma_wait3A_419 = tpu.memref_squeeze %dma_wait3A_418 : memref<1x128xi32, #tpu.memory_space<vmem>> -> memref<128xi32, #tpu.memory_space<vmem>>
      %dma_wait3A_420 = arith.constant 0 : i32
      %dma_wait3A_421 = arith.constant 0 : i32
      %dma_wait3A_422 = tpu.memref_slice %arg2[%dma_wait3A_420, %dma_wait3A_421] : memref<10112x128xf32, #tpu.memory_space<hbm>> -> memref<10112x128xf32, #tpu.memory_space<hbm>>
      tpu.wait_indirect_dma semaphore(%arg16 : memref<!tpu.dma_semaphore, #tpu.memory_space<semaphore_mem>>) src(%dma_wait3A_422 : memref<10112x128xf32, #tpu.memory_space<hbm>>) dst(%arg11 : memref<128x128xf32, #tpu.memory_space<vmem>>)
      %dma_start3A_423 = arith.constant 0 : i32
      %dma_start3A_424 = tpu.memref_slice %arg9[%add3A_401, %dma_start3A_423] : memref<80x128xi32, #tpu.memory_space<vmem>> -> memref<1x128xi32, #tpu.memory_space<vmem>>
      %dma_start3A_425 = tpu.memref_squeeze %dma_start3A_424 : memref<1x128xi32, #tpu.memory_space<vmem>> -> memref<128xi32, #tpu.memory_space<vmem>>
      %dma_start3A_426 = arith.constant 0 : i32
      %dma_start3A_427 = arith.constant 0 : i32
      %dma_start3A_428 = tpu.memref_slice %arg12[%dma_start3A_426, %dma_start3A_427] : memref<10112x128xf32, #tpu.memory_space<vmem_shared>> -> memref<10112x128xf32, #tpu.memory_space<vmem_shared>>
      tpu.enqueue_indirect_dma source(%arg11 : memref<128x128xf32, #tpu.memory_space<vmem>>) target(%dma_start3A_428 : memref<10112x128xf32, #tpu.memory_space<vmem_shared>>) offsets(%dma_start3A_425 : memref<128xi32, #tpu.memory_space<vmem>>) semaphore(%arg18 : memref<!tpu.dma_semaphore, #tpu.memory_space<semaphore_mem>>) {add = true}
      %mul3A_429 = arith.constant 8 : i32
      %mul3A_430 = arith.muli %add3A_304, %mul3A_429 : i32
      %add3A_431 = arith.constant 4 : i32
      %add3A_432 = arith.addi %mul3A_430, %add3A_431 : i32
      %dma_wait3A_433 = arith.constant 0 : i32
      %dma_wait3A_434 = arith.constant 0 : i32
      %dma_wait3A_435 = tpu.memref_slice %arg9[%dma_wait3A_433, %dma_wait3A_434] : memref<80x128xi32, #tpu.memory_space<vmem>> -> memref<1x128xi32, #tpu.memory_space<vmem>>
      %dma_wait3A_436 = tpu.memref_squeeze %dma_wait3A_435 : memref<1x128xi32, #tpu.memory_space<vmem>> -> memref<128xi32, #tpu.memory_space<vmem>>
      %dma_wait3A_437 = arith.constant 0 : i32
      %dma_wait3A_438 = arith.constant 0 : i32
      %dma_wait3A_439 = tpu.memref_slice %arg12[%dma_wait3A_437, %dma_wait3A_438] : memref<10112x128xf32, #tpu.memory_space<vmem_shared>> -> memref<10112x128xf32, #tpu.memory_space<vmem_shared>>
      tpu.wait_indirect_dma semaphore(%arg18 : memref<!tpu.dma_semaphore, #tpu.memory_space<semaphore_mem>>) src(%arg11 : memref<128x128xf32, #tpu.memory_space<vmem>>) dst(%dma_wait3A_439 : memref<10112x128xf32, #tpu.memory_space<vmem_shared>>)
      %dma_start3A_440 = arith.constant 5 : i32
      %dma_start3A_441 = arith.constant 0 : i32
      %dma_start3A_442 = tpu.memref_slice %arg8[%dma_start3A_440, %dma_start3A_441] : memref<8x128xi32, #tpu.memory_space<vmem>> -> memref<1x128xi32, #tpu.memory_space<vmem>>
      %dma_start3A_443 = tpu.memref_squeeze %dma_start3A_442 : memref<1x128xi32, #tpu.memory_space<vmem>> -> memref<128xi32, #tpu.memory_space<vmem>>
      %dma_start3A_444 = arith.constant 0 : i32
      %dma_start3A_445 = arith.constant 0 : i32
      %dma_start3A_446 = tpu.memref_slice %arg2[%dma_start3A_444, %dma_start3A_445] : memref<10112x128xf32, #tpu.memory_space<hbm>> -> memref<10112x128xf32, #tpu.memory_space<hbm>>
      tpu.enqueue_indirect_dma source(%dma_start3A_446 : memref<10112x128xf32, #tpu.memory_space<hbm>>) target(%arg11 : memref<128x128xf32, #tpu.memory_space<vmem>>) offsets(%dma_start3A_443 : memref<128xi32, #tpu.memory_space<vmem>>) semaphore(%arg16 : memref<!tpu.dma_semaphore, #tpu.memory_space<semaphore_mem>>)
      %dma_wait3A_447 = arith.constant 4 : i32
      %dma_wait3A_448 = arith.constant 0 : i32
      %dma_wait3A_449 = tpu.memref_slice %arg8[%dma_wait3A_447, %dma_wait3A_448] : memref<8x128xi32, #tpu.memory_space<vmem>> -> memref<1x128xi32, #tpu.memory_space<vmem>>
      %dma_wait3A_450 = tpu.memref_squeeze %dma_wait3A_449 : memref<1x128xi32, #tpu.memory_space<vmem>> -> memref<128xi32, #tpu.memory_space<vmem>>
      %dma_wait3A_451 = arith.constant 0 : i32
      %dma_wait3A_452 = arith.constant 0 : i32
      %dma_wait3A_453 = tpu.memref_slice %arg2[%dma_wait3A_451, %dma_wait3A_452] : memref<10112x128xf32, #tpu.memory_space<hbm>> -> memref<10112x128xf32, #tpu.memory_space<hbm>>
      tpu.wait_indirect_dma semaphore(%arg15 : memref<!tpu.dma_semaphore, #tpu.memory_space<semaphore_mem>>) src(%dma_wait3A_453 : memref<10112x128xf32, #tpu.memory_space<hbm>>) dst(%arg10 : memref<128x128xf32, #tpu.memory_space<vmem>>)
      %dma_start3A_454 = arith.constant 0 : i32
      %dma_start3A_455 = tpu.memref_slice %arg9[%add3A_432, %dma_start3A_454] : memref<80x128xi32, #tpu.memory_space<vmem>> -> memref<1x128xi32, #tpu.memory_space<vmem>>
      %dma_start3A_456 = tpu.memref_squeeze %dma_start3A_455 : memref<1x128xi32, #tpu.memory_space<vmem>> -> memref<128xi32, #tpu.memory_space<vmem>>
      %dma_start3A_457 = arith.constant 0 : i32
      %dma_start3A_458 = arith.constant 0 : i32
      %dma_start3A_459 = tpu.memref_slice %arg12[%dma_start3A_457, %dma_start3A_458] : memref<10112x128xf32, #tpu.memory_space<vmem_shared>> -> memref<10112x128xf32, #tpu.memory_space<vmem_shared>>
      tpu.enqueue_indirect_dma source(%arg10 : memref<128x128xf32, #tpu.memory_space<vmem>>) target(%dma_start3A_459 : memref<10112x128xf32, #tpu.memory_space<vmem_shared>>) offsets(%dma_start3A_456 : memref<128xi32, #tpu.memory_space<vmem>>) semaphore(%arg17 : memref<!tpu.dma_semaphore, #tpu.memory_space<semaphore_mem>>) {add = true}
      %mul3A_460 = arith.constant 8 : i32
      %mul3A_461 = arith.muli %add3A_304, %mul3A_460 : i32
      %add3A_462 = arith.constant 5 : i32
      %add3A_463 = arith.addi %mul3A_461, %add3A_462 : i32
      %dma_wait3A_464 = arith.constant 0 : i32
      %dma_wait3A_465 = arith.constant 0 : i32
      %dma_wait3A_466 = tpu.memref_slice %arg9[%dma_wait3A_464, %dma_wait3A_465] : memref<80x128xi32, #tpu.memory_space<vmem>> -> memref<1x128xi32, #tpu.memory_space<vmem>>
      %dma_wait3A_467 = tpu.memref_squeeze %dma_wait3A_466 : memref<1x128xi32, #tpu.memory_space<vmem>> -> memref<128xi32, #tpu.memory_space<vmem>>
      %dma_wait3A_468 = arith.constant 0 : i32
      %dma_wait3A_469 = arith.constant 0 : i32
      %dma_wait3A_470 = tpu.memref_slice %arg12[%dma_wait3A_468, %dma_wait3A_469] : memref<10112x128xf32, #tpu.memory_space<vmem_shared>> -> memref<10112x128xf32, #tpu.memory_space<vmem_shared>>
      tpu.wait_indirect_dma semaphore(%arg17 : memref<!tpu.dma_semaphore, #tpu.memory_space<semaphore_mem>>) src(%arg10 : memref<128x128xf32, #tpu.memory_space<vmem>>) dst(%dma_wait3A_470 : memref<10112x128xf32, #tpu.memory_space<vmem_shared>>)
      %dma_start3A_471 = arith.constant 6 : i32
      %dma_start3A_472 = arith.constant 0 : i32
      %dma_start3A_473 = tpu.memref_slice %arg8[%dma_start3A_471, %dma_start3A_472] : memref<8x128xi32, #tpu.memory_space<vmem>> -> memref<1x128xi32, #tpu.memory_space<vmem>>
      %dma_start3A_474 = tpu.memref_squeeze %dma_start3A_473 : memref<1x128xi32, #tpu.memory_space<vmem>> -> memref<128xi32, #tpu.memory_space<vmem>>
      %dma_start3A_475 = arith.constant 0 : i32
      %dma_start3A_476 = arith.constant 0 : i32
      %dma_start3A_477 = tpu.memref_slice %arg2[%dma_start3A_475, %dma_start3A_476] : memref<10112x128xf32, #tpu.memory_space<hbm>> -> memref<10112x128xf32, #tpu.memory_space<hbm>>
      tpu.enqueue_indirect_dma source(%dma_start3A_477 : memref<10112x128xf32, #tpu.memory_space<hbm>>) target(%arg10 : memref<128x128xf32, #tpu.memory_space<vmem>>) offsets(%dma_start3A_474 : memref<128xi32, #tpu.memory_space<vmem>>) semaphore(%arg15 : memref<!tpu.dma_semaphore, #tpu.memory_space<semaphore_mem>>)
      %dma_wait3A_478 = arith.constant 5 : i32
      %dma_wait3A_479 = arith.constant 0 : i32
      %dma_wait3A_480 = tpu.memref_slice %arg8[%dma_wait3A_478, %dma_wait3A_479] : memref<8x128xi32, #tpu.memory_space<vmem>> -> memref<1x128xi32, #tpu.memory_space<vmem>>
      %dma_wait3A_481 = tpu.memref_squeeze %dma_wait3A_480 : memref<1x128xi32, #tpu.memory_space<vmem>> -> memref<128xi32, #tpu.memory_space<vmem>>
      %dma_wait3A_482 = arith.constant 0 : i32
      %dma_wait3A_483 = arith.constant 0 : i32
      %dma_wait3A_484 = tpu.memref_slice %arg2[%dma_wait3A_482, %dma_wait3A_483] : memref<10112x128xf32, #tpu.memory_space<hbm>> -> memref<10112x128xf32, #tpu.memory_space<hbm>>
      tpu.wait_indirect_dma semaphore(%arg16 : memref<!tpu.dma_semaphore, #tpu.memory_space<semaphore_mem>>) src(%dma_wait3A_484 : memref<10112x128xf32, #tpu.memory_space<hbm>>) dst(%arg11 : memref<128x128xf32, #tpu.memory_space<vmem>>)
      %dma_start3A_485 = arith.constant 0 : i32
      %dma_start3A_486 = tpu.memref_slice %arg9[%add3A_463, %dma_start3A_485] : memref<80x128xi32, #tpu.memory_space<vmem>> -> memref<1x128xi32, #tpu.memory_space<vmem>>
      %dma_start3A_487 = tpu.memref_squeeze %dma_start3A_486 : memref<1x128xi32, #tpu.memory_space<vmem>> -> memref<128xi32, #tpu.memory_space<vmem>>
      %dma_start3A_488 = arith.constant 0 : i32
      %dma_start3A_489 = arith.constant 0 : i32
      %dma_start3A_490 = tpu.memref_slice %arg12[%dma_start3A_488, %dma_start3A_489] : memref<10112x128xf32, #tpu.memory_space<vmem_shared>> -> memref<10112x128xf32, #tpu.memory_space<vmem_shared>>
      tpu.enqueue_indirect_dma source(%arg11 : memref<128x128xf32, #tpu.memory_space<vmem>>) target(%dma_start3A_490 : memref<10112x128xf32, #tpu.memory_space<vmem_shared>>) offsets(%dma_start3A_487 : memref<128xi32, #tpu.memory_space<vmem>>) semaphore(%arg18 : memref<!tpu.dma_semaphore, #tpu.memory_space<semaphore_mem>>) {add = true}
      %mul3A_491 = arith.constant 8 : i32
      %mul3A_492 = arith.muli %add3A_304, %mul3A_491 : i32
      %add3A_493 = arith.constant 6 : i32
      %add3A_494 = arith.addi %mul3A_492, %add3A_493 : i32
      %dma_wait3A_495 = arith.constant 0 : i32
      %dma_wait3A_496 = arith.constant 0 : i32
      %dma_wait3A_497 = tpu.memref_slice %arg9[%dma_wait3A_495, %dma_wait3A_496] : memref<80x128xi32, #tpu.memory_space<vmem>> -> memref<1x128xi32, #tpu.memory_space<vmem>>
      %dma_wait3A_498 = tpu.memref_squeeze %dma_wait3A_497 : memref<1x128xi32, #tpu.memory_space<vmem>> -> memref<128xi32, #tpu.memory_space<vmem>>
      %dma_wait3A_499 = arith.constant 0 : i32
      %dma_wait3A_500 = arith.constant 0 : i32
      %dma_wait3A_501 = tpu.memref_slice %arg12[%dma_wait3A_499, %dma_wait3A_500] : memref<10112x128xf32, #tpu.memory_space<vmem_shared>> -> memref<10112x128xf32, #tpu.memory_space<vmem_shared>>
      tpu.wait_indirect_dma semaphore(%arg18 : memref<!tpu.dma_semaphore, #tpu.memory_space<semaphore_mem>>) src(%arg11 : memref<128x128xf32, #tpu.memory_space<vmem>>) dst(%dma_wait3A_501 : memref<10112x128xf32, #tpu.memory_space<vmem_shared>>)
      %dma_start3A_502 = arith.constant 7 : i32
      %dma_start3A_503 = arith.constant 0 : i32
      %dma_start3A_504 = tpu.memref_slice %arg8[%dma_start3A_502, %dma_start3A_503] : memref<8x128xi32, #tpu.memory_space<vmem>> -> memref<1x128xi32, #tpu.memory_space<vmem>>
      %dma_start3A_505 = tpu.memref_squeeze %dma_start3A_504 : memref<1x128xi32, #tpu.memory_space<vmem>> -> memref<128xi32, #tpu.memory_space<vmem>>
      %dma_start3A_506 = arith.constant 0 : i32
      %dma_start3A_507 = arith.constant 0 : i32
      %dma_start3A_508 = tpu.memref_slice %arg2[%dma_start3A_506, %dma_start3A_507] : memref<10112x128xf32, #tpu.memory_space<hbm>> -> memref<10112x128xf32, #tpu.memory_space<hbm>>
      tpu.enqueue_indirect_dma source(%dma_start3A_508 : memref<10112x128xf32, #tpu.memory_space<hbm>>) target(%arg11 : memref<128x128xf32, #tpu.memory_space<vmem>>) offsets(%dma_start3A_505 : memref<128xi32, #tpu.memory_space<vmem>>) semaphore(%arg16 : memref<!tpu.dma_semaphore, #tpu.memory_space<semaphore_mem>>)
      %dma_wait3A_509 = arith.constant 6 : i32
      %dma_wait3A_510 = arith.constant 0 : i32
      %dma_wait3A_511 = tpu.memref_slice %arg8[%dma_wait3A_509, %dma_wait3A_510] : memref<8x128xi32, #tpu.memory_space<vmem>> -> memref<1x128xi32, #tpu.memory_space<vmem>>
      %dma_wait3A_512 = tpu.memref_squeeze %dma_wait3A_511 : memref<1x128xi32, #tpu.memory_space<vmem>> -> memref<128xi32, #tpu.memory_space<vmem>>
      %dma_wait3A_513 = arith.constant 0 : i32
      %dma_wait3A_514 = arith.constant 0 : i32
      %dma_wait3A_515 = tpu.memref_slice %arg2[%dma_wait3A_513, %dma_wait3A_514] : memref<10112x128xf32, #tpu.memory_space<hbm>> -> memref<10112x128xf32, #tpu.memory_space<hbm>>
      tpu.wait_indirect_dma semaphore(%arg15 : memref<!tpu.dma_semaphore, #tpu.memory_space<semaphore_mem>>) src(%dma_wait3A_515 : memref<10112x128xf32, #tpu.memory_space<hbm>>) dst(%arg10 : memref<128x128xf32, #tpu.memory_space<vmem>>)
      %dma_start3A_516 = arith.constant 0 : i32
      %dma_start3A_517 = tpu.memref_slice %arg9[%add3A_494, %dma_start3A_516] : memref<80x128xi32, #tpu.memory_space<vmem>> -> memref<1x128xi32, #tpu.memory_space<vmem>>
      %dma_start3A_518 = tpu.memref_squeeze %dma_start3A_517 : memref<1x128xi32, #tpu.memory_space<vmem>> -> memref<128xi32, #tpu.memory_space<vmem>>
      %dma_start3A_519 = arith.constant 0 : i32
      %dma_start3A_520 = arith.constant 0 : i32
      %dma_start3A_521 = tpu.memref_slice %arg12[%dma_start3A_519, %dma_start3A_520] : memref<10112x128xf32, #tpu.memory_space<vmem_shared>> -> memref<10112x128xf32, #tpu.memory_space<vmem_shared>>
      tpu.enqueue_indirect_dma source(%arg10 : memref<128x128xf32, #tpu.memory_space<vmem>>) target(%dma_start3A_521 : memref<10112x128xf32, #tpu.memory_space<vmem_shared>>) offsets(%dma_start3A_518 : memref<128xi32, #tpu.memory_space<vmem>>) semaphore(%arg17 : memref<!tpu.dma_semaphore, #tpu.memory_space<semaphore_mem>>) {add = true}
      %mul3A_522 = arith.constant 8 : i32
      %mul3A_523 = arith.muli %add3A_304, %mul3A_522 : i32
      %add3A_524 = arith.constant 7 : i32
      %add3A_525 = arith.addi %mul3A_523, %add3A_524 : i32
      %dma_wait3A_526 = arith.constant 0 : i32
      %dma_wait3A_527 = arith.constant 0 : i32
      %dma_wait3A_528 = tpu.memref_slice %arg9[%dma_wait3A_526, %dma_wait3A_527] : memref<80x128xi32, #tpu.memory_space<vmem>> -> memref<1x128xi32, #tpu.memory_space<vmem>>
      %dma_wait3A_529 = tpu.memref_squeeze %dma_wait3A_528 : memref<1x128xi32, #tpu.memory_space<vmem>> -> memref<128xi32, #tpu.memory_space<vmem>>
      %dma_wait3A_530 = arith.constant 0 : i32
      %dma_wait3A_531 = arith.constant 0 : i32
      %dma_wait3A_532 = tpu.memref_slice %arg12[%dma_wait3A_530, %dma_wait3A_531] : memref<10112x128xf32, #tpu.memory_space<vmem_shared>> -> memref<10112x128xf32, #tpu.memory_space<vmem_shared>>
      tpu.wait_indirect_dma semaphore(%arg17 : memref<!tpu.dma_semaphore, #tpu.memory_space<semaphore_mem>>) src(%arg10 : memref<128x128xf32, #tpu.memory_space<vmem>>) dst(%dma_wait3A_532 : memref<10112x128xf32, #tpu.memory_space<vmem_shared>>)
      %add3A_533 = arith.constant 1 : i32
      %add3A_534 = arith.addi %add3A_304, %add3A_533 : i32
      %lt3A_535 = arith.constant 10 : i32
      %lt3A_536 = arith.cmpi slt, %add3A_534, %lt3A_535 : i32
      %convert_element_type3A_537 = arith.extui %lt3A_536 : i1 to i32
      %cond3A_538 = arith.constant 0 : i32
      %cond3A_539 = arith.cmpi ne, %convert_element_type3A_537, %cond3A_538 : i32
      scf.if %cond3A_539 {
        %dma_wait3A_560 = arith.constant 0 : i32
        %dma_wait3A_561 = arith.constant 0 : i32
        %dma_wait3A_562 = tpu.memref_slice %arg3[%add3A, %dma_wait3A_560, %dma_wait3A_561] : memref<32x80x128xi32, #tpu.memory_space<hbm>> -> memref<1x8x128xi32, #tpu.memory_space<hbm>>
        %dma_wait3A_563 = tpu.memref_squeeze %dma_wait3A_562 : memref<1x8x128xi32, #tpu.memory_space<hbm>> -> memref<8x128xi32, #tpu.memory_space<hbm>>
        %dma_wait3A_564 = arith.constant 0 : i32
        %dma_wait3A_565 = arith.constant 0 : i32
        %dma_wait3A_566 = tpu.memref_slice %arg3[%add3A, %dma_wait3A_564, %dma_wait3A_565] : memref<32x80x128xi32, #tpu.memory_space<hbm>> -> memref<1x8x128xi32, #tpu.memory_space<hbm>>
        %dma_wait3A_567 = tpu.memref_squeeze %dma_wait3A_566 : memref<1x8x128xi32, #tpu.memory_space<hbm>> -> memref<8x128xi32, #tpu.memory_space<hbm>>
        tpu.wait_dma2 semaphore(%arg13 : memref<!tpu.dma_semaphore, #tpu.memory_space<semaphore_mem>>) src(%dma_wait3A_567 : memref<8x128xi32, #tpu.memory_space<hbm>>) dst(%arg7 : memref<8x128xi32, #tpu.memory_space<vmem>>)
        %dma_start3A_568 = arith.constant 0 : i32
        %dma_start3A_569 = arith.constant 0 : i32
        %dma_start3A_570 = tpu.memref_slice %arg7[%dma_start3A_568, %dma_start3A_569] : memref<8x128xi32, #tpu.memory_space<vmem>> -> memref<1x128xi32, #tpu.memory_space<vmem>>
        %dma_start3A_571 = tpu.memref_squeeze %dma_start3A_570 : memref<1x128xi32, #tpu.memory_space<vmem>> -> memref<128xi32, #tpu.memory_space<vmem>>
        %dma_start3A_572 = arith.constant 0 : i32
        %dma_start3A_573 = arith.constant 0 : i32
        %dma_start3A_574 = tpu.memref_slice %arg2[%dma_start3A_572, %dma_start3A_573] : memref<10112x128xf32, #tpu.memory_space<hbm>> -> memref<10112x128xf32, #tpu.memory_space<hbm>>
        tpu.enqueue_indirect_dma source(%dma_start3A_574 : memref<10112x128xf32, #tpu.memory_space<hbm>>) target(%arg10 : memref<128x128xf32, #tpu.memory_space<vmem>>) offsets(%dma_start3A_571 : memref<128xi32, #tpu.memory_space<vmem>>) semaphore(%arg15 : memref<!tpu.dma_semaphore, #tpu.memory_space<semaphore_mem>>)
      } else {
      }
      %dma_wait3A_540 = arith.constant 7 : i32
      %dma_wait3A_541 = arith.constant 0 : i32
      %dma_wait3A_542 = tpu.memref_slice %arg8[%dma_wait3A_540, %dma_wait3A_541] : memref<8x128xi32, #tpu.memory_space<vmem>> -> memref<1x128xi32, #tpu.memory_space<vmem>>
      %dma_wait3A_543 = tpu.memref_squeeze %dma_wait3A_542 : memref<1x128xi32, #tpu.memory_space<vmem>> -> memref<128xi32, #tpu.memory_space<vmem>>
      %dma_wait3A_544 = arith.constant 0 : i32
      %dma_wait3A_545 = arith.constant 0 : i32
      %dma_wait3A_546 = tpu.memref_slice %arg2[%dma_wait3A_544, %dma_wait3A_545] : memref<10112x128xf32, #tpu.memory_space<hbm>> -> memref<10112x128xf32, #tpu.memory_space<hbm>>
      tpu.wait_indirect_dma semaphore(%arg16 : memref<!tpu.dma_semaphore, #tpu.memory_space<semaphore_mem>>) src(%dma_wait3A_546 : memref<10112x128xf32, #tpu.memory_space<hbm>>) dst(%arg11 : memref<128x128xf32, #tpu.memory_space<vmem>>)
      %dma_start3A_547 = arith.constant 0 : i32
      %dma_start3A_548 = tpu.memref_slice %arg9[%add3A_525, %dma_start3A_547] : memref<80x128xi32, #tpu.memory_space<vmem>> -> memref<1x128xi32, #tpu.memory_space<vmem>>
      %dma_start3A_549 = tpu.memref_squeeze %dma_start3A_548 : memref<1x128xi32, #tpu.memory_space<vmem>> -> memref<128xi32, #tpu.memory_space<vmem>>
      %dma_start3A_550 = arith.constant 0 : i32
      %dma_start3A_551 = arith.constant 0 : i32
      %dma_start3A_552 = tpu.memref_slice %arg12[%dma_start3A_550, %dma_start3A_551] : memref<10112x128xf32, #tpu.memory_space<vmem_shared>> -> memref<10112x128xf32, #tpu.memory_space<vmem_shared>>
      tpu.enqueue_indirect_dma source(%arg11 : memref<128x128xf32, #tpu.memory_space<vmem>>) target(%dma_start3A_552 : memref<10112x128xf32, #tpu.memory_space<vmem_shared>>) offsets(%dma_start3A_549 : memref<128xi32, #tpu.memory_space<vmem>>) semaphore(%arg18 : memref<!tpu.dma_semaphore, #tpu.memory_space<semaphore_mem>>) {add = true}
      %add3A_553 = arith.constant 2 : i32
      %add3A_554 = arith.addi %add3A_304, %add3A_553 : i32
      %lt3A_555 = arith.constant 10 : i32
      %lt3A_556 = arith.cmpi slt, %add3A_554, %lt3A_555 : i32
      %convert_element_type3A_557 = arith.extui %lt3A_556 : i1 to i32
      %cond3A_558 = arith.constant 0 : i32
      %cond3A_559 = arith.cmpi ne, %convert_element_type3A_557, %cond3A_558 : i32
      scf.if %cond3A_559 {
        %add3A_560 = arith.constant 2 : i32
        %add3A_561 = arith.addi %add3A_304, %add3A_560 : i32
        %mul3A_562 = arith.constant 8 : i32
        %mul3A_563 = arith.muli %add3A_561, %mul3A_562 : i32
        %dma_start3A_564 = arith.constant 0 : i32
        %dma_start3A_565 = tpu.memref_slice %arg3[%add3A, %mul3A_563, %dma_start3A_564] : memref<32x80x128xi32, #tpu.memory_space<hbm>> -> memref<1x8x128xi32, #tpu.memory_space<hbm>>
        %dma_start3A_566 = tpu.memref_squeeze %dma_start3A_565 : memref<1x8x128xi32, #tpu.memory_space<hbm>> -> memref<8x128xi32, #tpu.memory_space<hbm>>
        %dma_start3A_567 = arith.constant 0 : i32
        %dma_start3A_568 = tpu.memref_slice %arg3[%add3A, %mul3A_563, %dma_start3A_567] : memref<32x80x128xi32, #tpu.memory_space<hbm>> -> memref<1x8x128xi32, #tpu.memory_space<hbm>>
        %dma_start3A_569 = tpu.memref_squeeze %dma_start3A_568 : memref<1x8x128xi32, #tpu.memory_space<hbm>> -> memref<8x128xi32, #tpu.memory_space<hbm>>
        tpu.enqueue_dma source(%dma_start3A_569 : memref<8x128xi32, #tpu.memory_space<hbm>>) target(%arg8 : memref<8x128xi32, #tpu.memory_space<vmem>>) target_semaphore(%arg14 : memref<!tpu.dma_semaphore, #tpu.memory_space<semaphore_mem>>)
      } else {
      }
    }
    %scan3A_36 = arith.constant 5 : i32
    %dma_wait3A_37 = arith.constant 0 : i32
    %dma_wait3A_38 = arith.constant 0 : i32
    %dma_wait3A_39 = tpu.memref_slice %arg9[%dma_wait3A_37, %dma_wait3A_38] : memref<80x128xi32, #tpu.memory_space<vmem>> -> memref<1x128xi32, #tpu.memory_space<vmem>>
    %dma_wait3A_40 = tpu.memref_squeeze %dma_wait3A_39 : memref<1x128xi32, #tpu.memory_space<vmem>> -> memref<128xi32, #tpu.memory_space<vmem>>
    %dma_wait3A_41 = arith.constant 0 : i32
    %dma_wait3A_42 = arith.constant 0 : i32
    %dma_wait3A_43 = tpu.memref_slice %arg12[%dma_wait3A_41, %dma_wait3A_42] : memref<10112x128xf32, #tpu.memory_space<vmem_shared>> -> memref<10112x128xf32, #tpu.memory_space<vmem_shared>>
    tpu.wait_indirect_dma semaphore(%arg18 : memref<!tpu.dma_semaphore, #tpu.memory_space<semaphore_mem>>) src(%arg11 : memref<128x128xf32, #tpu.memory_space<vmem>>) dst(%dma_wait3A_43 : memref<10112x128xf32, #tpu.memory_space<vmem_shared>>)
    %barrier3A_44 = arith.constant 0 : index
    tpu.barrier barrier_id(%barrier3A_44)
    %mul3A_45 = arith.constant 632 : i32
    %mul3A_46 = arith.muli %arg1, %mul3A_45 : i32
    "tpu.region"() ({
      %run_scoped3A = tpu.sem_alloc : memref<!tpu.dma_semaphore, #tpu.memory_space<semaphore_mem>>
      %dma_start3A_47 = arith.constant 0 : i32
      %dma_start3A_48 = arith.constant 0 : i32
      %dma_start3A_49 = tpu.memref_slice %arg6[%arg0, %arg1, %dma_start3A_47, %dma_start3A_48] : memref<2x16x632x128xf32, #tpu.memory_space<hbm>> -> memref<1x1x632x128xf32, #tpu.memory_space<hbm>>
      %dma_start3A_50 = tpu.memref_squeeze %dma_start3A_49 : memref<1x1x632x128xf32, #tpu.memory_space<hbm>> -> memref<632x128xf32, #tpu.memory_space<hbm>>
      %dma_start3A_51 = arith.constant 0 : i32
      %dma_start3A_52 = tpu.memref_slice %arg12[%mul3A_46, %dma_start3A_51] : memref<10112x128xf32, #tpu.memory_space<vmem_shared>> -> memref<632x128xf32, #tpu.memory_space<vmem_shared>>
      tpu.enqueue_dma source(%dma_start3A_52 : memref<632x128xf32, #tpu.memory_space<vmem_shared>>) target(%dma_start3A_50 : memref<632x128xf32, #tpu.memory_space<hbm>>) target_semaphore(%run_scoped3A : memref<!tpu.dma_semaphore, #tpu.memory_space<semaphore_mem>>)
      %dma_wait3A_53 = arith.constant 0 : i32
      %dma_wait3A_54 = arith.constant 0 : i32
      %dma_wait3A_55 = tpu.memref_slice %arg6[%arg0, %arg1, %dma_wait3A_53, %dma_wait3A_54] : memref<2x16x632x128xf32, #tpu.memory_space<hbm>> -> memref<1x1x632x128xf32, #tpu.memory_space<hbm>>
      %dma_wait3A_56 = tpu.memref_squeeze %dma_wait3A_55 : memref<1x1x632x128xf32, #tpu.memory_space<hbm>> -> memref<632x128xf32, #tpu.memory_space<hbm>>
      %dma_wait3A_57 = arith.constant 0 : i32
      %dma_wait3A_58 = tpu.memref_slice %arg12[%mul3A_46, %dma_wait3A_57] : memref<10112x128xf32, #tpu.memory_space<vmem_shared>> -> memref<632x128xf32, #tpu.memory_space<vmem_shared>>
      tpu.wait_dma2 semaphore(%run_scoped3A : memref<!tpu.dma_semaphore, #tpu.memory_space<semaphore_mem>>) src(%dma_wait3A_58 : memref<632x128xf32, #tpu.memory_space<vmem_shared>>) dst(%dma_wait3A_56 : memref<632x128xf32, #tpu.memory_space<hbm>>)
      tpu.yield
    }) : () -> ()
    return
  }
}

module attributes {stable_mosaic.version = 14 : i64} {
  func.func @_prep_body(%arg0: i32, %arg1: memref<1264x32xf32, #tpu.memory_space<vmem>>, %arg2: memref<1264x128xf32, #tpu.memory_space<vmem>>, %arg3: memref<1264x128xf32, #tpu.memory_space<vmem>>, %arg4: memref<1264x1xf32, #tpu.memory_space<vmem>>) attributes {dimension_semantics = [#tpu.dimension_semantics<arbitrary>], iteration_bounds = array<i64: 8>, scalar_prefetch = 0 : i64, scratch_operands = 0 : i64, tpu.core_type = #tpu.core_type<tc>, window_params = [{transform_indices = @transform_0, window_bounds = array<i64: 1264, 32>}, {transform_indices = @transform_1, window_bounds = array<i64: 1264, 128>}, {transform_indices = @transform_2, window_bounds = array<i64: 1264, 128>}, {transform_indices = @transform_3, window_bounds = array<i64: 1264, 1>}]} {
    %get3A = arith.constant 0 : index
    %get3A_0 = arith.constant 0 : index
    %get3A_1 = vector.load %arg1[%get3A, %get3A_0] : memref<1264x32xf32, #tpu.memory_space<vmem>>, vector<1264x32xf32>
    %reduce_sum3A = arith.constant dense<0.000000e+00> : vector<1264xf32>
    %reduce_sum3A_2 = vector.multi_reduction <add>, %get3A_1, %reduce_sum3A [1] : vector<1264x32xf32> to vector<1264xf32>
    %broadcast_in_dim3A = vector.shape_cast %reduce_sum3A_2 : vector<1264xf32> to vector<1264x1xf32>
    %add3A = arith.constant 1.000000e+00 : f32
    %add3A_3 = vector.broadcast %add3A : f32 to vector<1264x1xf32>
    %add3A_4 = arith.addf %broadcast_in_dim3A, %add3A_3 : vector<1264x1xf32>
    %rsqrt3A = math.rsqrt %add3A_4 : vector<1264x1xf32>
    %swap3A = arith.constant 0 : index
    %swap3A_5 = arith.constant 0 : index
    %swap3A_6 = vector.load %arg4[%swap3A, %swap3A_5] : memref<1264x1xf32, #tpu.memory_space<vmem>>, vector<1264x1xf32>
    tpu.vector_store %arg4[%swap3A, %swap3A_5], %rsqrt3A {strides = array<i32>} : memref<1264x1xf32, #tpu.memory_space<vmem>>, vector<1264x1xf32>,
    %get3A_7 = arith.constant 0 : index
    %get3A_8 = arith.constant 0 : index
    %get3A_9 = vector.load %arg2[%get3A_7, %get3A_8] : memref<1264x128xf32, #tpu.memory_space<vmem>>, vector<1264x128xf32>
    %mul3A = vector.broadcast %rsqrt3A : vector<1264x1xf32> to vector<1264x128xf32>
    %mul3A_10 = arith.mulf %get3A_9, %mul3A : vector<1264x128xf32>
    %swap3A_11 = arith.constant 0 : index
    %swap3A_12 = arith.constant 0 : index
    %swap3A_13 = vector.load %arg3[%swap3A_11, %swap3A_12] : memref<1264x128xf32, #tpu.memory_space<vmem>>, vector<1264x128xf32>
    tpu.vector_store %arg3[%swap3A_11, %swap3A_12], %mul3A_10 {strides = array<i32>} : memref<1264x128xf32, #tpu.memory_space<vmem>>, vector<1264x128xf32>,
    return
  }
  func.func @transform_0(%arg0: i32) -> (i32, i32) {
    %c0_i32 = arith.constant 0 : i32
    %c0_i32_0 = arith.constant 0 : i32
    return %arg0, %c0_i32 : i32, i32
  }
  func.func @transform_1(%arg0: i32) -> (i32, i32) {
    %c0_i32 = arith.constant 0 : i32
    %c0_i32_0 = arith.constant 0 : i32
    return %arg0, %c0_i32 : i32, i32
  }
  func.func @transform_2(%arg0: i32) -> (i32, i32) {
    %c0_i32 = arith.constant 0 : i32
    %c0_i32_0 = arith.constant 0 : i32
    return %arg0, %c0_i32 : i32, i32
  }
  func.func @transform_3(%arg0: i32) -> (i32, i32) {
    %c0_i32 = arith.constant 0 : i32
    %c0_i32_0 = arith.constant 0 : i32
    return %arg0, %c0_i32 : i32, i32
  }
}

module attributes {stable_mosaic.version = 14 : i64} {
  func.func @_mid_body(%arg0: i32, %arg1: memref<2x1264x128xf32, #tpu.memory_space<vmem>>, %arg2: memref<1264x128xf32, #tpu.memory_space<vmem>>, %arg3: memref<1264x1xf32, #tpu.memory_space<vmem>>, %arg4: memref<128x256xf32, #tpu.memory_space<vmem>>, %arg5: memref<1x256xf32, #tpu.memory_space<vmem>>, %arg6: memref<256x128xf32, #tpu.memory_space<vmem>>, %arg7: memref<1264x128xf32, #tpu.memory_space<vmem>>) attributes {dimension_semantics = [#tpu.dimension_semantics<arbitrary>], iteration_bounds = array<i64: 8>, scalar_prefetch = 0 : i64, scratch_operands = 0 : i64, tpu.core_type = #tpu.core_type<tc>, window_params = [{transform_indices = @transform_0, window_bounds = array<i64: 2, 1264, 128>}, {transform_indices = @transform_1, window_bounds = array<i64: 1264, 128>}, {transform_indices = @transform_2, window_bounds = array<i64: 1264, 1>}, {pipeline_mode = #tpu.pipeline_mode<synchronous>, transform_indices = @transform_3, window_bounds = array<i64: 128, 256>}, {pipeline_mode = #tpu.pipeline_mode<synchronous>, transform_indices = @transform_4, window_bounds = array<i64: 1, 256>}, {pipeline_mode = #tpu.pipeline_mode<synchronous>, transform_indices = @transform_5, window_bounds = array<i64: 256, 128>}, {transform_indices = @transform_6, window_bounds = array<i64: 1264, 128>}]} {
    %get3A = arith.constant 0 : index
    %get3A_0 = arith.constant 0 : index
    %get3A_1 = arith.constant 0 : index
    %get3A_2 = vector.load %arg1[%get3A, %get3A_0, %get3A_1] : memref<2x1264x128xf32, #tpu.memory_space<vmem>>, vector<2x1264x128xf32>
    %get3A_3 = arith.constant 0 : index
    %get3A_4 = arith.constant 0 : index
    %get3A_5 = vector.load %arg3[%get3A_3, %get3A_4] : memref<1264x1xf32, #tpu.memory_space<vmem>>, vector<1264x1xf32>
    %slice3A = vector.extract_strided_slice %get3A_2 {offsets = [0, 0, 0], sizes = [1, 1264, 128], strides = [1, 1, 1]} : vector<2x1264x128xf32> to vector<1x1264x128xf32>
    %squeeze3A = vector.shape_cast %slice3A : vector<1x1264x128xf32> to vector<1264x128xf32>
    %slice3A_6 = vector.extract_strided_slice %get3A_2 {offsets = [1, 0, 0], sizes = [1, 1264, 128], strides = [1, 1, 1]} : vector<2x1264x128xf32> to vector<1x1264x128xf32>
    %squeeze3A_7 = vector.shape_cast %slice3A_6 : vector<1x1264x128xf32> to vector<1264x128xf32>
    %add3A = arith.addf %squeeze3A, %squeeze3A_7 : vector<1264x128xf32>
    %get3A_8 = arith.constant 0 : index
    %get3A_9 = arith.constant 0 : index
    %get3A_10 = vector.load %arg2[%get3A_8, %get3A_9] : memref<1264x128xf32, #tpu.memory_space<vmem>>, vector<1264x128xf32>
    %add3A_11 = arith.addf %add3A, %get3A_10 : vector<1264x128xf32>
    %mul3A = vector.broadcast %get3A_5 : vector<1264x1xf32> to vector<1264x128xf32>
    %mul3A_12 = arith.mulf %add3A_11, %mul3A : vector<1264x128xf32>
    %get3A_13 = arith.constant 0 : index
    %get3A_14 = arith.constant 0 : index
    %get3A_15 = vector.load %arg4[%get3A_13, %get3A_14] : memref<128x256xf32, #tpu.memory_space<vmem>>, vector<128x256xf32>
    %dot_general3A = arith.constant dense<0.000000e+00> : vector<1264x256xf32>
    %dot_general3A_16 = tpu.matmul %mul3A_12, %get3A_15, %dot_general3A {dimension_numbers = #tpu.dot_dimension_numbers<[1], [0], [0], [1], [0, 0, 1, 1], [], []>, precision = #tpu.contract_precision<fp32>, transpose_lhs_hint = false} : vector<1264x128xf32>, vector<128x256xf32>, vector<1264x256xf32> -> vector<1264x256xf32>
    %get3A_17 = arith.constant 0 : index
    %get3A_18 = arith.constant 0 : index
    %get3A_19 = vector.load %arg5[%get3A_17, %get3A_18] : memref<1x256xf32, #tpu.memory_space<vmem>>, vector<1x256xf32>
    %add3A_20 = vector.broadcast %get3A_19 : vector<1x256xf32> to vector<1264x256xf32>
    %add3A_21 = arith.addf %dot_general3A_16, %add3A_20 : vector<1264x256xf32>
    %max3A = arith.constant 0.000000e+00 : f32
    %max3A_22 = vector.broadcast %max3A : f32 to vector<1264x256xf32>
    %max3A_23 = arith.maximumf %add3A_21, %max3A_22 : vector<1264x256xf32>
    %get3A_24 = arith.constant 0 : index
    %get3A_25 = arith.constant 0 : index
    %get3A_26 = vector.load %arg6[%get3A_24, %get3A_25] : memref<256x128xf32, #tpu.memory_space<vmem>>, vector<256x128xf32>
    %dot_general3A_27 = arith.constant dense<0.000000e+00> : vector<1264x128xf32>
    %dot_general3A_28 = tpu.matmul %max3A_23, %get3A_26, %dot_general3A_27 {dimension_numbers = #tpu.dot_dimension_numbers<[1], [0], [0], [1], [0, 0, 1, 1], [], []>, precision = #tpu.contract_precision<fp32>, transpose_lhs_hint = false} : vector<1264x256xf32>, vector<256x128xf32>, vector<1264x128xf32> -> vector<1264x128xf32>
    %mul3A_29 = vector.broadcast %get3A_5 : vector<1264x1xf32> to vector<1264x128xf32>
    %mul3A_30 = arith.mulf %dot_general3A_28, %mul3A_29 : vector<1264x128xf32>
    %swap3A = arith.constant 0 : index
    %swap3A_31 = arith.constant 0 : index
    %swap3A_32 = vector.load %arg7[%swap3A, %swap3A_31] : memref<1264x128xf32, #tpu.memory_space<vmem>>, vector<1264x128xf32>
    tpu.vector_store %arg7[%swap3A, %swap3A_31], %mul3A_30 {strides = array<i32>} : memref<1264x128xf32, #tpu.memory_space<vmem>>, vector<1264x128xf32>,
    return
  }
  func.func @transform_0(%arg0: i32) -> (i32, i32, i32) {
    %c0_i32 = arith.constant 0 : i32
    %c0_i32_0 = arith.constant 0 : i32
    %c0_i32_1 = arith.constant 0 : i32
    return %c0_i32, %arg0, %c0_i32_0 : i32, i32, i32
  }
  func.func @transform_1(%arg0: i32) -> (i32, i32) {
    %c0_i32 = arith.constant 0 : i32
    %c0_i32_0 = arith.constant 0 : i32
    return %arg0, %c0_i32 : i32, i32
  }
  func.func @transform_2(%arg0: i32) -> (i32, i32) {
    %c0_i32 = arith.constant 0 : i32
    %c0_i32_0 = arith.constant 0 : i32
    return %arg0, %c0_i32 : i32, i32
  }
  func.func @transform_3(%arg0: i32) -> (i32, i32) {
    %c0_i32 = arith.constant 0 : i32
    %c0_i32_0 = arith.constant 0 : i32
    %c0_i32_1 = arith.constant 0 : i32
    return %c0_i32, %c0_i32_0 : i32, i32
  }
  func.func @transform_4(%arg0: i32) -> (i32, i32) {
    %c0_i32 = arith.constant 0 : i32
    %c0_i32_0 = arith.constant 0 : i32
    %c0_i32_1 = arith.constant 0 : i32
    return %c0_i32, %c0_i32_0 : i32, i32
  }
  func.func @transform_5(%arg0: i32) -> (i32, i32) {
    %c0_i32 = arith.constant 0 : i32
    %c0_i32_0 = arith.constant 0 : i32
    %c0_i32_1 = arith.constant 0 : i32
    return %c0_i32, %c0_i32_0 : i32, i32
  }
  func.func @transform_6(%arg0: i32) -> (i32, i32) {
    %c0_i32 = arith.constant 0 : i32
    %c0_i32_0 = arith.constant 0 : i32
    return %arg0, %c0_i32 : i32, i32
  }
}

module attributes {stable_mosaic.version = 14 : i64} {
  func.func @_fin_body(%arg0: i32, %arg1: memref<2x400x128xf32, #tpu.memory_space<vmem>>, %arg2: memref<400x128xf32, #tpu.memory_space<vmem>>, %arg3: memref<400x1xf32, #tpu.memory_space<vmem>>, %arg4: memref<1x40xf32, #tpu.memory_space<vmem>>, %arg5: memref<400x40xf32, #tpu.memory_space<vmem>>) attributes {dimension_semantics = [#tpu.dimension_semantics<arbitrary>], iteration_bounds = array<i64: 25>, scalar_prefetch = 0 : i64, scratch_operands = 0 : i64, tpu.core_type = #tpu.core_type<tc>, window_params = [{transform_indices = @transform_0, window_bounds = array<i64: 2, 400, 128>}, {transform_indices = @transform_1, window_bounds = array<i64: 400, 128>}, {transform_indices = @transform_2, window_bounds = array<i64: 400, 1>}, {pipeline_mode = #tpu.pipeline_mode<synchronous>, transform_indices = @transform_3, window_bounds = array<i64: 1, 40>}, {transform_indices = @transform_4, window_bounds = array<i64: 400, 40>}]} {
    %get3A = arith.constant 0 : index
    %get3A_0 = arith.constant 0 : index
    %get3A_1 = arith.constant 0 : index
    %get3A_2 = vector.load %arg1[%get3A, %get3A_0, %get3A_1] : memref<2x400x128xf32, #tpu.memory_space<vmem>>, vector<2x400x128xf32>
    %slice3A = vector.extract_strided_slice %get3A_2 {offsets = [0, 0, 0], sizes = [1, 400, 128], strides = [1, 1, 1]} : vector<2x400x128xf32> to vector<1x400x128xf32>
    %squeeze3A = vector.shape_cast %slice3A : vector<1x400x128xf32> to vector<400x128xf32>
    %slice3A_3 = vector.extract_strided_slice %get3A_2 {offsets = [1, 0, 0], sizes = [1, 400, 128], strides = [1, 1, 1]} : vector<2x400x128xf32> to vector<1x400x128xf32>
    %squeeze3A_4 = vector.shape_cast %slice3A_3 : vector<1x400x128xf32> to vector<400x128xf32>
    %add3A = arith.addf %squeeze3A, %squeeze3A_4 : vector<400x128xf32>
    %get3A_5 = arith.constant 0 : index
    %get3A_6 = arith.constant 0 : index
    %get3A_7 = vector.load %arg2[%get3A_5, %get3A_6] : memref<400x128xf32, #tpu.memory_space<vmem>>, vector<400x128xf32>
    %add3A_8 = arith.addf %add3A, %get3A_7 : vector<400x128xf32>
    %get3A_9 = arith.constant 0 : index
    %get3A_10 = arith.constant 0 : index
    %get3A_11 = vector.load %arg3[%get3A_9, %get3A_10] : memref<400x1xf32, #tpu.memory_space<vmem>>, vector<400x1xf32>
    %mul3A = vector.broadcast %get3A_11 : vector<400x1xf32> to vector<400x128xf32>
    %mul3A_12 = arith.mulf %add3A_8, %mul3A : vector<400x128xf32>
    %slice3A_13 = vector.extract_strided_slice %mul3A_12 {offsets = [0, 0], sizes = [400, 40], strides = [1, 1]} : vector<400x128xf32> to vector<400x40xf32>
    %get3A_14 = arith.constant 0 : index
    %get3A_15 = arith.constant 0 : index
    %get3A_16 = vector.load %arg4[%get3A_14, %get3A_15] : memref<1x40xf32, #tpu.memory_space<vmem>>, vector<1x40xf32>
    %add3A_17 = vector.broadcast %get3A_16 : vector<1x40xf32> to vector<400x40xf32>
    %add3A_18 = arith.addf %slice3A_13, %add3A_17 : vector<400x40xf32>
    %reduce_max3A = arith.constant dense<0xFF800000> : vector<400xf32>
    %reduce_max3A_19 = vector.multi_reduction <maximumf>, %add3A_18, %reduce_max3A [1] : vector<400x40xf32> to vector<400xf32>
    %broadcast_in_dim3A = vector.shape_cast %reduce_max3A_19 : vector<400xf32> to vector<400x1xf32>
    %sub3A = vector.broadcast %broadcast_in_dim3A : vector<400x1xf32> to vector<400x40xf32>
    %sub3A_20 = arith.subf %add3A_18, %sub3A : vector<400x40xf32>
    %exp3A = math.exp %sub3A_20 : vector<400x40xf32>
    %reduce_sum3A = arith.constant dense<0.000000e+00> : vector<400xf32>
    %reduce_sum3A_21 = vector.multi_reduction <add>, %exp3A, %reduce_sum3A [1] : vector<400x40xf32> to vector<400xf32>
    %broadcast_in_dim3A_22 = vector.shape_cast %reduce_sum3A_21 : vector<400xf32> to vector<400x1xf32>
    %log3A = math.log %broadcast_in_dim3A_22 : vector<400x1xf32>
    %sub3A_23 = vector.broadcast %log3A : vector<400x1xf32> to vector<400x40xf32>
    %sub3A_24 = arith.subf %sub3A_20, %sub3A_23 : vector<400x40xf32>
    %swap3A = arith.constant 0 : index
    %swap3A_25 = arith.constant 0 : index
    %swap3A_26 = vector.load %arg5[%swap3A, %swap3A_25] : memref<400x40xf32, #tpu.memory_space<vmem>>, vector<400x40xf32>
    tpu.vector_store %arg5[%swap3A, %swap3A_25], %sub3A_24 {strides = array<i32>} : memref<400x40xf32, #tpu.memory_space<vmem>>, vector<400x40xf32>,
    return
  }
  func.func @transform_0(%arg0: i32) -> (i32, i32, i32) {
    %c0_i32 = arith.constant 0 : i32
    %c0_i32_0 = arith.constant 0 : i32
    %c0_i32_1 = arith.constant 0 : i32
    return %c0_i32, %arg0, %c0_i32_0 : i32, i32, i32
  }
  func.func @transform_1(%arg0: i32) -> (i32, i32) {
    %c0_i32 = arith.constant 0 : i32
    %c0_i32_0 = arith.constant 0 : i32
    return %arg0, %c0_i32 : i32, i32
  }
  func.func @transform_2(%arg0: i32) -> (i32, i32) {
    %c0_i32 = arith.constant 0 : i32
    %c0_i32_0 = arith.constant 0 : i32
    return %arg0, %c0_i32 : i32, i32
  }
  func.func @transform_3(%arg0: i32) -> (i32, i32) {
    %c0_i32 = arith.constant 0 : i32
    %c0_i32_0 = arith.constant 0 : i32
    %c0_i32_1 = arith.constant 0 : i32
    return %c0_i32, %c0_i32_0 : i32, i32
  }
  func.func @transform_4(%arg0: i32) -> (i32, i32) {
    %c0_i32 = arith.constant 0 : i32
    %c0_i32_0 = arith.constant 0 : i32
    return %arg0, %c0_i32 : i32, i32
  }
}

</mosaic_0001>

<sc_bundles>
// kernel: kernel.11.cloned.1.call-start
scs
__scs_entry_jumppad:
0x0: {  	(pc) =	sbr.rel $0x88, $3  }
0x1: {  	(tag) =	ssettag $0x0;
	lr =	simm.s32 $0x1  }
0x2: {  	[smem:$0x3F9B] =	sst lr;
	_ =	strace $0xD0000000  }
0x3: {  	_ = 	snop  }
0x4: {  	_ = 	snop  }
0x5: {  	_ = 	snop  }
0x6: {  	_ = 	snop  }
0x7: {  	_ = 	snop  }
__scs_overlays_trampoline_lowered:
0x8: {  	[smem:$0x3FAA] =	sst s0  }
0x9: {  	[smem:$0x3FAB] =	sst s1  }
0xa: {  	[smem:$0x3FAC] =	sst s2  }
0xb: {  	[smem:$0x3FAD] =	sst s3  }
0xc: {  	[smem:$0x3FAE] =	sst s4  }
0xd: {  	[smem:$0x3FAF] =	sst s5  }
0xe: {  	[smem:$0x3FB0] =	sst s6  }
0xf: {  	[smem:$0x3FB1] =	sst s7  }
0x10: {  	[smem:$0x3FB2] =	sst s8  }
0x11: {  	[smem:$0x3FB3] =	sst s9;
	s0 =	simm.s32 @!p0 $0x0  }
0x12: {  	s1 =	sld [smem:$0x3F99];
	s0 =	simm.s32 @p0 $0x1  }
0x13: {  	[smem:$0x3FB4] =	sst s0;
	s0 =	simm.s32 @!p1 $0x0  }
0x14: {  	s2 =	sld [smem:$0x3F98];
	s0 =	simm.s32 @p1 $0x1  }
0x15: {  	[smem:$0x3FB5] =	sst s0;
	s0 =	simm.s32 @!p2 $0x0  }
0x16: {  	s3 =	sld [smem:$0x3FDB];
	s0 =	simm.s32 @p2 $0x1  }
0x17: {  	s4 =	simm.s32 $0x1BF5;
	[smem:$0x3FB7] =	sst s0  }
0x18: {  	s0 =	sld [smem:$0x3F9A];
	_ =	swait.ge [sflag:s4], $0x0  }
0x19: {  	s7 =	sld [smem:$0x3F9B]  }
0x1a: {  	s8 =	sadd.s32 $0xFFFFE003, lr  }
0x1b: {  	s9 =	sadd.s32 $0xFFFFFEF7, lr;
	s5 =	simm.s32 $0xFFFFFFFF;
	p2 =	slt.u32 s8, $0xFFFFF086  }
0x1c: {  	p1 =	slt.u32 s9, $0xF7A;
	s5 =	simm.s32 @!p2 $0x0  }
0x1d: {  	s5 =	simm.s32 @p1 $0x1;
	p0 =	seq.s32 s7, s2  }
0x1e: {  	s7 =	smul.u32 @!p0 $0xF7A, s2;
	p2 =	seq.s32 @!p0 s5, $0x0  }
0x1f: {  	s9 =	smul.u32 $0xF7A, s1;
	s8 =	simm.s32 @!p0 $0x1BF5;
	p2 =	por !p2, p0  }
0x20: {  	[sflag:s8] =	ssyncset.s32 @!p0 $0xFFFFF086;
	s6 =	sadd.s32 @!p0 s3, s7;
	s7 =	simm.s32 @!p0 $0x108  }
0x21: {  	s3 =	sadd.s32 s3, s9;
	s6 =	sadd.s32 @!p0 $0x88, s6;
	s7 =	simm.s32 @p2 $0x1082  }
0x22: {  	[simem:s7], [sflag:s8] =	dma.local @!p0 [hbm:s6], $0xF7A  }
0x23: {  	s9 =	sor.u32 $0xD0000000, s2;
	s6 =	simm.s32 $0x108;
	_ =	swait.ge @!p0 [sflag:s8], $0x0  }
0x24: {  	s3 =	sadd.s32 $0x88, s3;
	s6 =	simm.s32 @!p1 $0x1082;
	[sflag:s4] =	ssyncset.s32 $0xFFFFF086  }
0x25: {  	[simem:s6], [sflag:s4] =	dma.local [hbm:s3], $0xF7A  }
0x26: {  	[smem:$0x3F9B] =	sst s1;
	(tag) =	ssettag s2;
	_ =	strace s9  }
0x27: {  	s1 =	sld [smem:$0x3FAB]  }
0x28: {  	s2 =	sld [smem:$0x3FAC]  }
0x29: {  	s4 =	sld [smem:$0x3FAE]  }
0x2a: {  	p0 =	seq.s32 s5, $0x0;
	s5 =	sld [smem:$0x3FAF]  }
0x2b: {  	s6 =	sld [smem:$0x3FB0]  }
0x2c: {  	s7 =	sld [smem:$0x3FB1]  }
0x2d: {  	s3 =	simm.s32 $0x108;
	s8 =	sld [smem:$0x3FB2]  }
0x2e: {  	s3 =	simm.s32 @!p0 $0x1082;
	s9 =	sld [smem:$0x3FB3]  }
0x2f: {  	lr =	sadd.s32 s0, s3;
	s0 =	sld [smem:$0x3FAA]  }
0x30: {  	s3 =	sld [smem:$0x3FAD]  }
0x31: {  	[smem:$0x3FB6] =	sst s10  }
0x32: {  	s10 =	sld [smem:$0x3FB4];
	_ =	sdelay $0x3  }
0x33: {  	p0 =	seq.s32 s10, $0x1;
	s10 =	sld [smem:$0x3FB6];
	_ =	sdelay $0x3  }
0x34: {  	[smem:$0x3FB6] =	sst s10  }
0x35: {  	s10 =	sld [smem:$0x3FB5];
	_ =	sdelay $0x3  }
0x36: {  	p1 =	seq.s32 s10, $0x1;
	s10 =	sld [smem:$0x3FB6];
	_ =	sdelay $0x3  }
0x37: {  	[smem:$0x3FB6] =	sst s10  }
0x38: {  	s10 =	sld [smem:$0x3FB7]  }
0x39: {  	_ = 	snop;
	(pc) =	sbr.ind lr, $3  }
0x3a: {  	_ = 	snop  }
0x3b: {  	_ = 	snop  }
0x3c: {  	p2 =	seq.s32 s10, $0x1;
	s10 =	sld [smem:$0x3FB6]  }
0x3d: {  	_ =	shalt  }
0x3e: {  	_ =	shalt  }
0x3f: {  	_ =	shalt  }
0x40: {  	_ =	shalt  }
0x41: {  	_ =	shalt  }
0x42: {  	_ =	shalt  }
0x43: {  	_ =	shalt  }
0x44: {  	_ =	shalt  }
0x45: {  	_ =	shalt  }
0x46: {  	_ =	shalt  }
0x47: {  	_ =	shalt  }
0x48: {  	_ =	shalt  }
0x49: {  	_ =	shalt  }
0x4a: {  	_ =	shalt  }
0x4b: {  	_ =	shalt  }
0x4c: {  	_ =	shalt  }
0x4d: {  	_ =	shalt  }
0x4e: {  	_ =	shalt  }
0x4f: {  	_ =	shalt  }
0x50: {  	_ =	shalt  }
0x51: {  	_ =	shalt  }
0x52: {  	_ =	shalt  }
0x53: {  	_ =	shalt  }
0x54: {  	_ =	shalt  }
0x55: {  	_ =	shalt  }
0x56: {  	_ =	shalt  }
0x57: {  	_ =	shalt  }
0x58: {  	_ =	shalt  }
0x59: {  	_ =	shalt  }
0x5a: {  	_ =	shalt  }
0x5b: {  	_ =	shalt  }
0x5c: {  	_ =	shalt  }
0x5d: {  	_ =	shalt  }
0x5e: {  	_ =	shalt  }
0x5f: {  	_ =	shalt  }
0x60: {  	_ =	shalt  }
0x61: {  	_ =	shalt  }
0x62: {  	_ =	shalt  }
0x63: {  	_ =	shalt  }
0x64: {  	_ =	shalt  }
0x65: {  	_ =	shalt  }
0x66: {  	_ =	shalt  }
0x67: {  	_ =	shalt  }
0x68: {  	_ =	shalt  }
0x69: {  	_ =	shalt  }
0x6a: {  	_ =	shalt  }
0x6b: {  	_ =	shalt  }
0x6c: {  	_ =	shalt  }
0x6d: {  	_ =	shalt  }
0x6e: {  	_ =	shalt  }
0x6f: {  	_ =	shalt  }
0x70: {  	_ =	shalt  }
0x71: {  	_ =	shalt  }
0x72: {  	_ =	shalt  }
0x73: {  	_ =	shalt  }
0x74: {  	_ =	shalt  }
0x75: {  	_ =	shalt  }
0x76: {  	_ =	shalt  }
0x77: {  	_ =	shalt  }
0x78: {  	_ =	shalt  }
0x79: {  	_ =	shalt  }
0x7a: {  	_ =	shalt  }
0x7b: {  	_ =	shalt  }
0x7c: {  	_ =	shalt  }
0x7d: {  	_ =	shalt  }
0x7e: {  	_ =	shalt  }
0x7f: {  	_ =	shalt  }
0x80: {  	_ =	shalt  }
0x81: {  	_ =	shalt  }
0x82: {  	_ =	shalt  }
0x83: {  	_ =	shalt  }
0x84: {  	_ =	shalt  }
0x85: {  	_ =	shalt  }
0x86: {  	_ =	shalt  }
0x87: {  	_ =	shalt  }
.Lfunc_end0:
.L_simem_size_0:
called_computation.1_lowered:
.L_overlay_start_0:
0x88: {  	s2 =	sld [smem:$0x3FD9]  }
0x89: {  	s3 =	sld [smem:$0x3FFE];
	_ =	sdelay $0x1  }
0x8a: {  	s1 =	srdreg.scid  }
0x8b: {  	s0 =	sand.u32 $0x1, s1  }
0x8c: {  	s17 =	sshll.u32 s0, $0xA;
	s2 =	sadd.s32 s3, s2  }
0x8d: {  	s2 =	sadd.s32 s2, s17  }
0x8e: {  	[smem:$0x3FC2] =	sst s2  }
0x8f: {  	_ = 	snop  }
0x90: {  	s2 =	sld [smem:$0x3FD0];
	(tm) =	ssettm $0x1  }
0x91: {  	s18 =	sld [smem:$0x3FFB];
	_ =	sdelay $0x3  }
0x92: {  	_ =	strace s18  }
0x93: {  	s3 =	sld [smem:$0x3FFC];
	_ =	sdelay $0x3  }
0x94: {  	_ =	strace s3  }
0x95: {  	s3 =	sld [smem:$0x3FFD];
	_ =	sdelay $0x3  }
0x96: {  	_ =	strace s3  }
0x97: {  	_ =	strace $0x8FFFFFFF  }
0x98: {  	s19 =	sld [smem:$0x3FDB];
	_ =	sdelay $0x1  }
0x99: {  	s4 =	simm.s32 $_scs_section_size  }
0x9a: {  	s5 =	simm.s32 $_size__tile_overlayer_lowered;
	s6 =	simm.s32 $_tile_overlayer_lowered  }
0x9b: {  	s22 =	simm.s32 $0x1BFF;
	s21 =	sshll.u32 s6, $0x1;
	s3 =	sadd.s32 s4, s19  }
0x9c: {  	s7 =	simm.s32 $0x0;
	s20 =	sshll.u32 s5, $0x1;
	s5 =	sadd.s32 s21, s3  }
0x9d: {  	[timem:s7], [sflag:s22] =	dma.local [hbm:s5], s20  }
0x9e: {  	_ =	swait.ge [sflag:s22], s20  }
0x9f: {  	s4 =	ssub.s32 $0x0, s20;
	[sflag:s22] =	ssyncset.done $0x0  }
0xa0: {  	[sflag:s22] =	ssyncadd.s32 s4;
	_ =	sdelay $0x1  }
0xa1: {  	s23 =	simm.s32 $0x1B8B  }
0xa2: {  	_ =	swait.ge [sflag:s23], $0x1  }
0xa3: {  	[sflag:s23] =	ssyncset.done $0x0  }
0xa4: {  	s25 =	simm.s32 $0x1B8E;
	s24 =	sld [smem:$0x3FFE];
	[sflag:s23] =	ssyncadd.s32 $0xFFFFFFFF  }
0xa5: {  	s26 =	simm.s32 $execute0_lowered;
	[smem:$0x3FD2] =	sst s25  }
0xa6: {  	s5 =	sshll.u32 s26, $0x1;
	_ =	strace $0x80000049;
	[dreg:$0x1] =	wrdreg $0xFFFFFFFF  }
0xa7: {  	s28 =	simm.s32 $_size_execute0_lowered;
	s3 =	sadd.s32 s3, s5;
	[dreg:$0x0] =	wrdreg $0x0  }
0xa8: {  	s5 =	sshll.u32 s28, $0x1;
	[dreg:$0x2] =	wrdreg s3  }
0xa9: {  	[dreg:$0x3] =	wrdreg s5  }
0xaa: {  	[dreg:$0x4] =	wrdreg $0xC0  }
0xab: {  	_ =	task [dreg:s7], $0x5FFFF  }
0xac: {  	[dreg:$0x1] =	wrdreg $0xFFFFFFFF  }
0xad: {  	[dreg:$0x0] =	wrdreg $0x60  }
0xae: {  	[dreg:$0x2] =	wrdreg s24  }
0xaf: {  	[dreg:$0x3] =	wrdreg s2  }
0xb0: {  	[dreg:$0x4] =	wrdreg $0xB0000  }
0xb1: {  	[dreg:$0x5] =	wrdreg $0x9  }
0xb2: {  	_ =	task.clear_ibuf [dreg:s7], $0x6FFFF;
	_ =	strace $0x90000049  }
0xb3: {  	s29 =	simm.s32 $0x9;
	_ =	strace $0x8000004B  }
0xb4: {  	_ =	swait.ge [sflag:s29], $0x1  }
0xb5: {  	[sflag:s29] =	ssyncadd.s32 $0xFFFFFFFF  }
0xb6: {  	_ =	strace $0x9000004B  }
0xb7: {  	_ =	sfence  }
0xb8: {  	s30 =	sld [smem:$0x0];
	_ =	sdelay $0x2  }
0xb9: {  	s31 =	sshll.u32 s1, $0xD;
	s1 =	sshrl.u32 s1, $0x2  }
0xba: {  	s3 =	sand.u32 $0x4000, s31;
	s1 =	sadd.s32 s1, s30  }
0xbb: {  	s0 =	sor.u32 s3, s0;
	s1 =	sshll.u32 s1, $0x11  }
0xbc: {  	s0 =	sor.u32 s1, s0  }
0xbd: {  	s0 =	sadd.s32 $0x8F2B, s0  }
0xbe: {  	[sflag:s0] =	ssyncadd.remote.s32 $0x1  }
0xbf: {  	_ =	sfence.sel $0xFFFF  }
0xc0: {  	[dreg:$0x0] =	wrdreg $0xFFFFFFFF;
	(pc) =	sbr.abs _section_cstart, $3  }
0xc1: {  	[dreg:$0x1] =	wrdreg $0xFFFFFFFF  }
0xc2: {  	_ =	task.clear_ibuf [dreg:s7], $0x2FFFF;
	_ =	strace $0x9FFFFFFF  }
0xc3: {  	(tm) =	ssettm $0x7FFFFFFF  }
tec
execute0_lowered:
.L_overlay_start_1:
0x0: {  	(tag) =	ssettag $0x1  }
0x1: {  	s0 =	rddreg [dreg:$0x0]  }
0x2: {  	s2 =	rddreg [dreg:$0x1]  }
0x3: {  	s1 =	rddreg [dreg:$0x2];
	s3 =	srdreg.scid  }
0x4: {  	s12 =	stileid.u32;
	s28 =	simm.s32 $0x6;
	s30 =	simm.s32 $0x200  }
0x5: {  	s31 =	simm.s32 $0x280;
	s6 =	sand.u32 $0x1, s3;
	s8 =	smul.u32 $0x13C00, s12  }
0x6: {  	s3 =	simm.s32 $0x0;
	s5 =	sshll.u32 s12, $0x1;
	s16 =	smul.u32 $0x5000, s12  }
0x7: {  	s4 =	sadd.s32 $0xC600, s0;
	s15 =	sadd.s32 $0x33E00, s0;
	s11 =	smul.u32 $0x4F000, s12  }
0x8: {  	s29 =	sshll.u32 s12, $0x6;
	s12 =	simm.s32 $0x780;
	s7 =	smul.u32 $0x13C000, s6  }
0x9: {  	[smem:$0x7FF] =	sst s3;
	s9 =	sor.u32 s6, s5;
	s5 =	sadd.s32 $0x2600, s0  }
0xa: {  	s17 =	ssub.s32 $0x2, s6;
	s6 =	smul.u32 $0x2800, s6;
	_ =	strace $0x8000004A  }
0xb: {  	s14 =	smul.u32 $0x2800, s9;
	[dreg:$0x4] =	wrdreg s15;
	s10 =	sshrl.u32 s17, $0x1  }
0xc: {  	s20 =	sshrl.u32 s11, $0x2;
	s15 =	simm.s32 $0x2;
	s9 =	simm.s32 $0x580  }
0xd: {  	s11 =	simm.s32 $0x700;
	s7 =	sadd.s32 s8, s7;
	s6 =	sadd.s32 s6, s16  }
0xe: {  	s22 =	sadd.s32 s20, s1;
	s20 =	simm.s32 $0x80;
	s16 =	simm.s32 $0x0  }
0xf: {  	s7 =	sshrl.u32 s7, $0x3;
	s8 =	sshrl.u32 s14, $0x3;
	s21 =	sadd.s32 $0xC00, s6  }
0x10: {  	s26 =	sadd.s32 $0x800, s6;
	s14 =	simm.s32 $0x400;
	s6 =	simm.s32 $0x480  }
0x11: {  	s0 =	sadd.s32 s7, s0;
	s7 =	ssub.s32 s17, s10;
	s18 =	sadd.s32 s5, s8  }
0x12: {  	s2 =	sadd.s32 s2, s8;
	s23 =	sshrl.u32 s21, $0x3;
	[dreg:$0xb] =	wrdreg s26  }
0x13: {  	s17 =	simm.s32 $0x7;
	s21 =	simm.s32 $0x3000;
	s26 =	simm.s32 $0x4  }
0x14: {  	s8 =	simm.s32 $0x500;
	s10 =	simm.s32 $0x680;
	[dreg:$0x5] =	wrdreg s18  }
0x15: {  	s19 =	sadd.s32 $0x80, s18;
	[dreg:$0x7] =	wrdreg s2;
	s0 =	sadd.s32 $0x36600, s0  }
0x16: {  	s24 =	smax.u32 s7, $0x1;
	s25 =	sadd.s32 s23, s5;
	[dreg:$0x6] =	wrdreg s19  }
.Ltmp0:
0x17: {  	s18 =	sor.u32 $0x1C07, s29;
	[dreg:$0x8] =	wrdreg s0;
	(pc) =	sbr.rel .LBB2_1-.Ltmp0, $4  }
0x18: {  	s23 =	simm.s32 $0x3;
	s2 =	simm.s32 $0x380;
	[dreg:$0x9] =	wrdreg s24  }
0x19: {  	s7 =	simm.s32 $0x600;
	[dreg:$0xa] =	wrdreg s25;
	s25 =	sshrl.u32 s22, $0x3  }
0x1a: {  	s19 =	simm.s32 $0x1;
	s22 =	simm.s32 $0x7000;
	[dreg:$0xc] =	wrdreg s18  }
0x1b: {  	s24 =	simm.s32 $0x5;
	s0 =	simm.s32 $0x300;
	[dreg:$0xd] =	wrdreg s25  }
.LBB2_4:
0x1c: {  	_ =	swait.ge [sflag:s26], $0x4000  }
0x1d: {  	[sflag:s26] =	ssyncset.done $0x0  }
0x1e: {  	[sflag:s26] =	ssyncadd.s32 $0xFFFFC000  }
0x1f: {  	[spmem:s1] =	stream.indirect.scatter.add.f32 [tilespmem:s22], [sflag:$0x6], $0x80, s13, s20, $0xb8;
	[tilespmem:$0x1EC00] =	vst v63  }
0x20: {  	_ =	swait.ge [sflag:s28], $0x4000  }
0x21: {  	[sflag:s28] =	ssyncset.done $0x0  }
0x22: {  	[sflag:s28] =	ssyncadd.s32 $0xFFFFC000  }
0x23: {  	[bflag:$0x0] =	sbarrier.arrive $0xFFFF  }
0x24: {  	s17 =	rddreg [dreg:$0x8]  }
0x25: {  	s18 =	rddreg [dreg:$0xc]  }
0x26: {  	s25 =	rddreg [dreg:$0xd]  }
0x27: {  	[hbm:s17], [sflag:s18] =	dma.local [spmem:s25], $0x2780  }
0x28: {  	s17 =	simm.s32 $0x7  }
0x29: {  	_ =	swait.ge [sflag:s17], $0x2780  }
0x2a: {  	s16 =	rddreg [dreg:$0xe]  }
0x2b: {  	s29 =	rddreg [dreg:$0x9];
	s16 =	sadd.s32 $0x1, s16  }
0x2c: {  	p0 =	sne.s32 s16, s29  }
.Ltmp1:
0x2d: {  	_ = 	snop;
	(pc) =	sbr.rel @!p0 .LBB2_5-.Ltmp1, $3  }
0x2e: {  	_ =	sdelay $0x1  }
0x2f: {  	[sflag:s17] =	ssyncset.done $0x0  }
0x30: {  	[sflag:s17] =	ssyncadd.s32 $0xFFFFD880  }
.LBB2_1:
0x31: {  	[dreg:$0xe] =	wrdreg s16  }
0x32: {  	s13 =	rddreg [dreg:$0x5]  }
0x33: {  	[tilespmem:s3], [sflag:$0x1] =	stream.linear.gather [hbm4b:s13+s3], $0x400, $0x38;
	[tilespmem:$0x1EC00] =	vst v63  }
0x34: {  	s29 =	rddreg [dreg:$0x6]  }
0x35: {  	[tilespmem:s14], [sflag:$0x2] =	stream.linear.gather [hbm4b:s29+s3], $0x400, $0x38;
	[tilespmem:$0x1EC00] =	vst v63  }
0x36: {  	s16 =	rddreg [dreg:$0x7];
	s29 =	simm.s32 $0x800  }
0x37: {  	[tilespmem:s29], [sflag:$0x7] =	stream.linear.gather [hbm4b:s16+s3], $0x2800, $0x38;
	[tilespmem:$0x1EC00] =	vst v63  }
0x38: {  	_ =	swait.ge [sflag:s17], $0x2800  }
0x39: {  	[sflag:s17] =	ssyncset.done $0x0  }
0x3a: {  	s29 =	rddreg [dreg:$0x4];
	[sflag:s17] =	ssyncadd.s32 $0xFFFFD800  }
0x3b: {  	[spmem:s25], [sflag:s18] =	dma.local [hbm:s29], $0x2780  }
0x3c: {  	_ =	swait.ge [sflag:s17], $0x2780  }
0x3d: {  	[sflag:s17] =	ssyncset.done $0x0  }
0x3e: {  	[sflag:s17] =	ssyncadd.s32 $0xFFFFD880  }
0x3f: {  	[bflag:$0x0] =	sbarrier.arrive $0xFFFF  }
0x40: {  	_ =	swait.ge [sflag:s19], $0x400  }
0x41: {  	[sflag:s19] =	ssyncset.done $0x0;
	s18 =	rddreg [dreg:$0xb]  }
0x42: {  	s17 =	simm.s32 $0x0;
	s16 =	rddreg [dreg:$0xa];
	[sflag:s19] =	ssyncadd.s32 $0xFFFFFC00  }
0x43: {  	[tilespmem:s21], [sflag:$0x3] =	stream.indirect.gather [hbm4b:s4+s20], $0x80, s3, s20, $0xb8;
	[tilespmem:$0x1EC00] =	vst v63  }
.LBB2_2:
0x44: {  	p0 =	seq.s32 s17, $0x0  }
0x45: {  	s13 =	simm.s32 @!p0 $0x6  }
0x46: {  	_ =	swait.ge @!p0 [sflag:s13], $0x4000  }
0x47: {  	[sflag:s13] =	ssyncset.done @!p0 $0x0  }
0x48: {  	[sflag:s13] =	ssyncadd.s32 @!p0 $0xFFFFC000  }
0x49: {  	[tilespmem:s22], [sflag:$0x4] =	stream.indirect.gather [hbm4b:s4+s20], $0x80, s20, s20, $0xb8;
	[tilespmem:$0x1EC00] =	vst v63  }
0x4a: {  	_ =	swait.ge [sflag:s23], $0x4000  }
0x4b: {  	s13 =	sshra.s32 s17, $0x2;
	[sflag:s23] =	ssyncset.done $0x0  }
0x4c: {  	s25 =	sadd.s32 $0x800, s13;
	[sflag:s23] =	ssyncadd.s32 $0xFFFFC000  }
0x4d: {  	[spmem:s1] =	stream.indirect.scatter.add.f32 [tilespmem:s21], [sflag:$0x5], $0x80, s25, s20, $0xb8;
	[tilespmem:$0x1EC00] =	vst v63  }
0x4e: {  	_ =	swait.ge [sflag:s24], $0x4000  }
0x4f: {  	[sflag:s24] =	ssyncset.done $0x0  }
0x50: {  	s29 =	simm.s32 $0x100;
	[sflag:s24] =	ssyncadd.s32 $0xFFFFC000  }
0x51: {  	[tilespmem:s21], [sflag:$0x3] =	stream.indirect.gather [hbm4b:s4+s20], $0x80, s29, s20, $0xb8;
	[tilespmem:$0x1EC00] =	vst v63  }
0x52: {  	_ =	swait.ge [sflag:s26], $0x4000  }
0x53: {  	[sflag:s26] =	ssyncset.done $0x0  }
0x54: {  	s29 =	sadd.s32 $0x880, s13;
	[sflag:s26] =	ssyncadd.s32 $0xFFFFC000  }
0x55: {  	[spmem:s1] =	stream.indirect.scatter.add.f32 [tilespmem:s22], [sflag:$0x6], $0x80, s29, s20, $0xb8;
	[tilespmem:$0x1EC00] =	vst v63  }
0x56: {  	_ =	swait.ge [sflag:s28], $0x4000  }
0x57: {  	[sflag:s28] =	ssyncset.done $0x0  }
0x58: {  	s29 =	simm.s32 $0x180;
	[sflag:s28] =	ssyncadd.s32 $0xFFFFC000  }
0x59: {  	[tilespmem:s22], [sflag:$0x4] =	stream.indirect.gather [hbm4b:s4+s20], $0x80, s29, s20, $0xb8;
	[tilespmem:$0x1EC00] =	vst v63  }
0x5a: {  	_ =	swait.ge [sflag:s23], $0x4000  }
0x5b: {  	[sflag:s23] =	ssyncset.done $0x0  }
0x5c: {  	s29 =	sadd.s32 $0x900, s13;
	[sflag:s23] =	ssyncadd.s32 $0xFFFFC000  }
0x5d: {  	[spmem:s1] =	stream.indirect.scatter.add.f32 [tilespmem:s21], [sflag:$0x5], $0x80, s29, s20, $0xb8;
	[tilespmem:$0x1EC00] =	vst v63  }
0x5e: {  	_ =	swait.ge [sflag:s24], $0x4000  }
0x5f: {  	[sflag:s24] =	ssyncset.done $0x0  }
0x60: {  	[sflag:s24] =	ssyncadd.s32 $0xFFFFC000  }
0x61: {  	[tilespmem:s21], [sflag:$0x3] =	stream.indirect.gather [hbm4b:s4+s20], $0x80, s30, s20, $0xb8;
	[tilespmem:$0x1EC00] =	vst v63  }
0x62: {  	_ =	swait.ge [sflag:s26], $0x4000  }
0x63: {  	[sflag:s26] =	ssyncset.done $0x0  }
0x64: {  	s29 =	sadd.s32 $0x980, s13;
	[sflag:s26] =	ssyncadd.s32 $0xFFFFC000  }
0x65: {  	[spmem:s1] =	stream.indirect.scatter.add.f32 [tilespmem:s22], [sflag:$0x6], $0x80, s29, s20, $0xb8;
	[tilespmem:$0x1EC00] =	vst v63  }
0x66: {  	_ =	swait.ge [sflag:s28], $0x4000  }
0x67: {  	[sflag:s28] =	ssyncset.done $0x0  }
0x68: {  	[sflag:s28] =	ssyncadd.s32 $0xFFFFC000  }
0x69: {  	[tilespmem:s22], [sflag:$0x4] =	stream.indirect.gather [hbm4b:s4+s20], $0x80, s31, s20, $0xb8;
	[tilespmem:$0x1EC00] =	vst v63  }
0x6a: {  	_ =	swait.ge [sflag:s23], $0x4000  }
0x6b: {  	[sflag:s23] =	ssyncset.done $0x0  }
0x6c: {  	s29 =	sadd.s32 $0xA00, s13;
	[sflag:s23] =	ssyncadd.s32 $0xFFFFC000  }
0x6d: {  	[spmem:s1] =	stream.indirect.scatter.add.f32 [tilespmem:s21], [sflag:$0x5], $0x80, s29, s20, $0xb8;
	[tilespmem:$0x1EC00] =	vst v63  }
0x6e: {  	_ =	swait.ge [sflag:s24], $0x4000  }
0x6f: {  	[sflag:s24] =	ssyncset.done $0x0  }
0x70: {  	[sflag:s24] =	ssyncadd.s32 $0xFFFFC000  }
0x71: {  	[tilespmem:s21], [sflag:$0x3] =	stream.indirect.gather [hbm4b:s4+s20], $0x80, s0, s20, $0xb8;
	[tilespmem:$0x1EC00] =	vst v63  }
0x72: {  	_ =	swait.ge [sflag:s26], $0x4000  }
0x73: {  	[sflag:s26] =	ssyncset.done $0x0  }
0x74: {  	s29 =	sadd.s32 $0xA80, s13;
	[sflag:s26] =	ssyncadd.s32 $0xFFFFC000  }
0x75: {  	[spmem:s1] =	stream.indirect.scatter.add.f32 [tilespmem:s22], [sflag:$0x6], $0x80, s29, s20, $0xb8;
	[tilespmem:$0x1EC00] =	vst v63  }
0x76: {  	_ =	swait.ge [sflag:s28], $0x4000  }
0x77: {  	[sflag:s28] =	ssyncset.done $0x0  }
0x78: {  	[sflag:s28] =	ssyncadd.s32 $0xFFFFC000  }
0x79: {  	[tilespmem:s22], [sflag:$0x4] =	stream.indirect.gather [hbm4b:s4+s20], $0x80, s2, s20, $0xb8;
	[tilespmem:$0x1EC00] =	vst v63  }
0x7a: {  	_ =	swait.ge [sflag:s23], $0x4000  }
0x7b: {  	[sflag:s23] =	ssyncset.done $0x0  }
0x7c: {  	s29 =	sadd.s32 $0xB00, s13;
	[sflag:s23] =	ssyncadd.s32 $0xFFFFC000  }
0x7d: {  	[spmem:s1] =	stream.indirect.scatter.add.f32 [tilespmem:s21], [sflag:$0x5], $0x80, s29, s20, $0xb8;
	[tilespmem:$0x1EC00] =	vst v63  }
0x7e: {  	_ =	swait.ge [sflag:s24], $0x4000  }
0x7f: {  	[sflag:s24] =	ssyncset.done $0x0  }
0x80: {  	[sflag:s24] =	ssyncadd.s32 $0xFFFFC000  }
0x81: {  	_ =	swait.ge [sflag:s15], $0x400  }
0x82: {  	[sflag:s15] =	ssyncset.done $0x0  }
0x83: {  	[sflag:s15] =	ssyncadd.s32 $0xFFFFFC00  }
0x84: {  	[tilespmem:s21], [sflag:$0x3] =	stream.indirect.gather [hbm4b:s4+s20], $0x80, s14, s20, $0xb8;
	[tilespmem:$0x1EC00] =	vst v63  }
0x85: {  	_ =	swait.ge [sflag:s26], $0x4000  }
0x86: {  	p0 =	seq.s32 s17, $0x8000;
	[sflag:s26] =	ssyncset.done $0x0  }
0x87: {  	s25 =	sshrl.u32 @!p0 s18, $0x3;
	s29 =	sadd.s32 $0xB80, s13;
	[sflag:s26] =	ssyncadd.s32 $0xFFFFC000  }
0x88: {  	[spmem:s1] =	stream.indirect.scatter.add.f32 [tilespmem:s22], [sflag:$0x6], $0x80, s29, s20, $0xb8;
	[tilespmem:$0x1EC00] =	vst v63  }
0x89: {  	s25 =	sadd.s32 @!p0 s5, s25;
	s29 =	simm.s32 @!p0 $0x0  }
0x8a: {  	[tilespmem:s29], [sflag:$0x1] =	stream.linear.gather @!p0 [hbm4b:s25+s29], $0x400, $0x38;
	[tilespmem:$0x1EC00] =	vst v63  }
0x8b: {  	_ =	swait.ge [sflag:s28], $0x4000  }
0x8c: {  	[sflag:s28] =	ssyncset.done $0x0  }
0x8d: {  	[sflag:s28] =	ssyncadd.s32 $0xFFFFC000  }
0x8e: {  	[tilespmem:s22], [sflag:$0x4] =	stream.indirect.gather [hbm4b:s4+s20], $0x80, s6, s20, $0xb8;
	[tilespmem:$0x1EC00] =	vst v63  }
0x8f: {  	_ =	swait.ge [sflag:s23], $0x4000  }
0x90: {  	[sflag:s23] =	ssyncset.done $0x0  }
0x91: {  	s29 =	sadd.s32 $0xC00, s13;
	[sflag:s23] =	ssyncadd.s32 $0xFFFFC000  }
0x92: {  	[spmem:s1] =	stream.indirect.scatter.add.f32 [tilespmem:s21], [sflag:$0x5], $0x80, s29, s20, $0xb8;
	[tilespmem:$0x1EC00] =	vst v63  }
0x93: {  	_ =	swait.ge [sflag:s24], $0x4000  }
0x94: {  	[sflag:s24] =	ssyncset.done $0x0  }
0x95: {  	[sflag:s24] =	ssyncadd.s32 $0xFFFFC000  }
0x96: {  	[tilespmem:s21], [sflag:$0x3] =	stream.indirect.gather [hbm4b:s4+s20], $0x80, s8, s20, $0xb8;
	[tilespmem:$0x1EC00] =	vst v63  }
0x97: {  	_ =	swait.ge [sflag:s26], $0x4000  }
0x98: {  	[sflag:s26] =	ssyncset.done $0x0  }
0x99: {  	s29 =	sadd.s32 $0xC80, s13;
	[sflag:s26] =	ssyncadd.s32 $0xFFFFC000  }
0x9a: {  	[spmem:s1] =	stream.indirect.scatter.add.f32 [tilespmem:s22], [sflag:$0x6], $0x80, s29, s20, $0xb8;
	[tilespmem:$0x1EC00] =	vst v63  }
0x9b: {  	_ =	swait.ge [sflag:s28], $0x4000  }
0x9c: {  	[sflag:s28] =	ssyncset.done $0x0  }
0x9d: {  	[sflag:s28] =	ssyncadd.s32 $0xFFFFC000  }
0x9e: {  	[tilespmem:s22], [sflag:$0x4] =	stream.indirect.gather [hbm4b:s4+s20], $0x80, s9, s20, $0xb8;
	[tilespmem:$0x1EC00] =	vst v63  }
0x9f: {  	_ =	swait.ge [sflag:s23], $0x4000  }
0xa0: {  	[sflag:s23] =	ssyncset.done $0x0  }
0xa1: {  	s29 =	sadd.s32 $0xD00, s13;
	[sflag:s23] =	ssyncadd.s32 $0xFFFFC000  }
0xa2: {  	[spmem:s1] =	stream.indirect.scatter.add.f32 [tilespmem:s21], [sflag:$0x5], $0x80, s29, s20, $0xb8;
	[tilespmem:$0x1EC00] =	vst v63  }
0xa3: {  	_ =	swait.ge [sflag:s24], $0x4000  }
0xa4: {  	[sflag:s24] =	ssyncset.done $0x0  }
0xa5: {  	[sflag:s24] =	ssyncadd.s32 $0xFFFFC000  }
0xa6: {  	[tilespmem:s21], [sflag:$0x3] =	stream.indirect.gather [hbm4b:s4+s20], $0x80, s7, s20, $0xb8;
	[tilespmem:$0x1EC00] =	vst v63  }
0xa7: {  	_ =	swait.ge [sflag:s26], $0x4000  }
0xa8: {  	[sflag:s26] =	ssyncset.done $0x0  }
0xa9: {  	s29 =	sadd.s32 $0xD80, s13;
	[sflag:s26] =	ssyncadd.s32 $0xFFFFC000  }
0xaa: {  	[spmem:s1] =	stream.indirect.scatter.add.f32 [tilespmem:s22], [sflag:$0x6], $0x80, s29, s20, $0xb8;
	[tilespmem:$0x1EC00] =	vst v63  }
0xab: {  	_ =	swait.ge [sflag:s28], $0x4000  }
0xac: {  	[sflag:s28] =	ssyncset.done $0x0  }
0xad: {  	[sflag:s28] =	ssyncadd.s32 $0xFFFFC000  }
0xae: {  	[tilespmem:s22], [sflag:$0x4] =	stream.indirect.gather [hbm4b:s4+s20], $0x80, s10, s20, $0xb8;
	[tilespmem:$0x1EC00] =	vst v63  }
0xaf: {  	_ =	swait.ge [sflag:s23], $0x4000  }
0xb0: {  	[sflag:s23] =	ssyncset.done $0x0  }
0xb1: {  	s29 =	sadd.s32 $0xE00, s13;
	[sflag:s23] =	ssyncadd.s32 $0xFFFFC000  }
0xb2: {  	[spmem:s1] =	stream.indirect.scatter.add.f32 [tilespmem:s21], [sflag:$0x5], $0x80, s29, s20, $0xb8;
	[tilespmem:$0x1EC00] =	vst v63  }
0xb3: {  	_ =	swait.ge [sflag:s24], $0x4000  }
0xb4: {  	[sflag:s24] =	ssyncset.done $0x0  }
0xb5: {  	[sflag:s24] =	ssyncadd.s32 $0xFFFFC000  }
0xb6: {  	[tilespmem:s21], [sflag:$0x3] =	stream.indirect.gather [hbm4b:s4+s20], $0x80, s11, s20, $0xb8;
	[tilespmem:$0x1EC00] =	vst v63  }
0xb7: {  	_ =	swait.ge [sflag:s26], $0x4000  }
0xb8: {  	[sflag:s26] =	ssyncset.done $0x0  }
0xb9: {  	s29 =	sadd.s32 $0xE80, s13;
	[sflag:s26] =	ssyncadd.s32 $0xFFFFC000  }
0xba: {  	[spmem:s1] =	stream.indirect.scatter.add.f32 [tilespmem:s22], [sflag:$0x6], $0x80, s29, s20, $0xb8;
	[tilespmem:$0x1EC00] =	vst v63  }
0xbb: {  	_ =	swait.ge [sflag:s28], $0x4000  }
0xbc: {  	[sflag:s28] =	ssyncset.done $0x0  }
0xbd: {  	[sflag:s28] =	ssyncadd.s32 $0xFFFFC000  }
0xbe: {  	[tilespmem:s22], [sflag:$0x4] =	stream.indirect.gather [hbm4b:s4+s20], $0x80, s12, s20, $0xb8;
	[tilespmem:$0x1EC00] =	vst v63  }
0xbf: {  	_ =	swait.ge [sflag:s23], $0x4000  }
0xc0: {  	[sflag:s23] =	ssyncset.done $0x0  }
.Ltmp2:
0xc1: {  	s29 =	sadd.s32 $0xF00, s13;
	[sflag:s23] =	ssyncadd.s32 $0xFFFFC000;
	(pc) =	sbr.rel @p0 .LBB2_4-.Ltmp2, $4  }
0xc2: {  	[spmem:s1] =	stream.indirect.scatter.add.f32 [tilespmem:s21], [sflag:$0x5], $0x80, s29, s20, $0xb8;
	[tilespmem:$0x1EC00] =	vst v63  }
0xc3: {  	_ =	swait.ge [sflag:s24], $0x4000  }
0xc4: {  	[sflag:s24] =	ssyncset.done $0x0  }
0xc5: {  	s13 =	sadd.s32 $0xF80, s13;
	[sflag:s24] =	ssyncadd.s32 $0xFFFFC000  }
0xc6: {  	_ =	swait.ge [sflag:s19], $0x400  }
0xc7: {  	[sflag:s19] =	ssyncset.done $0x0  }
0xc8: {  	[sflag:s19] =	ssyncadd.s32 $0xFFFFFC00  }
0xc9: {  	[tilespmem:s21], [sflag:$0x3] =	stream.indirect.gather [hbm4b:s4+s20], $0x80, s3, s20, $0xb8;
	[tilespmem:$0x1EC00] =	vst v63  }
0xca: {  	_ =	swait.ge [sflag:s26], $0x4000  }
0xcb: {  	[sflag:s26] =	ssyncset.done $0x0  }
.Ltmp3:
0xcc: {  	[sflag:s26] =	ssyncadd.s32 $0xFFFFC000;
	(pc) =	sbr.rel .LBB2_2-.Ltmp3, $4  }
0xcd: {  	[spmem:s1] =	stream.indirect.scatter.add.f32 [tilespmem:s22], [sflag:$0x6], $0x80, s13, s20, $0xb8;
	[tilespmem:$0x1EC00] =	vst v63  }
0xce: {  	_ = 	snop  }
0xcf: {  	[tilespmem:s14], [sflag:$0x2] =	stream.linear.gather [hbm4b:s16+s3], $0x400, $0x38;
	[tilespmem:$0x1EC00] =	vst v63  }
0xd0: {  	s18 =	sadd.s32 $0x800, s18;
	s17 =	sadd.s32 $0x2000, s17;
	s16 =	sadd.s32 $0x100, s16  }
.LBB2_5:
0xd1: {  	_ =	sfence.sel $0x180000  }
0xd2: {  	[bflag:$0x0] =	sbarrier.arrive $0xFFFF  }
0xd3: {  	_ =	strace $0x9000004A  }
0xd4: {  	s0 =	stileid.u32;
	[bflag:$0x2] =	sbarrier.arrive $0xFFFF  }
0xd5: {  	p0 =	sne.s32 s0, $0x0;
	s0 =	rddreg [dreg:$0x3]  }
0xd6: {  	s0 =	sadd.s32 @!p0 $0x100000, s0  }
0xd7: {  	[sflag:s0] =	ssyncadd.tile.s32 @!p0 $0x1;
	_ =	shalt  }
.Lfunc_end2:
_tile_overlayer_lowered:
.L_overlay_start_2:
0xd8: {  	(tag) =	ssettag $0x2  }
0xd9: {  	s0 =	rddreg [dreg:$0x0];
	s2 =	stileid.u32  }
0xda: {  	s1 =	rddreg [dreg:$0x1];
	p0 =	sne.s32 s2, $0x0  }
0xdb: {  	s3 =	rddreg [dreg:$0x2];
	[bflag:$0x3] =	sbarrier.arrive $0xFFFF;
	s2 =	simm.s32 @!p0 $0x1C07  }
0xdc: {  	[timem:s3], [sflag:s2] =	dma.local @!p0 [hbm:s0], s1  }
0xdd: {  	s0 =	simm.s32 @!p0 $0x7  }
0xde: {  	_ =	swait.ge @!p0 [sflag:s0], s1  }
0xdf: {  	s1 =	ssub.s32 @!p0 $0x0, s1;
	[sflag:s0] =	ssyncset.done @!p0 $0x0  }
0xe0: {  	[sflag:s0] =	ssyncadd.s32 @!p0 s1  }
0xe1: {  	[bflag:$0x3] =	sbarrier.arrive $0xFFFF  }
0xe2: {  	_ =	shalt  }

// kernel: kernel.14.cloned.1.call-start
scs
__scs_entry_jumppad:
0x0: {  	(pc) =	sbr.rel $0x88, $3  }
0x1: {  	(tag) =	ssettag $0x0;
	lr =	simm.s32 $0x1  }
0x2: {  	[smem:$0x3F9B] =	sst lr;
	_ =	strace $0xD0000000  }
0x3: {  	_ = 	snop  }
0x4: {  	_ = 	snop  }
0x5: {  	_ = 	snop  }
0x6: {  	_ = 	snop  }
0x7: {  	_ = 	snop  }
__scs_overlays_trampoline_lowered:
0x8: {  	[smem:$0x3FAA] =	sst s0  }
0x9: {  	[smem:$0x3FAB] =	sst s1  }
0xa: {  	[smem:$0x3FAC] =	sst s2  }
0xb: {  	[smem:$0x3FAD] =	sst s3  }
0xc: {  	[smem:$0x3FAE] =	sst s4  }
0xd: {  	[smem:$0x3FAF] =	sst s5  }
0xe: {  	[smem:$0x3FB0] =	sst s6  }
0xf: {  	[smem:$0x3FB1] =	sst s7  }
0x10: {  	[smem:$0x3FB2] =	sst s8  }
0x11: {  	[smem:$0x3FB3] =	sst s9;
	s0 =	simm.s32 @!p0 $0x0  }
0x12: {  	s1 =	sld [smem:$0x3F99];
	s0 =	simm.s32 @p0 $0x1  }
0x13: {  	[smem:$0x3FB4] =	sst s0;
	s0 =	simm.s32 @!p1 $0x0  }
0x14: {  	s2 =	sld [smem:$0x3F98];
	s0 =	simm.s32 @p1 $0x1  }
0x15: {  	[smem:$0x3FB5] =	sst s0;
	s0 =	simm.s32 @!p2 $0x0  }
0x16: {  	s3 =	sld [smem:$0x3FDB];
	s0 =	simm.s32 @p2 $0x1  }
0x17: {  	s4 =	simm.s32 $0x1BF5;
	[smem:$0x3FB7] =	sst s0  }
0x18: {  	s0 =	sld [smem:$0x3F9A];
	_ =	swait.ge [sflag:s4], $0x0  }
0x19: {  	s7 =	sld [smem:$0x3F9B]  }
0x1a: {  	s8 =	sadd.s32 $0xFFFFE003, lr  }
0x1b: {  	s9 =	sadd.s32 $0xFFFFFEF7, lr;
	s5 =	simm.s32 $0xFFFFFFFF;
	p2 =	slt.u32 s8, $0xFFFFF086  }
0x1c: {  	p1 =	slt.u32 s9, $0xF7A;
	s5 =	simm.s32 @!p2 $0x0  }
0x1d: {  	s5 =	simm.s32 @p1 $0x1;
	p0 =	seq.s32 s7, s2  }
0x1e: {  	s7 =	smul.u32 @!p0 $0xF7A, s2;
	p2 =	seq.s32 @!p0 s5, $0x0  }
0x1f: {  	s9 =	smul.u32 $0xF7A, s1;
	s8 =	simm.s32 @!p0 $0x1BF5;
	p2 =	por !p2, p0  }
0x20: {  	[sflag:s8] =	ssyncset.s32 @!p0 $0xFFFFF086;
	s6 =	sadd.s32 @!p0 s3, s7;
	s7 =	simm.s32 @!p0 $0x108  }
0x21: {  	s3 =	sadd.s32 s3, s9;
	s6 =	sadd.s32 @!p0 $0x88, s6;
	s7 =	simm.s32 @p2 $0x1082  }
0x22: {  	[simem:s7], [sflag:s8] =	dma.local @!p0 [hbm:s6], $0xF7A  }
0x23: {  	s9 =	sor.u32 $0xD0000000, s2;
	s6 =	simm.s32 $0x108;
	_ =	swait.ge @!p0 [sflag:s8], $0x0  }
0x24: {  	s3 =	sadd.s32 $0x88, s3;
	s6 =	simm.s32 @!p1 $0x1082;
	[sflag:s4] =	ssyncset.s32 $0xFFFFF086  }
0x25: {  	[simem:s6], [sflag:s4] =	dma.local [hbm:s3], $0xF7A  }
0x26: {  	[smem:$0x3F9B] =	sst s1;
	(tag) =	ssettag s2;
	_ =	strace s9  }
0x27: {  	s1 =	sld [smem:$0x3FAB]  }
0x28: {  	s2 =	sld [smem:$0x3FAC]  }
0x29: {  	s4 =	sld [smem:$0x3FAE]  }
0x2a: {  	p0 =	seq.s32 s5, $0x0;
	s5 =	sld [smem:$0x3FAF]  }
0x2b: {  	s6 =	sld [smem:$0x3FB0]  }
0x2c: {  	s7 =	sld [smem:$0x3FB1]  }
0x2d: {  	s3 =	simm.s32 $0x108;
	s8 =	sld [smem:$0x3FB2]  }
0x2e: {  	s3 =	simm.s32 @!p0 $0x1082;
	s9 =	sld [smem:$0x3FB3]  }
0x2f: {  	lr =	sadd.s32 s0, s3;
	s0 =	sld [smem:$0x3FAA]  }
0x30: {  	s3 =	sld [smem:$0x3FAD]  }
0x31: {  	[smem:$0x3FB6] =	sst s10  }
0x32: {  	s10 =	sld [smem:$0x3FB4];
	_ =	sdelay $0x3  }
0x33: {  	p0 =	seq.s32 s10, $0x1;
	s10 =	sld [smem:$0x3FB6];
	_ =	sdelay $0x3  }
0x34: {  	[smem:$0x3FB6] =	sst s10  }
0x35: {  	s10 =	sld [smem:$0x3FB5];
	_ =	sdelay $0x3  }
0x36: {  	p1 =	seq.s32 s10, $0x1;
	s10 =	sld [smem:$0x3FB6];
	_ =	sdelay $0x3  }
0x37: {  	[smem:$0x3FB6] =	sst s10  }
0x38: {  	s10 =	sld [smem:$0x3FB7]  }
0x39: {  	_ = 	snop;
	(pc) =	sbr.ind lr, $3  }
0x3a: {  	_ = 	snop  }
0x3b: {  	_ = 	snop  }
0x3c: {  	p2 =	seq.s32 s10, $0x1;
	s10 =	sld [smem:$0x3FB6]  }
0x3d: {  	_ =	shalt  }
0x3e: {  	_ =	shalt  }
0x3f: {  	_ =	shalt  }
0x40: {  	_ =	shalt  }
0x41: {  	_ =	shalt  }
0x42: {  	_ =	shalt  }
0x43: {  	_ =	shalt  }
0x44: {  	_ =	shalt  }
0x45: {  	_ =	shalt  }
0x46: {  	_ =	shalt  }
0x47: {  	_ =	shalt  }
0x48: {  	_ =	shalt  }
0x49: {  	_ =	shalt  }
0x4a: {  	_ =	shalt  }
0x4b: {  	_ =	shalt  }
0x4c: {  	_ =	shalt  }
0x4d: {  	_ =	shalt  }
0x4e: {  	_ =	shalt  }
0x4f: {  	_ =	shalt  }
0x50: {  	_ =	shalt  }
0x51: {  	_ =	shalt  }
0x52: {  	_ =	shalt  }
0x53: {  	_ =	shalt  }
0x54: {  	_ =	shalt  }
0x55: {  	_ =	shalt  }
0x56: {  	_ =	shalt  }
0x57: {  	_ =	shalt  }
0x58: {  	_ =	shalt  }
0x59: {  	_ =	shalt  }
0x5a: {  	_ =	shalt  }
0x5b: {  	_ =	shalt  }
0x5c: {  	_ =	shalt  }
0x5d: {  	_ =	shalt  }
0x5e: {  	_ =	shalt  }
0x5f: {  	_ =	shalt  }
0x60: {  	_ =	shalt  }
0x61: {  	_ =	shalt  }
0x62: {  	_ =	shalt  }
0x63: {  	_ =	shalt  }
0x64: {  	_ =	shalt  }
0x65: {  	_ =	shalt  }
0x66: {  	_ =	shalt  }
0x67: {  	_ =	shalt  }
0x68: {  	_ =	shalt  }
0x69: {  	_ =	shalt  }
0x6a: {  	_ =	shalt  }
0x6b: {  	_ =	shalt  }
0x6c: {  	_ =	shalt  }
0x6d: {  	_ =	shalt  }
0x6e: {  	_ =	shalt  }
0x6f: {  	_ =	shalt  }
0x70: {  	_ =	shalt  }
0x71: {  	_ =	shalt  }
0x72: {  	_ =	shalt  }
0x73: {  	_ =	shalt  }
0x74: {  	_ =	shalt  }
0x75: {  	_ =	shalt  }
0x76: {  	_ =	shalt  }
0x77: {  	_ =	shalt  }
0x78: {  	_ =	shalt  }
0x79: {  	_ =	shalt  }
0x7a: {  	_ =	shalt  }
0x7b: {  	_ =	shalt  }
0x7c: {  	_ =	shalt  }
0x7d: {  	_ =	shalt  }
0x7e: {  	_ =	shalt  }
0x7f: {  	_ =	shalt  }
0x80: {  	_ =	shalt  }
0x81: {  	_ =	shalt  }
0x82: {  	_ =	shalt  }
0x83: {  	_ =	shalt  }
0x84: {  	_ =	shalt  }
0x85: {  	_ =	shalt  }
0x86: {  	_ =	shalt  }
0x87: {  	_ =	shalt  }
.Lfunc_end0:
.L_simem_size_0:
called_computation.2_lowered:
.L_overlay_start_0:
0x88: {  	s2 =	sld [smem:$0x3FD9]  }
0x89: {  	s3 =	sld [smem:$0x3FFE];
	_ =	sdelay $0x1  }
0x8a: {  	s1 =	srdreg.scid  }
0x8b: {  	s0 =	sand.u32 $0x1, s1  }
0x8c: {  	s17 =	sshll.u32 s0, $0xA;
	s2 =	sadd.s32 s3, s2  }
0x8d: {  	s2 =	sadd.s32 s2, s17  }
0x8e: {  	[smem:$0x3FC2] =	sst s2  }
0x8f: {  	_ = 	snop  }
0x90: {  	s2 =	sld [smem:$0x3FD0];
	(tm) =	ssettm $0x1  }
0x91: {  	s18 =	sld [smem:$0x3FFB];
	_ =	sdelay $0x3  }
0x92: {  	_ =	strace s18  }
0x93: {  	s3 =	sld [smem:$0x3FFC];
	_ =	sdelay $0x3  }
0x94: {  	_ =	strace s3  }
0x95: {  	s3 =	sld [smem:$0x3FFD];
	_ =	sdelay $0x3  }
0x96: {  	_ =	strace s3  }
0x97: {  	_ =	strace $0x8FFFFFFF  }
0x98: {  	s19 =	sld [smem:$0x3FDB];
	_ =	sdelay $0x1  }
0x99: {  	s4 =	simm.s32 $_scs_section_size  }
0x9a: {  	s5 =	simm.s32 $_size__tile_overlayer_lowered;
	s6 =	simm.s32 $_tile_overlayer_lowered  }
0x9b: {  	s22 =	simm.s32 $0x1BFF;
	s21 =	sshll.u32 s6, $0x1;
	s3 =	sadd.s32 s4, s19  }
0x9c: {  	s7 =	simm.s32 $0x0;
	s20 =	sshll.u32 s5, $0x1;
	s5 =	sadd.s32 s21, s3  }
0x9d: {  	[timem:s7], [sflag:s22] =	dma.local [hbm:s5], s20  }
0x9e: {  	_ =	swait.ge [sflag:s22], s20  }
0x9f: {  	s4 =	ssub.s32 $0x0, s20;
	[sflag:s22] =	ssyncset.done $0x0  }
0xa0: {  	[sflag:s22] =	ssyncadd.s32 s4;
	_ =	sdelay $0x1  }
0xa1: {  	s23 =	simm.s32 $0x1B8B  }
0xa2: {  	_ =	swait.ge [sflag:s23], $0x1  }
0xa3: {  	[sflag:s23] =	ssyncset.done $0x0  }
0xa4: {  	s25 =	simm.s32 $0x1B8E;
	s24 =	sld [smem:$0x3FFE];
	[sflag:s23] =	ssyncadd.s32 $0xFFFFFFFF  }
0xa5: {  	s26 =	simm.s32 $execute0_lowered;
	[smem:$0x3FD2] =	sst s25  }
0xa6: {  	s5 =	sshll.u32 s26, $0x1;
	_ =	strace $0x8000004C;
	[dreg:$0x1] =	wrdreg $0xFFFFFFFF  }
0xa7: {  	s28 =	simm.s32 $_size_execute0_lowered;
	s3 =	sadd.s32 s3, s5;
	[dreg:$0x0] =	wrdreg $0x0  }
0xa8: {  	s5 =	sshll.u32 s28, $0x1;
	[dreg:$0x2] =	wrdreg s3  }
0xa9: {  	[dreg:$0x3] =	wrdreg s5  }
0xaa: {  	[dreg:$0x4] =	wrdreg $0xC0  }
0xab: {  	_ =	task [dreg:s7], $0x5FFFF  }
0xac: {  	[dreg:$0x1] =	wrdreg $0xFFFFFFFF  }
0xad: {  	[dreg:$0x0] =	wrdreg $0x60  }
0xae: {  	[dreg:$0x2] =	wrdreg s24  }
0xaf: {  	[dreg:$0x3] =	wrdreg s2  }
0xb0: {  	[dreg:$0x4] =	wrdreg $0xB0000  }
0xb1: {  	[dreg:$0x5] =	wrdreg $0x9  }
0xb2: {  	_ =	task.clear_ibuf [dreg:s7], $0x6FFFF;
	_ =	strace $0x9000004C  }
0xb3: {  	s29 =	simm.s32 $0x9;
	_ =	strace $0x8000004E  }
0xb4: {  	_ =	swait.ge [sflag:s29], $0x1  }
0xb5: {  	[sflag:s29] =	ssyncadd.s32 $0xFFFFFFFF  }
0xb6: {  	_ =	strace $0x9000004E  }
0xb7: {  	_ =	sfence  }
0xb8: {  	s30 =	sld [smem:$0x0];
	_ =	sdelay $0x2  }
0xb9: {  	s31 =	sshll.u32 s1, $0xD;
	s1 =	sshrl.u32 s1, $0x2  }
0xba: {  	s3 =	sand.u32 $0x4000, s31;
	s1 =	sadd.s32 s1, s30  }
0xbb: {  	s0 =	sor.u32 s3, s0;
	s1 =	sshll.u32 s1, $0x11  }
0xbc: {  	s0 =	sor.u32 s1, s0  }
0xbd: {  	s0 =	sadd.s32 $0x8F2B, s0  }
0xbe: {  	[sflag:s0] =	ssyncadd.remote.s32 $0x1  }
0xbf: {  	_ =	sfence.sel $0xFFFF  }
0xc0: {  	[dreg:$0x0] =	wrdreg $0xFFFFFFFF;
	(pc) =	sbr.abs _section_cstart, $3  }
0xc1: {  	[dreg:$0x1] =	wrdreg $0xFFFFFFFF  }
0xc2: {  	_ =	task.clear_ibuf [dreg:s7], $0x2FFFF;
	_ =	strace $0x9FFFFFFF  }
0xc3: {  	(tm) =	ssettm $0x7FFFFFFF  }
tec
execute0_lowered:
.L_overlay_start_1:
0x0: {  	(tag) =	ssettag $0x1  }
0x1: {  	s0 =	rddreg [dreg:$0x0]  }
0x2: {  	s2 =	rddreg [dreg:$0x1]  }
0x3: {  	s1 =	rddreg [dreg:$0x2];
	s3 =	srdreg.scid  }
0x4: {  	s12 =	stileid.u32;
	s28 =	simm.s32 $0x6;
	s30 =	simm.s32 $0x200  }
0x5: {  	s31 =	simm.s32 $0x280;
	s6 =	sand.u32 $0x1, s3;
	s8 =	smul.u32 $0x13C00, s12  }
0x6: {  	s3 =	simm.s32 $0x0;
	s5 =	sshll.u32 s12, $0x1;
	s16 =	smul.u32 $0x5000, s12  }
0x7: {  	s4 =	sadd.s32 $0xC600, s0;
	s15 =	sadd.s32 $0x33E00, s0;
	s11 =	smul.u32 $0x4F000, s12  }
0x8: {  	s29 =	sshll.u32 s12, $0x6;
	s12 =	simm.s32 $0x780;
	s7 =	smul.u32 $0x13C000, s6  }
0x9: {  	[smem:$0x7FF] =	sst s3;
	s9 =	sor.u32 s6, s5;
	s5 =	sadd.s32 $0x2600, s0  }
0xa: {  	s17 =	ssub.s32 $0x2, s6;
	s6 =	smul.u32 $0x2800, s6;
	_ =	strace $0x8000004D  }
0xb: {  	s14 =	smul.u32 $0x2800, s9;
	[dreg:$0x4] =	wrdreg s15;
	s10 =	sshrl.u32 s17, $0x1  }
0xc: {  	s20 =	sshrl.u32 s11, $0x2;
	s15 =	simm.s32 $0x2;
	s9 =	simm.s32 $0x580  }
0xd: {  	s11 =	simm.s32 $0x700;
	s7 =	sadd.s32 s8, s7;
	s6 =	sadd.s32 s6, s16  }
0xe: {  	s22 =	sadd.s32 s20, s1;
	s20 =	simm.s32 $0x80;
	s16 =	simm.s32 $0x0  }
0xf: {  	s7 =	sshrl.u32 s7, $0x3;
	s8 =	sshrl.u32 s14, $0x3;
	s21 =	sadd.s32 $0xC00, s6  }
0x10: {  	s26 =	sadd.s32 $0x800, s6;
	s14 =	simm.s32 $0x400;
	s6 =	simm.s32 $0x480  }
0x11: {  	s0 =	sadd.s32 s7, s0;
	s7 =	ssub.s32 s17, s10;
	s18 =	sadd.s32 s5, s8  }
0x12: {  	s2 =	sadd.s32 s2, s8;
	s23 =	sshrl.u32 s21, $0x3;
	[dreg:$0xb] =	wrdreg s26  }
0x13: {  	s17 =	simm.s32 $0x7;
	s21 =	simm.s32 $0x3000;
	s26 =	simm.s32 $0x4  }
0x14: {  	s8 =	simm.s32 $0x500;
	s10 =	simm.s32 $0x680;
	[dreg:$0x5] =	wrdreg s18  }
0x15: {  	s19 =	sadd.s32 $0x80, s18;
	[dreg:$0x7] =	wrdreg s2;
	s0 =	sadd.s32 $0x36600, s0  }
0x16: {  	s24 =	smax.u32 s7, $0x1;
	s25 =	sadd.s32 s23, s5;
	[dreg:$0x6] =	wrdreg s19  }
.Ltmp0:
0x17: {  	s18 =	sor.u32 $0x1C07, s29;
	[dreg:$0x8] =	wrdreg s0;
	(pc) =	sbr.rel .LBB2_1-.Ltmp0, $4  }
0x18: {  	s23 =	simm.s32 $0x3;
	s2 =	simm.s32 $0x380;
	[dreg:$0x9] =	wrdreg s24  }
0x19: {  	s7 =	simm.s32 $0x600;
	[dreg:$0xa] =	wrdreg s25;
	s25 =	sshrl.u32 s22, $0x3  }
0x1a: {  	s19 =	simm.s32 $0x1;
	s22 =	simm.s32 $0x7000;
	[dreg:$0xc] =	wrdreg s18  }
0x1b: {  	s24 =	simm.s32 $0x5;
	s0 =	simm.s32 $0x300;
	[dreg:$0xd] =	wrdreg s25  }
.LBB2_4:
0x1c: {  	_ =	swait.ge [sflag:s26], $0x4000  }
0x1d: {  	[sflag:s26] =	ssyncset.done $0x0  }
0x1e: {  	[sflag:s26] =	ssyncadd.s32 $0xFFFFC000  }
0x1f: {  	[spmem:s1] =	stream.indirect.scatter.add.f32 [tilespmem:s22], [sflag:$0x6], $0x80, s13, s20, $0xb8;
	[tilespmem:$0x1EC00] =	vst v63  }
0x20: {  	_ =	swait.ge [sflag:s28], $0x4000  }
0x21: {  	[sflag:s28] =	ssyncset.done $0x0  }
0x22: {  	[sflag:s28] =	ssyncadd.s32 $0xFFFFC000  }
0x23: {  	[bflag:$0x0] =	sbarrier.arrive $0xFFFF  }
0x24: {  	s17 =	rddreg [dreg:$0x8]  }
0x25: {  	s18 =	rddreg [dreg:$0xc]  }
0x26: {  	s25 =	rddreg [dreg:$0xd]  }
0x27: {  	[hbm:s17], [sflag:s18] =	dma.local [spmem:s25], $0x2780  }
0x28: {  	s17 =	simm.s32 $0x7  }
0x29: {  	_ =	swait.ge [sflag:s17], $0x2780  }
0x2a: {  	s16 =	rddreg [dreg:$0xe]  }
0x2b: {  	s29 =	rddreg [dreg:$0x9];
	s16 =	sadd.s32 $0x1, s16  }
0x2c: {  	p0 =	sne.s32 s16, s29  }
.Ltmp1:
0x2d: {  	_ = 	snop;
	(pc) =	sbr.rel @!p0 .LBB2_5-.Ltmp1, $3  }
0x2e: {  	_ =	sdelay $0x1  }
0x2f: {  	[sflag:s17] =	ssyncset.done $0x0  }
0x30: {  	[sflag:s17] =	ssyncadd.s32 $0xFFFFD880  }
.LBB2_1:
0x31: {  	[dreg:$0xe] =	wrdreg s16  }
0x32: {  	s13 =	rddreg [dreg:$0x5]  }
0x33: {  	[tilespmem:s3], [sflag:$0x1] =	stream.linear.gather [hbm4b:s13+s3], $0x400, $0x38;
	[tilespmem:$0x1EC00] =	vst v63  }
0x34: {  	s29 =	rddreg [dreg:$0x6]  }
0x35: {  	[tilespmem:s14], [sflag:$0x2] =	stream.linear.gather [hbm4b:s29+s3], $0x400, $0x38;
	[tilespmem:$0x1EC00] =	vst v63  }
0x36: {  	s16 =	rddreg [dreg:$0x7];
	s29 =	simm.s32 $0x800  }
0x37: {  	[tilespmem:s29], [sflag:$0x7] =	stream.linear.gather [hbm4b:s16+s3], $0x2800, $0x38;
	[tilespmem:$0x1EC00] =	vst v63  }
0x38: {  	_ =	swait.ge [sflag:s17], $0x2800  }
0x39: {  	[sflag:s17] =	ssyncset.done $0x0  }
0x3a: {  	s29 =	rddreg [dreg:$0x4];
	[sflag:s17] =	ssyncadd.s32 $0xFFFFD800  }
0x3b: {  	[spmem:s25], [sflag:s18] =	dma.local [hbm:s29], $0x2780  }
0x3c: {  	_ =	swait.ge [sflag:s17], $0x2780  }
0x3d: {  	[sflag:s17] =	ssyncset.done $0x0  }
0x3e: {  	[sflag:s17] =	ssyncadd.s32 $0xFFFFD880  }
0x3f: {  	[bflag:$0x0] =	sbarrier.arrive $0xFFFF  }
0x40: {  	_ =	swait.ge [sflag:s19], $0x400  }
0x41: {  	[sflag:s19] =	ssyncset.done $0x0;
	s18 =	rddreg [dreg:$0xb]  }
0x42: {  	s17 =	simm.s32 $0x0;
	s16 =	rddreg [dreg:$0xa];
	[sflag:s19] =	ssyncadd.s32 $0xFFFFFC00  }
0x43: {  	[tilespmem:s21], [sflag:$0x3] =	stream.indirect.gather [hbm4b:s4+s20], $0x80, s3, s20, $0xb8;
	[tilespmem:$0x1EC00] =	vst v63  }
.LBB2_2:
0x44: {  	p0 =	seq.s32 s17, $0x0  }
0x45: {  	s13 =	simm.s32 @!p0 $0x6  }
0x46: {  	_ =	swait.ge @!p0 [sflag:s13], $0x4000  }
0x47: {  	[sflag:s13] =	ssyncset.done @!p0 $0x0  }
0x48: {  	[sflag:s13] =	ssyncadd.s32 @!p0 $0xFFFFC000  }
0x49: {  	[tilespmem:s22], [sflag:$0x4] =	stream.indirect.gather [hbm4b:s4+s20], $0x80, s20, s20, $0xb8;
	[tilespmem:$0x1EC00] =	vst v63  }
0x4a: {  	_ =	swait.ge [sflag:s23], $0x4000  }
0x4b: {  	s13 =	sshra.s32 s17, $0x2;
	[sflag:s23] =	ssyncset.done $0x0  }
0x4c: {  	s25 =	sadd.s32 $0x800, s13;
	[sflag:s23] =	ssyncadd.s32 $0xFFFFC000  }
0x4d: {  	[spmem:s1] =	stream.indirect.scatter.add.f32 [tilespmem:s21], [sflag:$0x5], $0x80, s25, s20, $0xb8;
	[tilespmem:$0x1EC00] =	vst v63  }
0x4e: {  	_ =	swait.ge [sflag:s24], $0x4000  }
0x4f: {  	[sflag:s24] =	ssyncset.done $0x0  }
0x50: {  	s29 =	simm.s32 $0x100;
	[sflag:s24] =	ssyncadd.s32 $0xFFFFC000  }
0x51: {  	[tilespmem:s21], [sflag:$0x3] =	stream.indirect.gather [hbm4b:s4+s20], $0x80, s29, s20, $0xb8;
	[tilespmem:$0x1EC00] =	vst v63  }
0x52: {  	_ =	swait.ge [sflag:s26], $0x4000  }
0x53: {  	[sflag:s26] =	ssyncset.done $0x0  }
0x54: {  	s29 =	sadd.s32 $0x880, s13;
	[sflag:s26] =	ssyncadd.s32 $0xFFFFC000  }
0x55: {  	[spmem:s1] =	stream.indirect.scatter.add.f32 [tilespmem:s22], [sflag:$0x6], $0x80, s29, s20, $0xb8;
	[tilespmem:$0x1EC00] =	vst v63  }
0x56: {  	_ =	swait.ge [sflag:s28], $0x4000  }
0x57: {  	[sflag:s28] =	ssyncset.done $0x0  }
0x58: {  	s29 =	simm.s32 $0x180;
	[sflag:s28] =	ssyncadd.s32 $0xFFFFC000  }
0x59: {  	[tilespmem:s22], [sflag:$0x4] =	stream.indirect.gather [hbm4b:s4+s20], $0x80, s29, s20, $0xb8;
	[tilespmem:$0x1EC00] =	vst v63  }
0x5a: {  	_ =	swait.ge [sflag:s23], $0x4000  }
0x5b: {  	[sflag:s23] =	ssyncset.done $0x0  }
0x5c: {  	s29 =	sadd.s32 $0x900, s13;
	[sflag:s23] =	ssyncadd.s32 $0xFFFFC000  }
0x5d: {  	[spmem:s1] =	stream.indirect.scatter.add.f32 [tilespmem:s21], [sflag:$0x5], $0x80, s29, s20, $0xb8;
	[tilespmem:$0x1EC00] =	vst v63  }
0x5e: {  	_ =	swait.ge [sflag:s24], $0x4000  }
0x5f: {  	[sflag:s24] =	ssyncset.done $0x0  }
0x60: {  	[sflag:s24] =	ssyncadd.s32 $0xFFFFC000  }
0x61: {  	[tilespmem:s21], [sflag:$0x3] =	stream.indirect.gather [hbm4b:s4+s20], $0x80, s30, s20, $0xb8;
	[tilespmem:$0x1EC00] =	vst v63  }
0x62: {  	_ =	swait.ge [sflag:s26], $0x4000  }
0x63: {  	[sflag:s26] =	ssyncset.done $0x0  }
0x64: {  	s29 =	sadd.s32 $0x980, s13;
	[sflag:s26] =	ssyncadd.s32 $0xFFFFC000  }
0x65: {  	[spmem:s1] =	stream.indirect.scatter.add.f32 [tilespmem:s22], [sflag:$0x6], $0x80, s29, s20, $0xb8;
	[tilespmem:$0x1EC00] =	vst v63  }
0x66: {  	_ =	swait.ge [sflag:s28], $0x4000  }
0x67: {  	[sflag:s28] =	ssyncset.done $0x0  }
0x68: {  	[sflag:s28] =	ssyncadd.s32 $0xFFFFC000  }
0x69: {  	[tilespmem:s22], [sflag:$0x4] =	stream.indirect.gather [hbm4b:s4+s20], $0x80, s31, s20, $0xb8;
	[tilespmem:$0x1EC00] =	vst v63  }
0x6a: {  	_ =	swait.ge [sflag:s23], $0x4000  }
0x6b: {  	[sflag:s23] =	ssyncset.done $0x0  }
0x6c: {  	s29 =	sadd.s32 $0xA00, s13;
	[sflag:s23] =	ssyncadd.s32 $0xFFFFC000  }
0x6d: {  	[spmem:s1] =	stream.indirect.scatter.add.f32 [tilespmem:s21], [sflag:$0x5], $0x80, s29, s20, $0xb8;
	[tilespmem:$0x1EC00] =	vst v63  }
0x6e: {  	_ =	swait.ge [sflag:s24], $0x4000  }
0x6f: {  	[sflag:s24] =	ssyncset.done $0x0  }
0x70: {  	[sflag:s24] =	ssyncadd.s32 $0xFFFFC000  }
0x71: {  	[tilespmem:s21], [sflag:$0x3] =	stream.indirect.gather [hbm4b:s4+s20], $0x80, s0, s20, $0xb8;
	[tilespmem:$0x1EC00] =	vst v63  }
0x72: {  	_ =	swait.ge [sflag:s26], $0x4000  }
0x73: {  	[sflag:s26] =	ssyncset.done $0x0  }
0x74: {  	s29 =	sadd.s32 $0xA80, s13;
	[sflag:s26] =	ssyncadd.s32 $0xFFFFC000  }
0x75: {  	[spmem:s1] =	stream.indirect.scatter.add.f32 [tilespmem:s22], [sflag:$0x6], $0x80, s29, s20, $0xb8;
	[tilespmem:$0x1EC00] =	vst v63  }
0x76: {  	_ =	swait.ge [sflag:s28], $0x4000  }
0x77: {  	[sflag:s28] =	ssyncset.done $0x0  }
0x78: {  	[sflag:s28] =	ssyncadd.s32 $0xFFFFC000  }
0x79: {  	[tilespmem:s22], [sflag:$0x4] =	stream.indirect.gather [hbm4b:s4+s20], $0x80, s2, s20, $0xb8;
	[tilespmem:$0x1EC00] =	vst v63  }
0x7a: {  	_ =	swait.ge [sflag:s23], $0x4000  }
0x7b: {  	[sflag:s23] =	ssyncset.done $0x0  }
0x7c: {  	s29 =	sadd.s32 $0xB00, s13;
	[sflag:s23] =	ssyncadd.s32 $0xFFFFC000  }
0x7d: {  	[spmem:s1] =	stream.indirect.scatter.add.f32 [tilespmem:s21], [sflag:$0x5], $0x80, s29, s20, $0xb8;
	[tilespmem:$0x1EC00] =	vst v63  }
0x7e: {  	_ =	swait.ge [sflag:s24], $0x4000  }
0x7f: {  	[sflag:s24] =	ssyncset.done $0x0  }
0x80: {  	[sflag:s24] =	ssyncadd.s32 $0xFFFFC000  }
0x81: {  	_ =	swait.ge [sflag:s15], $0x400  }
0x82: {  	[sflag:s15] =	ssyncset.done $0x0  }
0x83: {  	[sflag:s15] =	ssyncadd.s32 $0xFFFFFC00  }
0x84: {  	[tilespmem:s21], [sflag:$0x3] =	stream.indirect.gather [hbm4b:s4+s20], $0x80, s14, s20, $0xb8;
	[tilespmem:$0x1EC00] =	vst v63  }
0x85: {  	_ =	swait.ge [sflag:s26], $0x4000  }
0x86: {  	p0 =	seq.s32 s17, $0x8000;
	[sflag:s26] =	ssyncset.done $0x0  }
0x87: {  	s25 =	sshrl.u32 @!p0 s18, $0x3;
	s29 =	sadd.s32 $0xB80, s13;
	[sflag:s26] =	ssyncadd.s32 $0xFFFFC000  }
0x88: {  	[spmem:s1] =	stream.indirect.scatter.add.f32 [tilespmem:s22], [sflag:$0x6], $0x80, s29, s20, $0xb8;
	[tilespmem:$0x1EC00] =	vst v63  }
0x89: {  	s25 =	sadd.s32 @!p0 s5, s25;
	s29 =	simm.s32 @!p0 $0x0  }
0x8a: {  	[tilespmem:s29], [sflag:$0x1] =	stream.linear.gather @!p0 [hbm4b:s25+s29], $0x400, $0x38;
	[tilespmem:$0x1EC00] =	vst v63  }
0x8b: {  	_ =	swait.ge [sflag:s28], $0x4000  }
0x8c: {  	[sflag:s28] =	ssyncset.done $0x0  }
0x8d: {  	[sflag:s28] =	ssyncadd.s32 $0xFFFFC000  }
0x8e: {  	[tilespmem:s22], [sflag:$0x4] =	stream.indirect.gather [hbm4b:s4+s20], $0x80, s6, s20, $0xb8;
	[tilespmem:$0x1EC00] =	vst v63  }
0x8f: {  	_ =	swait.ge [sflag:s23], $0x4000  }
0x90: {  	[sflag:s23] =	ssyncset.done $0x0  }
0x91: {  	s29 =	sadd.s32 $0xC00, s13;
	[sflag:s23] =	ssyncadd.s32 $0xFFFFC000  }
0x92: {  	[spmem:s1] =	stream.indirect.scatter.add.f32 [tilespmem:s21], [sflag:$0x5], $0x80, s29, s20, $0xb8;
	[tilespmem:$0x1EC00] =	vst v63  }
0x93: {  	_ =	swait.ge [sflag:s24], $0x4000  }
0x94: {  	[sflag:s24] =	ssyncset.done $0x0  }
0x95: {  	[sflag:s24] =	ssyncadd.s32 $0xFFFFC000  }
0x96: {  	[tilespmem:s21], [sflag:$0x3] =	stream.indirect.gather [hbm4b:s4+s20], $0x80, s8, s20, $0xb8;
	[tilespmem:$0x1EC00] =	vst v63  }
0x97: {  	_ =	swait.ge [sflag:s26], $0x4000  }
0x98: {  	[sflag:s26] =	ssyncset.done $0x0  }
0x99: {  	s29 =	sadd.s32 $0xC80, s13;
	[sflag:s26] =	ssyncadd.s32 $0xFFFFC000  }
0x9a: {  	[spmem:s1] =	stream.indirect.scatter.add.f32 [tilespmem:s22], [sflag:$0x6], $0x80, s29, s20, $0xb8;
	[tilespmem:$0x1EC00] =	vst v63  }
0x9b: {  	_ =	swait.ge [sflag:s28], $0x4000  }
0x9c: {  	[sflag:s28] =	ssyncset.done $0x0  }
0x9d: {  	[sflag:s28] =	ssyncadd.s32 $0xFFFFC000  }
0x9e: {  	[tilespmem:s22], [sflag:$0x4] =	stream.indirect.gather [hbm4b:s4+s20], $0x80, s9, s20, $0xb8;
	[tilespmem:$0x1EC00] =	vst v63  }
0x9f: {  	_ =	swait.ge [sflag:s23], $0x4000  }
0xa0: {  	[sflag:s23] =	ssyncset.done $0x0  }
0xa1: {  	s29 =	sadd.s32 $0xD00, s13;
	[sflag:s23] =	ssyncadd.s32 $0xFFFFC000  }
0xa2: {  	[spmem:s1] =	stream.indirect.scatter.add.f32 [tilespmem:s21], [sflag:$0x5], $0x80, s29, s20, $0xb8;
	[tilespmem:$0x1EC00] =	vst v63  }
0xa3: {  	_ =	swait.ge [sflag:s24], $0x4000  }
0xa4: {  	[sflag:s24] =	ssyncset.done $0x0  }
0xa5: {  	[sflag:s24] =	ssyncadd.s32 $0xFFFFC000  }
0xa6: {  	[tilespmem:s21], [sflag:$0x3] =	stream.indirect.gather [hbm4b:s4+s20], $0x80, s7, s20, $0xb8;
	[tilespmem:$0x1EC00] =	vst v63  }
0xa7: {  	_ =	swait.ge [sflag:s26], $0x4000  }
0xa8: {  	[sflag:s26] =	ssyncset.done $0x0  }
0xa9: {  	s29 =	sadd.s32 $0xD80, s13;
	[sflag:s26] =	ssyncadd.s32 $0xFFFFC000  }
0xaa: {  	[spmem:s1] =	stream.indirect.scatter.add.f32 [tilespmem:s22], [sflag:$0x6], $0x80, s29, s20, $0xb8;
	[tilespmem:$0x1EC00] =	vst v63  }
0xab: {  	_ =	swait.ge [sflag:s28], $0x4000  }
0xac: {  	[sflag:s28] =	ssyncset.done $0x0  }
0xad: {  	[sflag:s28] =	ssyncadd.s32 $0xFFFFC000  }
0xae: {  	[tilespmem:s22], [sflag:$0x4] =	stream.indirect.gather [hbm4b:s4+s20], $0x80, s10, s20, $0xb8;
	[tilespmem:$0x1EC00] =	vst v63  }
0xaf: {  	_ =	swait.ge [sflag:s23], $0x4000  }
0xb0: {  	[sflag:s23] =	ssyncset.done $0x0  }
0xb1: {  	s29 =	sadd.s32 $0xE00, s13;
	[sflag:s23] =	ssyncadd.s32 $0xFFFFC000  }
0xb2: {  	[spmem:s1] =	stream.indirect.scatter.add.f32 [tilespmem:s21], [sflag:$0x5], $0x80, s29, s20, $0xb8;
	[tilespmem:$0x1EC00] =	vst v63  }
0xb3: {  	_ =	swait.ge [sflag:s24], $0x4000  }
0xb4: {  	[sflag:s24] =	ssyncset.done $0x0  }
0xb5: {  	[sflag:s24] =	ssyncadd.s32 $0xFFFFC000  }
0xb6: {  	[tilespmem:s21], [sflag:$0x3] =	stream.indirect.gather [hbm4b:s4+s20], $0x80, s11, s20, $0xb8;
	[tilespmem:$0x1EC00] =	vst v63  }
0xb7: {  	_ =	swait.ge [sflag:s26], $0x4000  }
0xb8: {  	[sflag:s26] =	ssyncset.done $0x0  }
0xb9: {  	s29 =	sadd.s32 $0xE80, s13;
	[sflag:s26] =	ssyncadd.s32 $0xFFFFC000  }
0xba: {  	[spmem:s1] =	stream.indirect.scatter.add.f32 [tilespmem:s22], [sflag:$0x6], $0x80, s29, s20, $0xb8;
	[tilespmem:$0x1EC00] =	vst v63  }
0xbb: {  	_ =	swait.ge [sflag:s28], $0x4000  }
0xbc: {  	[sflag:s28] =	ssyncset.done $0x0  }
0xbd: {  	[sflag:s28] =	ssyncadd.s32 $0xFFFFC000  }
0xbe: {  	[tilespmem:s22], [sflag:$0x4] =	stream.indirect.gather [hbm4b:s4+s20], $0x80, s12, s20, $0xb8;
	[tilespmem:$0x1EC00] =	vst v63  }
0xbf: {  	_ =	swait.ge [sflag:s23], $0x4000  }
0xc0: {  	[sflag:s23] =	ssyncset.done $0x0  }
.Ltmp2:
0xc1: {  	s29 =	sadd.s32 $0xF00, s13;
	[sflag:s23] =	ssyncadd.s32 $0xFFFFC000;
	(pc) =	sbr.rel @p0 .LBB2_4-.Ltmp2, $4  }
0xc2: {  	[spmem:s1] =	stream.indirect.scatter.add.f32 [tilespmem:s21], [sflag:$0x5], $0x80, s29, s20, $0xb8;
	[tilespmem:$0x1EC00] =	vst v63  }
0xc3: {  	_ =	swait.ge [sflag:s24], $0x4000  }
0xc4: {  	[sflag:s24] =	ssyncset.done $0x0  }
0xc5: {  	s13 =	sadd.s32 $0xF80, s13;
	[sflag:s24] =	ssyncadd.s32 $0xFFFFC000  }
0xc6: {  	_ =	swait.ge [sflag:s19], $0x400  }
0xc7: {  	[sflag:s19] =	ssyncset.done $0x0  }
0xc8: {  	[sflag:s19] =	ssyncadd.s32 $0xFFFFFC00  }
0xc9: {  	[tilespmem:s21], [sflag:$0x3] =	stream.indirect.gather [hbm4b:s4+s20], $0x80, s3, s20, $0xb8;
	[tilespmem:$0x1EC00] =	vst v63  }
0xca: {  	_ =	swait.ge [sflag:s26], $0x4000  }
0xcb: {  	[sflag:s26] =	ssyncset.done $0x0  }
.Ltmp3:
0xcc: {  	[sflag:s26] =	ssyncadd.s32 $0xFFFFC000;
	(pc) =	sbr.rel .LBB2_2-.Ltmp3, $4  }
0xcd: {  	[spmem:s1] =	stream.indirect.scatter.add.f32 [tilespmem:s22], [sflag:$0x6], $0x80, s13, s20, $0xb8;
	[tilespmem:$0x1EC00] =	vst v63  }
0xce: {  	_ = 	snop  }
0xcf: {  	[tilespmem:s14], [sflag:$0x2] =	stream.linear.gather [hbm4b:s16+s3], $0x400, $0x38;
	[tilespmem:$0x1EC00] =	vst v63  }
0xd0: {  	s18 =	sadd.s32 $0x800, s18;
	s17 =	sadd.s32 $0x2000, s17;
	s16 =	sadd.s32 $0x100, s16  }
.LBB2_5:
0xd1: {  	_ =	sfence.sel $0x180000  }
0xd2: {  	[bflag:$0x0] =	sbarrier.arrive $0xFFFF  }
0xd3: {  	_ =	strace $0x9000004D  }
0xd4: {  	s0 =	stileid.u32;
	[bflag:$0x2] =	sbarrier.arrive $0xFFFF  }
0xd5: {  	p0 =	sne.s32 s0, $0x0;
	s0 =	rddreg [dreg:$0x3]  }
0xd6: {  	s0 =	sadd.s32 @!p0 $0x100000, s0  }
0xd7: {  	[sflag:s0] =	ssyncadd.tile.s32 @!p0 $0x1;
	_ =	shalt  }
.Lfunc_end2:
_tile_overlayer_lowered:
.L_overlay_start_2:
0xd8: {  	(tag) =	ssettag $0x2  }
0xd9: {  	s0 =	rddreg [dreg:$0x0];
	s2 =	stileid.u32  }
0xda: {  	s1 =	rddreg [dreg:$0x1];
	p0 =	sne.s32 s2, $0x0  }
0xdb: {  	s3 =	rddreg [dreg:$0x2];
	[bflag:$0x3] =	sbarrier.arrive $0xFFFF;
	s2 =	simm.s32 @!p0 $0x1C07  }
0xdc: {  	[timem:s3], [sflag:s2] =	dma.local @!p0 [hbm:s0], s1  }
0xdd: {  	s0 =	simm.s32 @!p0 $0x7  }
0xde: {  	_ =	swait.ge @!p0 [sflag:s0], s1  }
0xdf: {  	s1 =	ssub.s32 @!p0 $0x0, s1;
	[sflag:s0] =	ssyncset.done @!p0 $0x0  }
0xe0: {  	[sflag:s0] =	ssyncadd.s32 @!p0 s1  }
0xe1: {  	[bflag:$0x3] =	sbarrier.arrive $0xFFFF  }
0xe2: {  	_ =	shalt  }

// kernel: kernel.8.cloned.1.call-start
scs
__scs_entry_jumppad:
0x0: {  	(pc) =	sbr.rel $0x88, $3  }
0x1: {  	(tag) =	ssettag $0x0;
	lr =	simm.s32 $0x1  }
0x2: {  	[smem:$0x3F9B] =	sst lr;
	_ =	strace $0xD0000000  }
0x3: {  	_ = 	snop  }
0x4: {  	_ = 	snop  }
0x5: {  	_ = 	snop  }
0x6: {  	_ = 	snop  }
0x7: {  	_ = 	snop  }
__scs_overlays_trampoline_lowered:
0x8: {  	[smem:$0x3FAA] =	sst s0  }
0x9: {  	[smem:$0x3FAB] =	sst s1  }
0xa: {  	[smem:$0x3FAC] =	sst s2  }
0xb: {  	[smem:$0x3FAD] =	sst s3  }
0xc: {  	[smem:$0x3FAE] =	sst s4  }
0xd: {  	[smem:$0x3FAF] =	sst s5  }
0xe: {  	[smem:$0x3FB0] =	sst s6  }
0xf: {  	[smem:$0x3FB1] =	sst s7  }
0x10: {  	[smem:$0x3FB2] =	sst s8  }
0x11: {  	[smem:$0x3FB3] =	sst s9;
	s0 =	simm.s32 @!p0 $0x0  }
0x12: {  	s1 =	sld [smem:$0x3F99];
	s0 =	simm.s32 @p0 $0x1  }
0x13: {  	[smem:$0x3FB4] =	sst s0;
	s0 =	simm.s32 @!p1 $0x0  }
0x14: {  	s2 =	sld [smem:$0x3F98];
	s0 =	simm.s32 @p1 $0x1  }
0x15: {  	[smem:$0x3FB5] =	sst s0;
	s0 =	simm.s32 @!p2 $0x0  }
0x16: {  	s3 =	sld [smem:$0x3FDB];
	s0 =	simm.s32 @p2 $0x1  }
0x17: {  	s4 =	simm.s32 $0x1BF5;
	[smem:$0x3FB7] =	sst s0  }
0x18: {  	s0 =	sld [smem:$0x3F9A];
	_ =	swait.ge [sflag:s4], $0x0  }
0x19: {  	s7 =	sld [smem:$0x3F9B]  }
0x1a: {  	s8 =	sadd.s32 $0xFFFFE003, lr  }
0x1b: {  	s9 =	sadd.s32 $0xFFFFFEF7, lr;
	s5 =	simm.s32 $0xFFFFFFFF;
	p2 =	slt.u32 s8, $0xFFFFF086  }
0x1c: {  	p1 =	slt.u32 s9, $0xF7A;
	s5 =	simm.s32 @!p2 $0x0  }
0x1d: {  	s5 =	simm.s32 @p1 $0x1;
	p0 =	seq.s32 s7, s2  }
0x1e: {  	s7 =	smul.u32 @!p0 $0xF7A, s2;
	p2 =	seq.s32 @!p0 s5, $0x0  }
0x1f: {  	s9 =	smul.u32 $0xF7A, s1;
	s8 =	simm.s32 @!p0 $0x1BF5;
	p2 =	por !p2, p0  }
0x20: {  	[sflag:s8] =	ssyncset.s32 @!p0 $0xFFFFF086;
	s6 =	sadd.s32 @!p0 s3, s7;
	s7 =	simm.s32 @!p0 $0x108  }
0x21: {  	s3 =	sadd.s32 s3, s9;
	s6 =	sadd.s32 @!p0 $0x88, s6;
	s7 =	simm.s32 @p2 $0x1082  }
0x22: {  	[simem:s7], [sflag:s8] =	dma.local @!p0 [hbm:s6], $0xF7A  }
0x23: {  	s9 =	sor.u32 $0xD0000000, s2;
	s6 =	simm.s32 $0x108;
	_ =	swait.ge @!p0 [sflag:s8], $0x0  }
0x24: {  	s3 =	sadd.s32 $0x88, s3;
	s6 =	simm.s32 @!p1 $0x1082;
	[sflag:s4] =	ssyncset.s32 $0xFFFFF086  }
0x25: {  	[simem:s6], [sflag:s4] =	dma.local [hbm:s3], $0xF7A  }
0x26: {  	[smem:$0x3F9B] =	sst s1;
	(tag) =	ssettag s2;
	_ =	strace s9  }
0x27: {  	s1 =	sld [smem:$0x3FAB]  }
0x28: {  	s2 =	sld [smem:$0x3FAC]  }
0x29: {  	s4 =	sld [smem:$0x3FAE]  }
0x2a: {  	p0 =	seq.s32 s5, $0x0;
	s5 =	sld [smem:$0x3FAF]  }
0x2b: {  	s6 =	sld [smem:$0x3FB0]  }
0x2c: {  	s7 =	sld [smem:$0x3FB1]  }
0x2d: {  	s3 =	simm.s32 $0x108;
	s8 =	sld [smem:$0x3FB2]  }
0x2e: {  	s3 =	simm.s32 @!p0 $0x1082;
	s9 =	sld [smem:$0x3FB3]  }
0x2f: {  	lr =	sadd.s32 s0, s3;
	s0 =	sld [smem:$0x3FAA]  }
0x30: {  	s3 =	sld [smem:$0x3FAD]  }
0x31: {  	[smem:$0x3FB6] =	sst s10  }
0x32: {  	s10 =	sld [smem:$0x3FB4];
	_ =	sdelay $0x3  }
0x33: {  	p0 =	seq.s32 s10, $0x1;
	s10 =	sld [smem:$0x3FB6];
	_ =	sdelay $0x3  }
0x34: {  	[smem:$0x3FB6] =	sst s10  }
0x35: {  	s10 =	sld [smem:$0x3FB5];
	_ =	sdelay $0x3  }
0x36: {  	p1 =	seq.s32 s10, $0x1;
	s10 =	sld [smem:$0x3FB6];
	_ =	sdelay $0x3  }
0x37: {  	[smem:$0x3FB6] =	sst s10  }
0x38: {  	s10 =	sld [smem:$0x3FB7]  }
0x39: {  	_ = 	snop;
	(pc) =	sbr.ind lr, $3  }
0x3a: {  	_ = 	snop  }
0x3b: {  	_ = 	snop  }
0x3c: {  	p2 =	seq.s32 s10, $0x1;
	s10 =	sld [smem:$0x3FB6]  }
0x3d: {  	_ =	shalt  }
0x3e: {  	_ =	shalt  }
0x3f: {  	_ =	shalt  }
0x40: {  	_ =	shalt  }
0x41: {  	_ =	shalt  }
0x42: {  	_ =	shalt  }
0x43: {  	_ =	shalt  }
0x44: {  	_ =	shalt  }
0x45: {  	_ =	shalt  }
0x46: {  	_ =	shalt  }
0x47: {  	_ =	shalt  }
0x48: {  	_ =	shalt  }
0x49: {  	_ =	shalt  }
0x4a: {  	_ =	shalt  }
0x4b: {  	_ =	shalt  }
0x4c: {  	_ =	shalt  }
0x4d: {  	_ =	shalt  }
0x4e: {  	_ =	shalt  }
0x4f: {  	_ =	shalt  }
0x50: {  	_ =	shalt  }
0x51: {  	_ =	shalt  }
0x52: {  	_ =	shalt  }
0x53: {  	_ =	shalt  }
0x54: {  	_ =	shalt  }
0x55: {  	_ =	shalt  }
0x56: {  	_ =	shalt  }
0x57: {  	_ =	shalt  }
0x58: {  	_ =	shalt  }
0x59: {  	_ =	shalt  }
0x5a: {  	_ =	shalt  }
0x5b: {  	_ =	shalt  }
0x5c: {  	_ =	shalt  }
0x5d: {  	_ =	shalt  }
0x5e: {  	_ =	shalt  }
0x5f: {  	_ =	shalt  }
0x60: {  	_ =	shalt  }
0x61: {  	_ =	shalt  }
0x62: {  	_ =	shalt  }
0x63: {  	_ =	shalt  }
0x64: {  	_ =	shalt  }
0x65: {  	_ =	shalt  }
0x66: {  	_ =	shalt  }
0x67: {  	_ =	shalt  }
0x68: {  	_ =	shalt  }
0x69: {  	_ =	shalt  }
0x6a: {  	_ =	shalt  }
0x6b: {  	_ =	shalt  }
0x6c: {  	_ =	shalt  }
0x6d: {  	_ =	shalt  }
0x6e: {  	_ =	shalt  }
0x6f: {  	_ =	shalt  }
0x70: {  	_ =	shalt  }
0x71: {  	_ =	shalt  }
0x72: {  	_ =	shalt  }
0x73: {  	_ =	shalt  }
0x74: {  	_ =	shalt  }
0x75: {  	_ =	shalt  }
0x76: {  	_ =	shalt  }
0x77: {  	_ =	shalt  }
0x78: {  	_ =	shalt  }
0x79: {  	_ =	shalt  }
0x7a: {  	_ =	shalt  }
0x7b: {  	_ =	shalt  }
0x7c: {  	_ =	shalt  }
0x7d: {  	_ =	shalt  }
0x7e: {  	_ =	shalt  }
0x7f: {  	_ =	shalt  }
0x80: {  	_ =	shalt  }
0x81: {  	_ =	shalt  }
0x82: {  	_ =	shalt  }
0x83: {  	_ =	shalt  }
0x84: {  	_ =	shalt  }
0x85: {  	_ =	shalt  }
0x86: {  	_ =	shalt  }
0x87: {  	_ =	shalt  }
.Lfunc_end0:
.L_simem_size_0:
called_computation_lowered:
.L_overlay_start_0:
0x88: {  	s2 =	sld [smem:$0x3FD9]  }
0x89: {  	s3 =	sld [smem:$0x3FFE];
	_ =	sdelay $0x1  }
0x8a: {  	s1 =	srdreg.scid  }
0x8b: {  	s0 =	sand.u32 $0x1, s1  }
0x8c: {  	s17 =	sshll.u32 s0, $0xA;
	s2 =	sadd.s32 s3, s2  }
0x8d: {  	s2 =	sadd.s32 s2, s17  }
0x8e: {  	[smem:$0x3FC2] =	sst s2  }
0x8f: {  	_ = 	snop  }
0x90: {  	s2 =	sld [smem:$0x3FD0];
	(tm) =	ssettm $0x1  }
0x91: {  	s18 =	sld [smem:$0x3FFB];
	_ =	sdelay $0x3  }
0x92: {  	_ =	strace s18  }
0x93: {  	s3 =	sld [smem:$0x3FFC];
	_ =	sdelay $0x3  }
0x94: {  	_ =	strace s3  }
0x95: {  	s3 =	sld [smem:$0x3FFD];
	_ =	sdelay $0x3  }
0x96: {  	_ =	strace s3  }
0x97: {  	_ =	strace $0x8FFFFFFF  }
0x98: {  	s19 =	sld [smem:$0x3FDB];
	_ =	sdelay $0x1  }
0x99: {  	s4 =	simm.s32 $_scs_section_size  }
0x9a: {  	s5 =	simm.s32 $_size__tile_overlayer_lowered;
	s6 =	simm.s32 $_tile_overlayer_lowered  }
0x9b: {  	s22 =	simm.s32 $0x1BFF;
	s21 =	sshll.u32 s6, $0x1;
	s3 =	sadd.s32 s4, s19  }
0x9c: {  	s7 =	simm.s32 $0x0;
	s20 =	sshll.u32 s5, $0x1;
	s5 =	sadd.s32 s21, s3  }
0x9d: {  	[timem:s7], [sflag:s22] =	dma.local [hbm:s5], s20  }
0x9e: {  	_ =	swait.ge [sflag:s22], s20  }
0x9f: {  	s4 =	ssub.s32 $0x0, s20;
	[sflag:s22] =	ssyncset.done $0x0  }
0xa0: {  	[sflag:s22] =	ssyncadd.s32 s4;
	_ =	sdelay $0x1  }
0xa1: {  	s23 =	simm.s32 $0x1B8B  }
0xa2: {  	_ =	swait.ge [sflag:s23], $0x1  }
0xa3: {  	[sflag:s23] =	ssyncset.done $0x0  }
0xa4: {  	s25 =	simm.s32 $0x1B8E;
	s24 =	sld [smem:$0x3FFE];
	[sflag:s23] =	ssyncadd.s32 $0xFFFFFFFF  }
0xa5: {  	s26 =	simm.s32 $execute0_lowered;
	[smem:$0x3FD2] =	sst s25  }
0xa6: {  	s5 =	sshll.u32 s26, $0x1;
	_ =	strace $0x80000046;
	[dreg:$0x1] =	wrdreg $0xFFFFFFFF  }
0xa7: {  	s28 =	simm.s32 $_size_execute0_lowered;
	s3 =	sadd.s32 s3, s5;
	[dreg:$0x0] =	wrdreg $0x0  }
0xa8: {  	s5 =	sshll.u32 s28, $0x1;
	[dreg:$0x2] =	wrdreg s3  }
0xa9: {  	[dreg:$0x3] =	wrdreg s5  }
0xaa: {  	[dreg:$0x4] =	wrdreg $0xC0  }
0xab: {  	_ =	task [dreg:s7], $0x5FFFF  }
0xac: {  	[dreg:$0x1] =	wrdreg $0xFFFFFFFF  }
0xad: {  	[dreg:$0x0] =	wrdreg $0x60  }
0xae: {  	[dreg:$0x2] =	wrdreg s2  }
0xaf: {  	[dreg:$0x3] =	wrdreg s24  }
0xb0: {  	[dreg:$0x4] =	wrdreg $0x9  }
0xb1: {  	_ =	task.clear_ibuf [dreg:s7], $0x5FFFF;
	_ =	strace $0x90000046  }
0xb2: {  	s29 =	simm.s32 $0x9;
	_ =	strace $0x80000048  }
0xb3: {  	_ =	swait.ge [sflag:s29], $0x1  }
0xb4: {  	[sflag:s29] =	ssyncadd.s32 $0xFFFFFFFF  }
0xb5: {  	_ =	strace $0x90000048  }
0xb6: {  	_ =	sfence  }
0xb7: {  	s30 =	sld [smem:$0x0];
	_ =	sdelay $0x2  }
0xb8: {  	s31 =	sshll.u32 s1, $0xD;
	s1 =	sshrl.u32 s1, $0x2  }
0xb9: {  	s3 =	sand.u32 $0x4000, s31;
	s1 =	sadd.s32 s1, s30  }
0xba: {  	s0 =	sor.u32 s3, s0;
	s1 =	sshll.u32 s1, $0x11  }
0xbb: {  	s0 =	sor.u32 s1, s0  }
0xbc: {  	s0 =	sadd.s32 $0x8F2B, s0  }
0xbd: {  	[sflag:s0] =	ssyncadd.remote.s32 $0x1  }
0xbe: {  	_ =	sfence.sel $0xFFFF  }
0xbf: {  	[dreg:$0x0] =	wrdreg $0xFFFFFFFF;
	(pc) =	sbr.abs _section_cstart, $3  }
0xc0: {  	[dreg:$0x1] =	wrdreg $0xFFFFFFFF  }
0xc1: {  	_ =	task.clear_ibuf [dreg:s7], $0x2FFFF;
	_ =	strace $0x9FFFFFFF  }
0xc2: {  	(tm) =	ssettm $0x7FFFFFFF  }
0xc3: {  	_ =	shalt  }
tec
execute0_lowered:
.L_overlay_start_1:
0x0: {  	(tag) =	ssettag $0x1  }
0x1: {  	s1 =	srdreg.scid  }
0x2: {  	s4 =	rddreg [dreg:$0x0];
	s0 =	stileid.u32  }
0x3: {  	s5 =	rddreg [dreg:$0x1];
	s2 =	simm.s32 $0x0;
	s9 =	simm.s32 $0x80  }
0x4: {  	s10 =	simm.s32 $0x400;
	s11 =	simm.s32 $0x0;
	s3 =	sand.u32 $0x1, s1  }
0x5: {  	s7 =	sshrl.u32 s0, $0x3;
	s1 =	rddreg [dreg:$0x2];
	s6 =	smul.u32 $0x27800, s3  }
0x6: {  	[smem:$0x7FF] =	sst s2;
	s8 =	sshll.u32 s0, $0x7;
	s7 =	smul.u32 $0x13C00, s7  }
0x7: {  	s28 =	sshll.u32 s0, $0x1;
	s26 =	sand.u32 $0x380, s8;
	_ =	strace $0x80000047  }
0x8: {  	s29 =	sor.u32 s3, s28;
	s30 =	ssub.s32 $0x2, s3;
	s6 =	sadd.s32 s6, s7  }
0x9: {  	s3 =	sadd.s32 $0xC600, s5;
	s7 =	smul.u32 $0x500, s29;
	s6 =	sor.u32 s26, s6  }
0xa: {  	s8 =	simm.s32 $0x1;
	s31 =	sshrl.u32 s30, $0x1;
	s6 =	sshrl.u32 s6, $0x3  }
0xb: {  	s4 =	sadd.s32 s4, s7;
	s5 =	sadd.s32 s6, s5;
	s6 =	ssub.s32 s30, s31  }
0xc: {  	v0 =	vimm.f32 $1.000000000e+00;
	s7 =	simm.s32 $0x2800;
	s5 =	sadd.s32 $0xCC00, s5;
	s6 =	smax.u32 s6, $0x1  }
.LBB2_1:
0xd: {  	[tilespmem:s7], [sflag:$0x1] =	stream.linear.gather [hbm4b:s3+s2], $0x2780, $0x38;
	[tilespmem:$0x4F80] =	vst v63  }
0xe: {  	_ =	swait.ge [sflag:s8], $0x2780  }
0xf: {  	[sflag:s8] =	ssyncset.done $0x0  }
0x10: {  	[sflag:s8] =	ssyncadd.s32 $0xFFFFD880  }
0x11: {  	[tilespmem:s2], [sflag:$0x1] =	stream.linear.gather [hbm4b:s4+s2], $0x2800, $0x38;
	[tilespmem:$0x4F80] =	vst v63  }
0x12: {  	_ =	swait.ge [sflag:s8], $0x2800  }
0x13: {  	[sflag:s8] =	ssyncset.done $0x0  }
0x14: {  	s12 =	simm.s32 $0x0;
	[sflag:s8] =	ssyncadd.s32 $0xFFFFD800  }
.LBB2_2:
0x15: {  	s13 =	sshra.s32 s12, $0x2  }
0x16: {  	v1 =	vld [tilespmem:s13+$0x0];
	_ =	sdelay $0x7  }
0x17: {  	[tilespmem:v1+s7+$0x0] =	vst.idx.add.f32.msk $0xffff, v0  }
0x18: {  	v1 =	vld [tilespmem:s13+$0x10];
	_ =	sdelay $0x7  }
0x19: {  	[tilespmem:v1+s7+$0x0] =	vst.idx.add.f32.msk $0xffff, v0  }
0x1a: {  	v1 =	vld [tilespmem:s13+$0x20];
	_ =	sdelay $0x7  }
0x1b: {  	[tilespmem:v1+s7+$0x0] =	vst.idx.add.f32.msk $0xffff, v0  }
0x1c: {  	v1 =	vld [tilespmem:s13+$0x30];
	_ =	sdelay $0x7  }
0x1d: {  	[tilespmem:v1+s7+$0x0] =	vst.idx.add.f32.msk $0xffff, v0  }
0x1e: {  	v1 =	vld [tilespmem:s13+$0x40];
	_ =	sdelay $0x7  }
0x1f: {  	[tilespmem:v1+s7+$0x0] =	vst.idx.add.f32.msk $0xffff, v0  }
0x20: {  	v1 =	vld [tilespmem:s13+$0x50];
	_ =	sdelay $0x7  }
0x21: {  	[tilespmem:v1+s7+$0x0] =	vst.idx.add.f32.msk $0xffff, v0  }
0x22: {  	v1 =	vld [tilespmem:s13+$0x60];
	_ =	sdelay $0x7  }
0x23: {  	[tilespmem:v1+s7+$0x0] =	vst.idx.add.f32.msk $0xffff, v0  }
0x24: {  	v1 =	vld [tilespmem:s13+$0x70];
	_ =	sdelay $0x2  }
0x25: {  	p0 =	sne.s32 s12, $0x9E00  }
.Ltmp0:
0x26: {  	_ = 	snop;
	(pc) =	sbr.rel @p0 .LBB2_2-.Ltmp0, $2  }
0x27: {  	_ =	sdelay $0x2  }
0x28: {  	s12 =	sadd.s32 $0x200, s12;
	[tilespmem:v1+s7+$0x0] =	vst.idx.add.f32.msk $0xffff, v0  }
0x29: {  	s11 =	sadd.s32 $0x1, s11  }
0x2a: {  	p0 =	sne.s32 s11, s6  }
.Ltmp1:
0x2b: {  	_ = 	snop;
	(pc) =	sbr.rel @p0 .LBB2_1-.Ltmp1, $4  }
0x2c: {  	[hbm4b:s5+s9] =	stream.strided.scatter [tilespmem:s7], [sflag:$0x1], $0x2780, s10, s9, $0x38;
	[tilespmem:$0x4F80] =	vst v63  }
0x2d: {  	_ =	swait.ge [sflag:s8], $0x2780  }
0x2e: {  	[sflag:s8] =	ssyncset.done $0x0  }
0x2f: {  	[sflag:s8] =	ssyncadd.s32 $0xFFFFD880  }
0x30: {  	_ =	sfence.sel $0x180000  }
0x31: {  	[bflag:$0x0] =	sbarrier.arrive $0xFFFF  }
0x32: {  	p0 =	sne.s32 s0, $0x0;
	_ =	strace $0x90000047  }
0x33: {  	s0 =	sadd.s32 @!p0 $0x100000, s1;
	[bflag:$0x2] =	sbarrier.arrive $0xFFFF  }
0x34: {  	[sflag:s0] =	ssyncadd.tile.s32 @!p0 $0x1;
	_ =	shalt  }
.Lfunc_end2:
_tile_overlayer_lowered:
.L_overlay_start_2:
0x35: {  	(tag) =	ssettag $0x2  }
0x36: {  	s0 =	rddreg [dreg:$0x0];
	s2 =	stileid.u32  }
0x37: {  	s1 =	rddreg [dreg:$0x1];
	p0 =	sne.s32 s2, $0x0  }
0x38: {  	s3 =	rddreg [dreg:$0x2];
	[bflag:$0x3] =	sbarrier.arrive $0xFFFF;
	s2 =	simm.s32 @!p0 $0x1C01  }
0x39: {  	[timem:s3], [sflag:s2] =	dma.local @!p0 [hbm:s0], s1  }
0x3a: {  	s0 =	simm.s32 @!p0 $0x1  }
0x3b: {  	_ =	swait.ge @!p0 [sflag:s0], s1  }
0x3c: {  	s1 =	ssub.s32 @!p0 $0x0, s1;
	[sflag:s0] =	ssyncset.done @!p0 $0x0  }
0x3d: {  	[sflag:s0] =	ssyncadd.s32 @!p0 s1  }
0x3e: {  	[bflag:$0x3] =	sbarrier.arrive $0xFFFF  }
0x3f: {  	_ =	shalt  }

</sc_bundles>
